<compile_context>
chip_gen: v7x
topology: tpu7x:2x2x1
jax: 0.10.2.dev20260603
libtpu: 0.0.44.dev20260713+nightly
codegen_flags: <defaults>
</compile_context>

<pallas_src>
import functools

import jax
import jax.numpy as jnp
from jax import lax
from jax.experimental import pallas as pl
from jax.experimental.pallas import tpu as pltpu
from jax.experimental.pallas import tpu_sc as plsc

N = 10000
E = 320000
D = 128
H = 4
DH = 32

NC = 2
NS = 16
NW = NC * NS
EPW = E // NW
C = 80
NCHUNK = EPW // C

PK = 2512
RNG = 624
NROUND = 17
NPAD2 = RNG * NROUND

_f32 = jnp.float32


def _k0_body(h_ref, xp_ref, we1r_ref, we1c_ref, be1_ref, wars_ref, wacs_ref,
             sxs_ref, ur_ref, uc_ref, pr_ref, pc_ref):
    hb = h_ref[...]
    ur_ref[...] = hb @ we1r_ref[...] + be1_ref[...]
    uc_ref[...] = hb @ we1c_ref[...]
    xs = xp_ref[...] @ sxs_ref[...]
    pr_ref[...] = hb @ wars_ref[...] + xs
    pc_ref[...] = hb @ wacs_ref[...] + xs


def _run_k0(h, xpad, We1r, We1c, be1, WarS, WacS, SxS):
    bn = 1000
    grid = N // bn
    full = lambda shape: pl.BlockSpec(shape, lambda i: (0, 0))
    return pl.pallas_call(
        _k0_body,
        grid=(grid,),
        in_specs=[
            pl.BlockSpec((bn, D), lambda i: (i, 0)),
            pl.BlockSpec((bn, 8), lambda i: (i, 0)),
            full((D, D)), full((D, D)), full((1, D)),
            full((D, 16)), full((D, 16)), full((8, 16)),
        ],
        out_specs=[
            pl.BlockSpec((bn, D), lambda i: (i, 0)),
            pl.BlockSpec((bn, D), lambda i: (i, 0)),
            pl.BlockSpec((bn, 16), lambda i: (i, 0)),
            pl.BlockSpec((bn, 16), lambda i: (i, 0)),
        ],
        out_shape=[
            jax.ShapeDtypeStruct((N, D), _f32),
            jax.ShapeDtypeStruct((N, D), _f32),
            jax.ShapeDtypeStruct((N, 16), _f32),
            jax.ShapeDtypeStruct((N, 16), _f32),
        ],
    )(h, xpad, We1r, We1c, be1, WarS, WacS, SxS)


def _lane():
    return lax.broadcasted_iota(jnp.int32, (16,), 0)


def _silu(v):
    return v * (1.0 / (1.0 + jnp.exp(-v)))


_GDN = lax.GatherDimensionNumbers(
    offset_dims=(), collapsed_slice_dims=(0,), start_index_map=(0,))


def _splat(v, k):
    idx = jnp.full((16, 1), k, jnp.int32)
    return lax.gather(v, idx, _GDN, (1,),
                      mode=lax.GatherScatterMode.PROMISE_IN_BOUNDS)


def _gath(v, idx16):
    return lax.gather(v, idx16.reshape(16, 1), _GDN, (1,),
                      mode=lax.GatherScatterMode.PROMISE_IN_BOUNDS)


def _make_pass_a():
    mesh = plsc.VectorSubcoreMesh(core_axis_name="c", subcore_axis_name="s")

    @functools.partial(
        pl.kernel,
        mesh=mesh,
        compiler_params=pltpu.CompilerParams(use_tc_tiling_on_sc=False),
        out_type=[
            jax.ShapeDtypeStruct((E, D), _f32),
            jax.ShapeDtypeStruct((E, 16), _f32),
            jax.ShapeDtypeStruct((NW * PK, 16), _f32),
        ],
        scratch_types=[
            pltpu.VMEM((C,), jnp.int32),
            pltpu.VMEM((C,), jnp.int32),
            pltpu.VMEM((C * 4 + 16,), _f32),
            pltpu.VMEM((C, D), _f32),
            pltpu.VMEM((C, D), _f32),
            pltpu.VMEM((C, 16), _f32),
            pltpu.VMEM((C, 16), _f32),
            pltpu.VMEM((C, D), _f32),
            pltpu.VMEM((C, 16), _f32),
            pltpu.VMEM((PK, 16), _f32),
            pltpu.VMEM((D,), _f32),
            pltpu.VMEM((4, D), _f32),
            pltpu.SemaphoreType.DMA,
        ],
    )
    def kern(row_hbm, col_hbm, ea_hbm, ur_hbm, uc_hbm, pr_hbm, pc_hbm,
             wsq_hbm, wea_hbm, m1_hbm, aux_hbm, ssum_hbm,
             rowv, colv, eav, gru, gcu, gpr, gpc, m1buf, auxbuf,
             acc, wsqv, weav, sem):
        cid = lax.axis_index("c")
        sid = lax.axis_index("s")
        wid = sid * NC + cid
        lane = _lane()
        z16 = jnp.zeros((16,), _f32)

        pltpu.sync_copy(wsq_hbm, wsqv)
        pltpu.sync_copy(wea_hbm, weav)

        def _z(i, _):
            acc[i, :] = z16
            return 0
        lax.fori_loop(0, PK, _z, 0)

        def chunk(i, _):
            base = wid * EPW + i * C
            pltpu.sync_copy(row_hbm.at[pl.ds(base, C)], rowv)
            pltpu.sync_copy(col_hbm.at[pl.ds(base, C)], colv)
            pltpu.sync_copy(ea_hbm.at[pl.ds(base * 4, C * 4)],
                            eav.at[pl.ds(0, C * 4)])
            c1 = pltpu.async_copy(ur_hbm.at[rowv], gru, sem)
            c2 = pltpu.async_copy(uc_hbm.at[colv], gcu, sem)
            c3 = pltpu.async_copy(pr_hbm.at[rowv], gpr, sem)
            c4 = pltpu.async_copy(pc_hbm.at[colv], gpc, sem)
            c1.wait(); c2.wait(); c3.wait(); c4.wait()

            def edge(e, _):
                pr16 = gpr[e, :]
                pc16 = gpc[e, :]
                d16 = pr16 - pc16
                s16 = pr16 + pc16
                lg = jnp.where(s16 >= 0, s16, 0.2 * s16)
                p16 = jnp.where((lane >= 3) & (lane < 7), jnp.exp(lg), 0.0)
                dd = jnp.where(lane < 3, d16 * d16, 0.0)
                sq = _splat(dd, 0) + _splat(dd, 1) + _splat(dd, 2)
                auxbuf[e, :] = jnp.where(lane < 3, d16, p16)
                n = rowv[pl.ds(e, 16)][0]
                sh = (n & 3) * 4
                pm = jnp.where((lane >= sh) & (lane < sh + 4),
                               _gath(p16, jnp.clip(lane - sh + 3, 0, 15)),
                               0.0)
                pr_ = n >> 2
                acc[pr_, :] = acc[pr_, :] + pm
                ev = eav[pl.ds(4 * e, 16)]
                e0 = _splat(ev, 0)
                e1 = _splat(ev, 1)
                e2 = _splat(ev, 2)
                e3 = _splat(ev, 3)
                for j in range(D // 16):
                    s = pl.ds(16 * j, 16)
                    v = (gru[e, s] + gcu[e, s] + sq * wsqv[s]
                         + e0 * weav[0, s] + e1 * weav[1, s]
                         + e2 * weav[2, s] + e3 * weav[3, s])
                    m1buf[e, s] = _silu(v)
                return 0
            lax.fori_loop(0, C, edge, 0)

            pltpu.sync_copy(m1buf, m1_hbm.at[pl.ds(base, C)])
            pltpu.sync_copy(auxbuf, aux_hbm.at[pl.ds(base, C)])
            return 0
        lax.fori_loop(0, NCHUNK, chunk, 0)

        pltpu.sync_copy(acc, ssum_hbm.at[pl.ds(wid * PK, PK)])

    return kern


def _red_body(in_ref, out_ref):
    t = pl.program_id(0)

    @pl.when(t == 0)
    def _():
        out_ref[...] = jnp.zeros_like(out_ref)
    out_ref[...] += in_ref[...]


def _run_reduce_pk(x):
    return pl.pallas_call(
        _red_body,
        grid=(NW,),
        in_specs=[pl.BlockSpec((PK, 16), lambda t: (t, 0))],
        out_specs=pl.BlockSpec((PK, 16), lambda t: (0, 0)),
        out_shape=jax.ShapeDtypeStruct((PK, 16), _f32),
    )(x)


def _red3_body(in_ref, out_ref):
    t = pl.program_id(1)

    @pl.when(t == 0)
    def _():
        out_ref[...] = jnp.zeros_like(out_ref)
    out_ref[...] += in_ref[...]


def _run_reduce_hagg(x):
    return pl.pallas_call(
        _red3_body,
        grid=(NROUND, NW),
        in_specs=[pl.BlockSpec((RNG, D), lambda r, t: (t * NROUND + r, 0))],
        out_specs=pl.BlockSpec((RNG, D), lambda r, t: (r, 0)),
        out_shape=jax.ShapeDtypeStruct((NPAD2, D), _f32),
    )(x)


def _kb_body(m1_ref, we2_ref, be2_ref, wm_ref, bm_ref, wx2_ref,
             msg_ref, cm_ref):
    m1 = m1_ref[...]
    msg_ref[...] = m1 @ we2_ref[...] + be2_ref[...]
    t = m1 @ wm_ref[...] + bm_ref[...]
    cm_ref[...] = _silu(t) @ wx2_ref[...]


def _run_kb(m1, We2, be2, Wm, bm, Wx2):
    be = 512
    grid = E // be
    full = lambda shape: pl.BlockSpec(shape, lambda i: (0, 0))
    return pl.pallas_call(
        _kb_body,
        grid=(grid,),
        in_specs=[
            pl.BlockSpec((be, D), lambda i: (i, 0)),
            full((D, D)), full((1, D)), full((D, D)), full((1, D)),
            full((D, 1)),
        ],
        out_specs=[
            pl.BlockSpec((be, D), lambda i: (i, 0)),
            pl.BlockSpec((be, 1), lambda i: (i, 0)),
        ],
        out_shape=[
            jax.ShapeDtypeStruct((E, D), _f32),
            jax.ShapeDtypeStruct((E, 1), _f32),
        ],
    )(m1, We2, be2, Wm, bm, Wx2)


def _make_pass_c1():
    mesh = plsc.VectorSubcoreMesh(core_axis_name="c", subcore_axis_name="s")

    @functools.partial(
        pl.kernel,
        mesh=mesh,
        compiler_params=pltpu.CompilerParams(use_tc_tiling_on_sc=False),
        out_type=[
            jax.ShapeDtypeStruct((NW * NPAD2, D), _f32),
            jax.ShapeDtypeStruct((E, D), _f32),
        ],
        scratch_types=[
            pltpu.VMEM((C,), jnp.int32),
            pltpu.VMEM((C,), jnp.int32),
            pltpu.VMEM((C,), jnp.int32),
            pltpu.VMEM((C, D), _f32),
            pltpu.VMEM((C, 16), _f32),
            pltpu.VMEM((C, 16), _f32),
            pltpu.VMEM((RNG, D), _f32),
            pltpu.SemaphoreType.DMA,
        ],
    )
    def kern(row_hbm, col_hbm, aux_hbm, msg_hbm, spk_hbm,
             hagg_hbm, mw_hbm,
             rowv, rv4, colv, msgv, auxv, g0, acc, sem):
        cid = lax.axis_index("c")
        sid = lax.axis_index("s")
        wid = sid * NC + cid
        lane = _lane()
        z16 = jnp.zeros((16,), _f32)

        def chunk(i, _):
            base = wid * EPW + i * C
            pltpu.sync_copy(row_hbm.at[pl.ds(base, C)], rowv)
            pltpu.sync_copy(aux_hbm.at[pl.ds(base, C)], auxv)
            pltpu.sync_copy(msg_hbm.at[pl.ds(base, C)], msgv)

            def mkidx(k, _):
                s = pl.ds(16 * k, 16)
                rv4[s] = lax.shift_right_logical(rowv[s], 2)
                return 0
            lax.fori_loop(0, C // 16, mkidx, 0)
            pltpu.async_copy(spk_hbm.at[rv4], g0, sem).wait()

            def edge(e, _):
                aux16 = auxv[e, :]
                n = rowv[pl.ds(e, 16)][0]
                sh = (n & 3) * 4
                S16 = _gath(g0[e, :], jnp.clip(lane - 3 + sh, 0, 15))
                w16 = aux16 / (S16 + 1e-16)
                for hh in range(H):
                    wh = _splat(w16, 3 + hh)
                    for j2 in range(2):
                        s = pl.ds((2 * hh + j2) * 16, 16)
                        msgv[e, s] = msgv[e, s] * wh
                return 0
            lax.fori_loop(0, C, edge, 0)
            pltpu.sync_copy(msgv, mw_hbm.at[pl.ds(base, C)])
            return 0
        lax.fori_loop(0, NCHUNK, chunk, 0)

        def rnd(r, _):
            lo = r * RNG

            def _z(i, _):
                for j in range(D // 16):
                    acc[i, pl.ds(16 * j, 16)] = z16
                return 0
            lax.fori_loop(0, RNG, _z, 0)

            def chunk2(i, _):
                base = wid * EPW + i * C
                pltpu.sync_copy(col_hbm.at[pl.ds(base, C)], colv)
                pltpu.sync_copy(mw_hbm.at[pl.ds(base, C)], msgv)

                def edge(e, _):
                    n = colv[pl.ds(e, 16)][0]
                    inr = (n >= lo) & (n < lo + RNG)

                    @pl.when(inr)
                    def _():
                        rr = n - lo
                        for j in range(D // 16):
                            s = pl.ds(16 * j, 16)
                            acc[rr, s] = acc[rr, s] + msgv[e, s]
                    return 0
                lax.fori_loop(0, C, edge, 0)
                return 0
            lax.fori_loop(0, NCHUNK, chunk2, 0)

            pltpu.sync_copy(acc, hagg_hbm.at[pl.ds(wid * NPAD2 + lo, RNG)])
            return 0
        lax.fori_loop(0, NROUND, rnd, 0)

    return kern


def _make_pass_c2():
    mesh = plsc.VectorSubcoreMesh(core_axis_name="c", subcore_axis_name="s")

    @functools.partial(
        pl.kernel,
        mesh=mesh,
        compiler_params=pltpu.CompilerParams(use_tc_tiling_on_sc=False),
        out_type=[
            jax.ShapeDtypeStruct((NW * PK, 16), _f32),
        ],
        scratch_types=[
            pltpu.VMEM((C,), jnp.int32),
            pltpu.VMEM((C, 16), _f32),
            pltpu.VMEM((C + 16,), _f32),
            pltpu.VMEM((PK, 16), _f32),
            pltpu.SemaphoreType.DMA,
        ],
    )
    def kern(col_hbm, aux_hbm, cm_hbm, naux_hbm,
             colv, auxv, cmv, acc, sem):
        cid = lax.axis_index("c")
        sid = lax.axis_index("s")
        wid = sid * NC + cid
        lane = _lane()
        z16 = jnp.zeros((16,), _f32)

        def _z(i, _):
            acc[i, :] = z16
            return 0
        lax.fori_loop(0, PK, _z, 0)

        def chunk(i, _):
            base = wid * EPW + i * C
            pltpu.sync_copy(col_hbm.at[pl.ds(base, C)], colv)
            pltpu.sync_copy(aux_hbm.at[pl.ds(base, C)], auxv)
            pltpu.sync_copy(cm_hbm.at[pl.ds(base, C)], cmv.at[pl.ds(0, C)])

            def edge(e, _):
                aux16 = auxv[e, :]
                cm = _splat(cmv[pl.ds(e, 16)], 0)
                rc = jnp.where(
                    lane < 3, aux16 * cm,
                    jnp.where(lane == 3, jnp.full((16,), 1.0, _f32), 0.0))
                n = colv[pl.ds(e, 16)][0]
                sh = (n & 3) * 4
                rot = jnp.where((lane >= sh) & (lane < sh + 4),
                                _gath(rc, jnp.clip(lane - sh, 0, 15)), 0.0)
                pr_ = n >> 2
                acc[pr_, :] = acc[pr_, :] + rot
                return 0
            lax.fori_loop(0, C, edge, 0)
            return 0
        lax.fori_loop(0, NCHUNK, chunk, 0)

        pltpu.sync_copy(acc, naux_hbm.at[pl.ds(wid * PK, PK)])

    return kern


def _kd_body(h_ref, xp_ref, hagg_ref, na_ref,
             wh1a_ref, wh1b_ref, bh1_ref, wh2_ref, bh2_ref,
             sn_ref, sc_ref, hout_ref, xout_ref):
    h = h_ref[...]
    u = h @ wh1a_ref[...] + hagg_ref[...] @ wh1b_ref[...] + bh1_ref[...]
    hout_ref[...] = h + _silu(u) @ wh2_ref[...] + bh2_ref[...]
    na = na_ref[...]
    num8 = na @ sn_ref[...]
    cnt8 = na @ sc_ref[...]
    xout_ref[...] = xp_ref[...] + num8 / jnp.maximum(cnt8, 1.0)


def _run_kd(h, xpad, hagg, naux4, Wh1a, Wh1b, bh1, Wh2, bh2, Sn4, Sc4):
    bn = 1000
    grid = N // bn
    full = lambda shape: pl.BlockSpec(shape, lambda i: (0, 0))
    row = lambda w: pl.BlockSpec((bn, w), lambda i: (i, 0))
    return pl.pallas_call(
        _kd_body,
        grid=(grid,),
        in_specs=[
            row(D), row(8), row(D), row(4),
            full((D, D)), full((D, D)), full((1, D)), full((D, D)),
            full((1, D)), full((4, 8)), full((4, 8)),
        ],
        out_specs=[row(D), row(8)],
        out_shape=[
            jax.ShapeDtypeStruct((N, D), _f32),
            jax.ShapeDtypeStruct((N, 8), _f32),
        ],
    )(h, xpad, hagg, naux4, Wh1a, Wh1b, bh1, Wh2, bh2, Sn4, Sc4)


_PASS_A = _make_pass_a()
_PASS_C1 = _make_pass_c1()
_PASS_C2 = _make_pass_c2()


def kernel(h, x_coord, edge_index, edge_attr, W_att, We1, be1, We2, be2,
           Wx1, bx1, Wx2, Wh1, bh1, Wh2, bh2):
    row = edge_index[0].astype(jnp.int32)
    col = edge_index[1].astype(jnp.int32)
    xpad = jnp.pad(x_coord, ((0, 0), (0, 5)))

    We1r = We1[:D]
    We1c = We1[D:2 * D]
    wsq = We1[2 * D]
    Wea = We1[2 * D + 1:]
    Sa = jnp.zeros((4, 16), _f32).at[jnp.arange(4), jnp.arange(3, 7)].set(1.0)
    Sx = jnp.zeros((8, 16), _f32).at[jnp.arange(3), jnp.arange(3)].set(1.0)
    WarS = W_att[:D] @ Sa
    WacS = W_att[D:] @ Sa
    Pm = (jnp.tile(jnp.eye(DH, dtype=_f32), (H, 1)) / H)
    PW = Pm @ Wx1
    Wm = We2 @ PW
    bm = (be2 @ PW + bx1)[None, :]
    Sn4 = jnp.zeros((4, 8), _f32).at[jnp.arange(3), jnp.arange(3)].set(1.0)
    Sc4 = jnp.zeros((4, 8), _f32).at[3, :].set(1.0)

    Ur, Uc, Pr, Pc = _run_k0(h, xpad, We1r, We1c, be1[None, :], WarS, WacS, Sx)

    m1, aux, sspacks = _PASS_A(row, col, edge_attr.reshape(-1),
                               Ur, Uc, Pr, Pc, wsq, Wea)
    sspk = _run_reduce_pk(sspacks)

    msgs, cm = _run_kb(m1, We2, be2[None, :], Wm, bm, Wx2)

    haggp, _ = _PASS_C1(row, col, aux, msgs, sspk)
    hagg = _run_reduce_hagg(haggp)[:N]

    napacks, = _PASS_C2(col, aux, cm.reshape(-1))
    naux4 = _run_reduce_pk(napacks).reshape(PK * 4, 4)[:N]

    h_out, x_out8 = _run_kd(h, xpad, hagg, naux4,
                            Wh1[:D], Wh1[D:], bh1[None, :], Wh2, bh2[None, :],
                            Sn4, Sc4)
    return (h_out, x_out8[:, :3])

# --- scband reference (transcript-rebuilt; emitter-appended) ---
"""Pipeline reference for scband-shfgnn-87256555586173 (READ-ONLY COPY).

The authoritative reference and input builder live on the scoring server;
editing this copy changes nothing except your own understanding.
"""

import jax, jax.numpy as jnp
import numpy as np

N = 10000
E = 320000
D = 128          # node_dim == hidden_dim
H = 4            # heads
DH = D // H      # hidden_dim_per_head = 32
DE = 4           # edge_feature_dim


def segment_softmax(alpha, seg, n):
    m = jax.ops.segment_max(alpha, seg, num_segments=n)
    m = jnp.where(jnp.isfinite(m), m, 0.0)
    e = jnp.exp(alpha - m[seg])
    s = jax.ops.segment_sum(e, seg, num_segments=n)
    return e / (s[seg] + 1e-16)


def setup_inputs(seed: int = 0) -> dict:
    key = jax.random.key(seed)
    ks = jax.random.split(key, 20)
    s = 0.05
    h = jax.random.normal(ks[0], (N, D), jnp.float32)
    x_coord = jax.random.normal(ks[1], (N, 3), jnp.float32)
    edge_index = jax.random.randint(ks[2], (2, E), 0, N)
    edge_attr = jax.random.normal(ks[3], (E, DE), jnp.float32)
    # AttentiveEMAMPConv parameters (eval mode: dropout = identity)
    W_att = jax.random.normal(ks[4], (2 * D, H), jnp.float32) * s
    We1 = jax.random.normal(ks[5], (2 * D + 1 + DE, D), jnp.float32) * s
    be1 = jnp.zeros((D,), jnp.float32)
    We2 = jax.random.normal(ks[6], (D, D), jnp.float32) * s
    be2 = jnp.zeros((D,), jnp.float32)
    Wx1 = jax.random.normal(ks[7], (DH, D), jnp.float32) * s
    bx1 = jnp.zeros((D,), jnp.float32)
    Wx2 = jax.random.normal(ks[8], (D, 1), jnp.float32) * s
    Wh1 = jax.random.normal(ks[9], (2 * D, D), jnp.float32) * s
    bh1 = jnp.zeros((D,), jnp.float32)
    Wh2 = jax.random.normal(ks[10], (D, D), jnp.float32) * s
    bh2 = jnp.zeros((D,), jnp.float32)
    return {"h": h, "x_coord": x_coord, "edge_index": edge_index, "edge_attr": edge_attr,
            "W_att": W_att, "We1": We1, "be1": be1, "We2": We2, "be2": be2,
            "Wx1": Wx1, "bx1": bx1, "Wx2": Wx2, "Wh1": Wh1, "bh1": bh1, "Wh2": Wh2, "bh2": bh2}


def reference(h, x_coord, edge_index, edge_attr, W_att, We1, be1, We2, be2, Wx1, bx1, Wx2, Wh1, bh1, Wh2, bh2):
    row = edge_index[0]
    col = edge_index[1]
    hr = jnp.take(h, row, axis=0)
    hc = jnp.take(h, col, axis=0)
    # attention: GATv2-style scoring, softmax over source-node segments (as written)
    alpha = jax.nn.leaky_relu(jnp.concatenate([hr, hc], axis=-1) @ W_att, negative_slope=0.2)
    alpha = segment_softmax(alpha, row, N)  # [E, H]
    rel = jnp.take(x_coord, row, axis=0) - jnp.take(x_coord, col, axis=0)
    sq = jnp.sum(rel ** 2, axis=-1, keepdims=True)
    msg_in = jnp.concatenate([hr, hc, sq, edge_attr], axis=-1)
    m1 = jax.nn.silu(msg_in @ We1 + be1)
    messages = m1 @ We2 + be2                    # [E, D]
    mh = messages.reshape(E, H, DH)
    mw = (mh * alpha[:, :, None]).reshape(E, D)  # attention-weighted messages
    # feature aggregation (scatter-add at target nodes, PyG source_to_target flow)
    h_aggr = jax.ops.segment_sum(mw, col, num_segments=N)
    # coordinate update (scatter-mean of rel * phi_x(messages))
    cm = jax.nn.silu(mh.mean(axis=1) @ Wx1 + bx1) @ Wx2  # [E, 1]
    num = jax.ops.segment_sum(rel * cm, col, num_segments=N)
    cnt = jax.ops.segment_sum(jnp.ones((E,), jnp.float32), col, num_segments=N)
    x_out = x_coord + num / jnp.maximum(cnt, 1.0)[:, None]
    # node update with residual
    hu = jax.nn.silu(jnp.concatenate([h, h_aggr], axis=-1) @ Wh1 + bh1) @ Wh2 + bh2
    h_out = h + hu
    return (h_out, x_out)

if __name__ == "__main__":
    import jax
    _d = setup_inputs()
    print(jax.jit(kernel)(*tuple(_d.values())))

</pallas_src>

<mosaic_0001>
#map = affine_map<(d0, d1) -> (0)>
#map1 = affine_map<(d0, d1) -> (0, 0)>
module attributes {stable_mosaic.version = 14 : i64} {
  func.func @kern(%arg0: i32, %arg1: i32, %arg2: memref<320000xi32, #tpu.memory_space<hbm>>, %arg3: memref<320000x16xf32, #tpu.memory_space<hbm>>, %arg4: memref<320000xf32, #tpu.memory_space<hbm>>, %arg5: memref<80384x16xf32, #tpu.memory_space<hbm>>, %arg6: memref<80xi32, #tpu.memory_space<vmem>>, %arg7: memref<80x16xf32, #tpu.memory_space<vmem>>, %arg8: memref<96xf32, #tpu.memory_space<vmem>>, %arg9: memref<2512x16xf32, #tpu.memory_space<vmem>>, %arg10: memref<!tpu.dma_semaphore, #tpu.memory_space<semaphore_mem>>) attributes {dimension_semantics = [#tpu.dimension_semantics<core_parallel>, #tpu.dimension_semantics<subcore_parallel>], iteration_bounds = array<i64: 2, 16>, scalar_prefetch = 0 : i64, scratch_operands = 5 : i64, tpu.core_type = #tpu.core_type<sc_vector_subcore>, window_params = [{transform_indices = #map}, {transform_indices = #map1}, {transform_indices = #map}, {transform_indices = #map1}]} {
    %mul3A = arith.constant 2 : i32
    %mul3A_0 = arith.muli %arg1, %mul3A : i32
    %add3A = arith.addi %mul3A_0, %arg0 : i32
    %iota3A = tpu.iota {dimensions = array<i32: 0>} : vector<16xi32>
    %broadcast_in_dim3A = arith.constant 0.000000e+00 : f32
    %broadcast_in_dim3A_1 = vector.broadcast %broadcast_in_dim3A : f32 to vector<16xf32>
    %scan3A = arith.constant 0 : i32
    %scan3A_2 = arith.constant 0 : i32
    %scan3A_3 = arith.constant 2512 : i32
    %scan3A_4 = arith.addi %scan3A_2, %scan3A_3 : i32
    %scan3A_5 = arith.constant 1 : i32
    %scan3A_6 = scf.for %scan3A_17 = %scan3A_2 to %scan3A_4 step %scan3A_5 iter_args(%scan3A_18 = %scan3A) -> (i32)  : i32 {
      %swap3A = arith.index_cast %scan3A_17 : i32 to index
      %swap3A_19 = arith.constant 0 : index
      %swap3A_20 = tpu.vector_load %arg9[%swap3A, %swap3A_19] {strides = array<i32>} : memref<2512x16xf32, #tpu.memory_space<vmem>>, vector<1x16xf32>,
      %swap3A_21 = vector.shape_cast %swap3A_20 : vector<1x16xf32> to vector<16xf32>
      %swap3A_22 = vector.shape_cast %broadcast_in_dim3A_1 : vector<16xf32> to vector<1x16xf32>
      tpu.vector_store %arg9[%swap3A, %swap3A_19], %swap3A_22 {strides = array<i32>} : memref<2512x16xf32, #tpu.memory_space<vmem>>, vector<1x16xf32>,
      %scan3A_23 = arith.constant 0 : i32
      scf.yield %scan3A_23 : i32
    }
    %scan3A_7 = arith.constant 2512 : i32
    %scan3A_8 = arith.constant 0 : i32
    %scan3A_9 = arith.constant 0 : i32
    %scan3A_10 = arith.constant 125 : i32
    %scan3A_11 = arith.addi %scan3A_9, %scan3A_10 : i32
    %scan3A_12 = arith.constant 1 : i32
    %scan3A_13 = scf.for %scan3A_17 = %scan3A_9 to %scan3A_11 step %scan3A_12 iter_args(%scan3A_18 = %scan3A_8) -> (i32)  : i32 {
      %mul3A_19 = arith.constant 10000 : i32
      %mul3A_20 = arith.muli %add3A, %mul3A_19 : i32
      %mul3A_21 = arith.constant 80 : i32
      %mul3A_22 = arith.muli %scan3A_17, %mul3A_21 : i32
      %add3A_23 = arith.addi %mul3A_20, %mul3A_22 : i32
      "tpu.region"() ({
        %run_scoped3A = tpu.sem_alloc : memref<!tpu.dma_semaphore, #tpu.memory_space<semaphore_mem>>
        %dma_start3A = tpu.memref_slice %arg2[%add3A_23] : memref<320000xi32, #tpu.memory_space<hbm>> -> memref<80xi32, #tpu.memory_space<hbm>>
        %dma_start3A_32 = tpu.memref_slice %arg2[%add3A_23] : memref<320000xi32, #tpu.memory_space<hbm>> -> memref<80xi32, #tpu.memory_space<hbm>>
        tpu.enqueue_dma source(%dma_start3A_32 : memref<80xi32, #tpu.memory_space<hbm>>) target(%arg6 : memref<80xi32, #tpu.memory_space<vmem>>) target_semaphore(%run_scoped3A : memref<!tpu.dma_semaphore, #tpu.memory_space<semaphore_mem>>)
        %dma_wait3A = tpu.memref_slice %arg2[%add3A_23] : memref<320000xi32, #tpu.memory_space<hbm>> -> memref<80xi32, #tpu.memory_space<hbm>>
        %dma_wait3A_33 = tpu.memref_slice %arg2[%add3A_23] : memref<320000xi32, #tpu.memory_space<hbm>> -> memref<80xi32, #tpu.memory_space<hbm>>
        tpu.wait_dma2 semaphore(%run_scoped3A : memref<!tpu.dma_semaphore, #tpu.memory_space<semaphore_mem>>) src(%dma_wait3A_33 : memref<80xi32, #tpu.memory_space<hbm>>) dst(%arg6 : memref<80xi32, #tpu.memory_space<vmem>>)
        tpu.yield
      }) : () -> ()
      "tpu.region"() ({
        %run_scoped3A = tpu.sem_alloc : memref<!tpu.dma_semaphore, #tpu.memory_space<semaphore_mem>>
        %dma_start3A = arith.constant 0 : i32
        %dma_start3A_32 = tpu.memref_slice %arg3[%add3A_23, %dma_start3A] : memref<320000x16xf32, #tpu.memory_space<hbm>> -> memref<80x16xf32, #tpu.memory_space<hbm>>
        %dma_start3A_33 = arith.constant 0 : i32
        %dma_start3A_34 = tpu.memref_slice %arg3[%add3A_23, %dma_start3A_33] : memref<320000x16xf32, #tpu.memory_space<hbm>> -> memref<80x16xf32, #tpu.memory_space<hbm>>
        tpu.enqueue_dma source(%dma_start3A_34 : memref<80x16xf32, #tpu.memory_space<hbm>>) target(%arg7 : memref<80x16xf32, #tpu.memory_space<vmem>>) target_semaphore(%run_scoped3A : memref<!tpu.dma_semaphore, #tpu.memory_space<semaphore_mem>>)
        %dma_wait3A = arith.constant 0 : i32
        %dma_wait3A_35 = tpu.memref_slice %arg3[%add3A_23, %dma_wait3A] : memref<320000x16xf32, #tpu.memory_space<hbm>> -> memref<80x16xf32, #tpu.memory_space<hbm>>
        %dma_wait3A_36 = arith.constant 0 : i32
        %dma_wait3A_37 = tpu.memref_slice %arg3[%add3A_23, %dma_wait3A_36] : memref<320000x16xf32, #tpu.memory_space<hbm>> -> memref<80x16xf32, #tpu.memory_space<hbm>>
        tpu.wait_dma2 semaphore(%run_scoped3A : memref<!tpu.dma_semaphore, #tpu.memory_space<semaphore_mem>>) src(%dma_wait3A_37 : memref<80x16xf32, #tpu.memory_space<hbm>>) dst(%arg7 : memref<80x16xf32, #tpu.memory_space<vmem>>)
        tpu.yield
      }) : () -> ()
      "tpu.region"() ({
        %run_scoped3A = tpu.sem_alloc : memref<!tpu.dma_semaphore, #tpu.memory_space<semaphore_mem>>
        %dma_start3A = arith.constant 0 : i32
        %dma_start3A_32 = tpu.memref_slice %arg8[%dma_start3A] : memref<96xf32, #tpu.memory_space<vmem>> -> memref<80xf32, #tpu.memory_space<vmem>>
        %dma_start3A_33 = tpu.memref_slice %arg4[%add3A_23] : memref<320000xf32, #tpu.memory_space<hbm>> -> memref<80xf32, #tpu.memory_space<hbm>>
        %dma_start3A_34 = arith.constant 0 : i32
        %dma_start3A_35 = tpu.memref_slice %arg8[%dma_start3A_34] : memref<96xf32, #tpu.memory_space<vmem>> -> memref<80xf32, #tpu.memory_space<vmem>>
        %dma_start3A_36 = tpu.memref_slice %arg4[%add3A_23] : memref<320000xf32, #tpu.memory_space<hbm>> -> memref<80xf32, #tpu.memory_space<hbm>>
        tpu.enqueue_dma source(%dma_start3A_36 : memref<80xf32, #tpu.memory_space<hbm>>) target(%dma_start3A_35 : memref<80xf32, #tpu.memory_space<vmem>>) target_semaphore(%run_scoped3A : memref<!tpu.dma_semaphore, #tpu.memory_space<semaphore_mem>>)
        %dma_wait3A = arith.constant 0 : i32
        %dma_wait3A_37 = tpu.memref_slice %arg8[%dma_wait3A] : memref<96xf32, #tpu.memory_space<vmem>> -> memref<80xf32, #tpu.memory_space<vmem>>
        %dma_wait3A_38 = tpu.memref_slice %arg4[%add3A_23] : memref<320000xf32, #tpu.memory_space<hbm>> -> memref<80xf32, #tpu.memory_space<hbm>>
        %dma_wait3A_39 = arith.constant 0 : i32
        %dma_wait3A_40 = tpu.memref_slice %arg8[%dma_wait3A_39] : memref<96xf32, #tpu.memory_space<vmem>> -> memref<80xf32, #tpu.memory_space<vmem>>
        %dma_wait3A_41 = tpu.memref_slice %arg4[%add3A_23] : memref<320000xf32, #tpu.memory_space<hbm>> -> memref<80xf32, #tpu.memory_space<hbm>>
        tpu.wait_dma2 semaphore(%run_scoped3A : memref<!tpu.dma_semaphore, #tpu.memory_space<semaphore_mem>>) src(%dma_wait3A_41 : memref<80xf32, #tpu.memory_space<hbm>>) dst(%dma_wait3A_40 : memref<80xf32, #tpu.memory_space<vmem>>)
        tpu.yield
      }) : () -> ()
      %scan3A_24 = arith.constant 0 : i32
      %scan3A_25 = arith.constant 0 : i32
      %scan3A_26 = arith.constant 80 : i32
      %scan3A_27 = arith.addi %scan3A_25, %scan3A_26 : i32
      %scan3A_28 = arith.constant 1 : i32
      %scan3A_29 = scf.for %scan3A_32 = %scan3A_25 to %scan3A_27 step %scan3A_28 iter_args(%scan3A_33 = %scan3A_24) -> (i32)  : i32 {
        %get3A = arith.index_cast %scan3A_32 : i32 to index
        %get3A_34 = arith.constant 0 : index
        %get3A_35 = tpu.vector_load %arg7[%get3A, %get3A_34] {strides = array<i32>} : memref<80x16xf32, #tpu.memory_space<vmem>>, vector<1x16xf32>,
        %get3A_36 = vector.shape_cast %get3A_35 : vector<1x16xf32> to vector<16xf32>
        %get3A_37 = arith.index_cast %scan3A_32 : i32 to index
        %get3A_38 = tpu.vector_load %arg8[%get3A_37] {strides = array<i32>} : memref<96xf32, #tpu.memory_space<vmem>>, vector<16xf32>,
        %get3A_39 = vector.shape_cast %get3A_38 : vector<16xf32> to vector<16xf32>
        %broadcast_in_dim3A_40 = arith.constant 0 : i32
        %broadcast_in_dim3A_41 = vector.broadcast %broadcast_in_dim3A_40 : i32 to vector<16x1xi32>
        %gather3A = vector.shape_cast %broadcast_in_dim3A_41 : vector<16x1xi32> to vector<16xi32>
        %gather3A_42 = tpu.dynamic_gather %get3A_39[%gather3A] in [0] : vector<16xf32>, vector<16xi32> -> vector<16xf32>
        %lt3A = arith.constant 3 : i32
        %lt3A_43 = vector.broadcast %lt3A : i32 to vector<16xi32>
        %lt3A_44 = arith.cmpi slt, %iota3A, %lt3A_43 : vector<16xi32>
        %mul3A_45 = arith.mulf %get3A_36, %gather3A_42 : vector<16xf32>
        %eq3A = arith.constant 3 : i32
        %eq3A_46 = vector.broadcast %eq3A : i32 to vector<16xi32>
        %eq3A_47 = arith.cmpi eq, %iota3A, %eq3A_46 : vector<16xi32>
        %broadcast_in_dim3A_48 = arith.constant 1.000000e+00 : f32
        %broadcast_in_dim3A_49 = vector.broadcast %broadcast_in_dim3A_48 : f32 to vector<16xf32>
        %jit3A = arith.constant 0.000000e+00 : f32
        %broadcast_in_dim3A_50 = vector.broadcast %jit3A : f32 to vector<16xf32>
        %select_n3A = arith.select %eq3A_47, %broadcast_in_dim3A_49, %broadcast_in_dim3A_50 : vector<16xi1>, vector<16xf32>
        %select_n3A_51 = arith.select %lt3A_44, %mul3A_45, %select_n3A : vector<16xi1>, vector<16xf32>
        %get3A_52 = arith.index_cast %scan3A_32 : i32 to index
        %get3A_53 = tpu.vector_load %arg6[%get3A_52] {strides = array<i32>} : memref<80xi32, #tpu.memory_space<vmem>>, vector<16xi32>,
        %get3A_54 = vector.shape_cast %get3A_53 : vector<16xi32> to vector<16xi32>
        %slice3A = vector.extract_strided_slice %get3A_54 {offsets = [0], sizes = [1], strides = [1]} : vector<16xi32> to vector<1xi32>
        %squeeze3A = vector.extract %slice3A[0] : i32 from vector<1xi32>
        %and3A = arith.constant 3 : i32
        %and3A_55 = arith.andi %squeeze3A, %and3A : i32
        %mul3A_56 = arith.constant 4 : i32
        %mul3A_57 = arith.muli %and3A_55, %mul3A_56 : i32
        %ge3A = vector.broadcast %mul3A_57 : i32 to vector<16xi32>
        %ge3A_58 = arith.cmpi sge, %iota3A, %ge3A : vector<16xi32>
        %add3A_59 = arith.constant 4 : i32
        %add3A_60 = arith.addi %mul3A_57, %add3A_59 : i32
        %lt3A_61 = vector.broadcast %add3A_60 : i32 to vector<16xi32>
        %lt3A_62 = arith.cmpi slt, %iota3A, %lt3A_61 : vector<16xi32>
        %and3A_63 = arith.andi %ge3A_58, %lt3A_62 : vector<16xi1>
        %sub3A = vector.broadcast %mul3A_57 : i32 to vector<16xi32>
        %sub3A_64 = arith.subi %iota3A, %sub3A : vector<16xi32>
        %jit3A_65 = arith.constant 0 : i32
        %jit3A_66 = arith.constant 15 : i32
        %max3A = vector.broadcast %jit3A_65 : i32 to vector<16xi32>
        %max3A_67 = arith.maxsi %max3A, %sub3A_64 : vector<16xi32>
        %min3A = vector.broadcast %jit3A_66 : i32 to vector<16xi32>
        %min3A_68 = arith.minsi %min3A, %max3A_67 : vector<16xi32>
        %reshape3A = vector.shape_cast %min3A_68 : vector<16xi32> to vector<16x1xi32>
        %gather3A_69 = vector.shape_cast %reshape3A : vector<16x1xi32> to vector<16xi32>
        %gather3A_70 = tpu.dynamic_gather %select_n3A_51[%gather3A_69] in [0] : vector<16xf32>, vector<16xi32> -> vector<16xf32>
        %jit3A_71 = arith.constant 0.000000e+00 : f32
        %broadcast_in_dim3A_72 = vector.broadcast %jit3A_71 : f32 to vector<16xf32>
        %select_n3A_73 = arith.select %and3A_63, %gather3A_70, %broadcast_in_dim3A_72 : vector<16xi1>, vector<16xf32>
        %shift_right_arithmetic3A = arith.constant 2 : i32
        %shift_right_arithmetic3A_74 = arith.shrsi %squeeze3A, %shift_right_arithmetic3A : i32
        %get3A_75 = arith.index_cast %shift_right_arithmetic3A_74 : i32 to index
        %get3A_76 = arith.constant 0 : index
        %get3A_77 = tpu.vector_load %arg9[%get3A_75, %get3A_76] {strides = array<i32>} : memref<2512x16xf32, #tpu.memory_space<vmem>>, vector<1x16xf32>,
        %get3A_78 = vector.shape_cast %get3A_77 : vector<1x16xf32> to vector<16xf32>
        %add3A_79 = arith.addf %get3A_78, %select_n3A_73 : vector<16xf32>
        %swap3A = arith.index_cast %shift_right_arithmetic3A_74 : i32 to index
        %swap3A_80 = arith.constant 0 : index
        %swap3A_81 = tpu.vector_load %arg9[%swap3A, %swap3A_80] {strides = array<i32>} : memref<2512x16xf32, #tpu.memory_space<vmem>>, vector<1x16xf32>,
        %swap3A_82 = vector.shape_cast %swap3A_81 : vector<1x16xf32> to vector<16xf32>
        %swap3A_83 = vector.shape_cast %add3A_79 : vector<16xf32> to vector<1x16xf32>
        tpu.vector_store %arg9[%swap3A, %swap3A_80], %swap3A_83 {strides = array<i32>} : memref<2512x16xf32, #tpu.memory_space<vmem>>, vector<1x16xf32>,
        %scan3A_84 = arith.constant 0 : i32
        scf.yield %scan3A_84 : i32
      }
      %scan3A_30 = arith.constant 80 : i32
      %scan3A_31 = arith.constant 0 : i32
      scf.yield %scan3A_31 : i32
    }
    %scan3A_14 = arith.constant 125 : i32
    %mul3A_15 = arith.constant 2512 : i32
    %mul3A_16 = arith.muli %add3A, %mul3A_15 : i32
    "tpu.region"() ({
      %run_scoped3A = tpu.sem_alloc : memref<!tpu.dma_semaphore, #tpu.memory_space<semaphore_mem>>
      %dma_start3A = arith.constant 0 : i32
      %dma_start3A_17 = tpu.memref_slice %arg5[%mul3A_16, %dma_start3A] : memref<80384x16xf32, #tpu.memory_space<hbm>> -> memref<2512x16xf32, #tpu.memory_space<hbm>>
      %dma_start3A_18 = arith.constant 0 : i32
      %dma_start3A_19 = tpu.memref_slice %arg5[%mul3A_16, %dma_start3A_18] : memref<80384x16xf32, #tpu.memory_space<hbm>> -> memref<2512x16xf32, #tpu.memory_space<hbm>>
      tpu.enqueue_dma source(%arg9 : memref<2512x16xf32, #tpu.memory_space<vmem>>) target(%dma_start3A_19 : memref<2512x16xf32, #tpu.memory_space<hbm>>) target_semaphore(%run_scoped3A : memref<!tpu.dma_semaphore, #tpu.memory_space<semaphore_mem>>)
      %dma_wait3A = arith.constant 0 : i32
      %dma_wait3A_20 = tpu.memref_slice %arg5[%mul3A_16, %dma_wait3A] : memref<80384x16xf32, #tpu.memory_space<hbm>> -> memref<2512x16xf32, #tpu.memory_space<hbm>>
      %dma_wait3A_21 = arith.constant 0 : i32
      %dma_wait3A_22 = tpu.memref_slice %arg5[%mul3A_16, %dma_wait3A_21] : memref<80384x16xf32, #tpu.memory_space<hbm>> -> memref<2512x16xf32, #tpu.memory_space<hbm>>
      tpu.wait_dma2 semaphore(%run_scoped3A : memref<!tpu.dma_semaphore, #tpu.memory_space<semaphore_mem>>) src(%arg9 : memref<2512x16xf32, #tpu.memory_space<vmem>>) dst(%dma_wait3A_22 : memref<2512x16xf32, #tpu.memory_space<hbm>>)
      tpu.yield
    }) : () -> ()
    return
  }
}

#map = affine_map<(d0, d1) -> (0)>
#map1 = affine_map<(d0, d1) -> (0, 0)>
module attributes {stable_mosaic.version = 14 : i64} {
  func.func @kern(%arg0: i32, %arg1: i32, %arg2: memref<320000xi32, #tpu.memory_space<hbm>>, %arg3: memref<320000xi32, #tpu.memory_space<hbm>>, %arg4: memref<1280000xf32, #tpu.memory_space<hbm>>, %arg5: memref<10000x128xf32, #tpu.memory_space<hbm>>, %arg6: memref<10000x128xf32, #tpu.memory_space<hbm>>, %arg7: memref<10000x16xf32, #tpu.memory_space<hbm>>, %arg8: memref<10000x16xf32, #tpu.memory_space<hbm>>, %arg9: memref<128xf32, #tpu.memory_space<hbm>>, %arg10: memref<4x128xf32, #tpu.memory_space<hbm>>, %arg11: memref<320000x128xf32, #tpu.memory_space<hbm>>, %arg12: memref<320000x16xf32, #tpu.memory_space<hbm>>, %arg13: memref<80384x16xf32, #tpu.memory_space<hbm>>, %arg14: memref<80xi32, #tpu.memory_space<vmem>>, %arg15: memref<80xi32, #tpu.memory_space<vmem>>, %arg16: memref<336xf32, #tpu.memory_space<vmem>>, %arg17: memref<80x128xf32, #tpu.memory_space<vmem>>, %arg18: memref<80x128xf32, #tpu.memory_space<vmem>>, %arg19: memref<80x16xf32, #tpu.memory_space<vmem>>, %arg20: memref<80x16xf32, #tpu.memory_space<vmem>>, %arg21: memref<80x128xf32, #tpu.memory_space<vmem>>, %arg22: memref<80x16xf32, #tpu.memory_space<vmem>>, %arg23: memref<2512x16xf32, #tpu.memory_space<vmem>>, %arg24: memref<128xf32, #tpu.memory_space<vmem>>, %arg25: memref<4x128xf32, #tpu.memory_space<vmem>>, %arg26: memref<!tpu.dma_semaphore, #tpu.memory_space<semaphore_mem>>) attributes {dimension_semantics = [#tpu.dimension_semantics<core_parallel>, #tpu.dimension_semantics<subcore_parallel>], iteration_bounds = array<i64: 2, 16>, scalar_prefetch = 0 : i64, scratch_operands = 13 : i64, tpu.core_type = #tpu.core_type<sc_vector_subcore>, window_params = [{transform_indices = #map}, {transform_indices = #map}, {transform_indices = #map}, {transform_indices = #map1}, {transform_indices = #map1}, {transform_indices = #map1}, {transform_indices = #map1}, {transform_indices = #map}, {transform_indices = #map1}, {transform_indices = #map1}, {transform_indices = #map1}, {transform_indices = #map1}]} {
    %mul3A = arith.constant 2 : i32
    %mul3A_0 = arith.muli %arg1, %mul3A : i32
    %add3A = arith.addi %mul3A_0, %arg0 : i32
    %iota3A = tpu.iota {dimensions = array<i32: 0>} : vector<16xi32>
    %broadcast_in_dim3A = arith.constant 0.000000e+00 : f32
    %broadcast_in_dim3A_1 = vector.broadcast %broadcast_in_dim3A : f32 to vector<16xf32>
    "tpu.region"() ({
      %run_scoped3A = tpu.sem_alloc : memref<!tpu.dma_semaphore, #tpu.memory_space<semaphore_mem>>
      tpu.enqueue_dma source(%arg9 : memref<128xf32, #tpu.memory_space<hbm>>) target(%arg24 : memref<128xf32, #tpu.memory_space<vmem>>) target_semaphore(%run_scoped3A : memref<!tpu.dma_semaphore, #tpu.memory_space<semaphore_mem>>)
      tpu.wait_dma2 semaphore(%run_scoped3A : memref<!tpu.dma_semaphore, #tpu.memory_space<semaphore_mem>>) src(%arg9 : memref<128xf32, #tpu.memory_space<hbm>>) dst(%arg24 : memref<128xf32, #tpu.memory_space<vmem>>)
      tpu.yield
    }) : () -> ()
    "tpu.region"() ({
      %run_scoped3A = tpu.sem_alloc : memref<!tpu.dma_semaphore, #tpu.memory_space<semaphore_mem>>
      tpu.enqueue_dma source(%arg10 : memref<4x128xf32, #tpu.memory_space<hbm>>) target(%arg25 : memref<4x128xf32, #tpu.memory_space<vmem>>) target_semaphore(%run_scoped3A : memref<!tpu.dma_semaphore, #tpu.memory_space<semaphore_mem>>)
      tpu.wait_dma2 semaphore(%run_scoped3A : memref<!tpu.dma_semaphore, #tpu.memory_space<semaphore_mem>>) src(%arg10 : memref<4x128xf32, #tpu.memory_space<hbm>>) dst(%arg25 : memref<4x128xf32, #tpu.memory_space<vmem>>)
      tpu.yield
    }) : () -> ()
    %scan3A = arith.constant 0 : i32
    %scan3A_2 = arith.constant 0 : i32
    %scan3A_3 = arith.constant 2512 : i32
    %scan3A_4 = arith.addi %scan3A_2, %scan3A_3 : i32
    %scan3A_5 = arith.constant 1 : i32
    %scan3A_6 = scf.for %scan3A_17 = %scan3A_2 to %scan3A_4 step %scan3A_5 iter_args(%scan3A_18 = %scan3A) -> (i32)  : i32 {
      %swap3A = arith.index_cast %scan3A_17 : i32 to index
      %swap3A_19 = arith.constant 0 : index
      %swap3A_20 = tpu.vector_load %arg23[%swap3A, %swap3A_19] {strides = array<i32>} : memref<2512x16xf32, #tpu.memory_space<vmem>>, vector<1x16xf32>,
      %swap3A_21 = vector.shape_cast %swap3A_20 : vector<1x16xf32> to vector<16xf32>
      %swap3A_22 = vector.shape_cast %broadcast_in_dim3A_1 : vector<16xf32> to vector<1x16xf32>
      tpu.vector_store %arg23[%swap3A, %swap3A_19], %swap3A_22 {strides = array<i32>} : memref<2512x16xf32, #tpu.memory_space<vmem>>, vector<1x16xf32>,
      %scan3A_23 = arith.constant 0 : i32
      scf.yield %scan3A_23 : i32
    }
    %scan3A_7 = arith.constant 2512 : i32
    %scan3A_8 = arith.constant 0 : i32
    %scan3A_9 = arith.constant 0 : i32
    %scan3A_10 = arith.constant 125 : i32
    %scan3A_11 = arith.addi %scan3A_9, %scan3A_10 : i32
    %scan3A_12 = arith.constant 1 : i32
    %scan3A_13 = scf.for %scan3A_17 = %scan3A_9 to %scan3A_11 step %scan3A_12 iter_args(%scan3A_18 = %scan3A_8) -> (i32)  : i32 {
      %mul3A_19 = arith.constant 10000 : i32
      %mul3A_20 = arith.muli %add3A, %mul3A_19 : i32
      %mul3A_21 = arith.constant 80 : i32
      %mul3A_22 = arith.muli %scan3A_17, %mul3A_21 : i32
      %add3A_23 = arith.addi %mul3A_20, %mul3A_22 : i32
      "tpu.region"() ({
        %run_scoped3A = tpu.sem_alloc : memref<!tpu.dma_semaphore, #tpu.memory_space<semaphore_mem>>
        %dma_start3A_56 = tpu.memref_slice %arg2[%add3A_23] : memref<320000xi32, #tpu.memory_space<hbm>> -> memref<80xi32, #tpu.memory_space<hbm>>
        %dma_start3A_57 = tpu.memref_slice %arg2[%add3A_23] : memref<320000xi32, #tpu.memory_space<hbm>> -> memref<80xi32, #tpu.memory_space<hbm>>
        tpu.enqueue_dma source(%dma_start3A_57 : memref<80xi32, #tpu.memory_space<hbm>>) target(%arg14 : memref<80xi32, #tpu.memory_space<vmem>>) target_semaphore(%run_scoped3A : memref<!tpu.dma_semaphore, #tpu.memory_space<semaphore_mem>>)
        %dma_wait3A_58 = tpu.memref_slice %arg2[%add3A_23] : memref<320000xi32, #tpu.memory_space<hbm>> -> memref<80xi32, #tpu.memory_space<hbm>>
        %dma_wait3A_59 = tpu.memref_slice %arg2[%add3A_23] : memref<320000xi32, #tpu.memory_space<hbm>> -> memref<80xi32, #tpu.memory_space<hbm>>
        tpu.wait_dma2 semaphore(%run_scoped3A : memref<!tpu.dma_semaphore, #tpu.memory_space<semaphore_mem>>) src(%dma_wait3A_59 : memref<80xi32, #tpu.memory_space<hbm>>) dst(%arg14 : memref<80xi32, #tpu.memory_space<vmem>>)
        tpu.yield
      }) : () -> ()
      "tpu.region"() ({
        %run_scoped3A = tpu.sem_alloc : memref<!tpu.dma_semaphore, #tpu.memory_space<semaphore_mem>>
        %dma_start3A_56 = tpu.memref_slice %arg3[%add3A_23] : memref<320000xi32, #tpu.memory_space<hbm>> -> memref<80xi32, #tpu.memory_space<hbm>>
        %dma_start3A_57 = tpu.memref_slice %arg3[%add3A_23] : memref<320000xi32, #tpu.memory_space<hbm>> -> memref<80xi32, #tpu.memory_space<hbm>>
        tpu.enqueue_dma source(%dma_start3A_57 : memref<80xi32, #tpu.memory_space<hbm>>) target(%arg15 : memref<80xi32, #tpu.memory_space<vmem>>) target_semaphore(%run_scoped3A : memref<!tpu.dma_semaphore, #tpu.memory_space<semaphore_mem>>)
        %dma_wait3A_58 = tpu.memref_slice %arg3[%add3A_23] : memref<320000xi32, #tpu.memory_space<hbm>> -> memref<80xi32, #tpu.memory_space<hbm>>
        %dma_wait3A_59 = tpu.memref_slice %arg3[%add3A_23] : memref<320000xi32, #tpu.memory_space<hbm>> -> memref<80xi32, #tpu.memory_space<hbm>>
        tpu.wait_dma2 semaphore(%run_scoped3A : memref<!tpu.dma_semaphore, #tpu.memory_space<semaphore_mem>>) src(%dma_wait3A_59 : memref<80xi32, #tpu.memory_space<hbm>>) dst(%arg15 : memref<80xi32, #tpu.memory_space<vmem>>)
        tpu.yield
      }) : () -> ()
      %mul3A_24 = arith.constant 4 : i32
      %mul3A_25 = arith.muli %add3A_23, %mul3A_24 : i32
      "tpu.region"() ({
        %run_scoped3A = tpu.sem_alloc : memref<!tpu.dma_semaphore, #tpu.memory_space<semaphore_mem>>
        %dma_start3A_56 = arith.constant 0 : i32
        %dma_start3A_57 = tpu.memref_slice %arg16[%dma_start3A_56] : memref<336xf32, #tpu.memory_space<vmem>> -> memref<320xf32, #tpu.memory_space<vmem>>
        %dma_start3A_58 = tpu.memref_slice %arg4[%mul3A_25] : memref<1280000xf32, #tpu.memory_space<hbm>> -> memref<320xf32, #tpu.memory_space<hbm>>
        %dma_start3A_59 = arith.constant 0 : i32
        %dma_start3A_60 = tpu.memref_slice %arg16[%dma_start3A_59] : memref<336xf32, #tpu.memory_space<vmem>> -> memref<320xf32, #tpu.memory_space<vmem>>
        %dma_start3A_61 = tpu.memref_slice %arg4[%mul3A_25] : memref<1280000xf32, #tpu.memory_space<hbm>> -> memref<320xf32, #tpu.memory_space<hbm>>
        tpu.enqueue_dma source(%dma_start3A_61 : memref<320xf32, #tpu.memory_space<hbm>>) target(%dma_start3A_60 : memref<320xf32, #tpu.memory_space<vmem>>) target_semaphore(%run_scoped3A : memref<!tpu.dma_semaphore, #tpu.memory_space<semaphore_mem>>)
        %dma_wait3A_62 = arith.constant 0 : i32
        %dma_wait3A_63 = tpu.memref_slice %arg16[%dma_wait3A_62] : memref<336xf32, #tpu.memory_space<vmem>> -> memref<320xf32, #tpu.memory_space<vmem>>
        %dma_wait3A_64 = tpu.memref_slice %arg4[%mul3A_25] : memref<1280000xf32, #tpu.memory_space<hbm>> -> memref<320xf32, #tpu.memory_space<hbm>>
        %dma_wait3A_65 = arith.constant 0 : i32
        %dma_wait3A_66 = tpu.memref_slice %arg16[%dma_wait3A_65] : memref<336xf32, #tpu.memory_space<vmem>> -> memref<320xf32, #tpu.memory_space<vmem>>
        %dma_wait3A_67 = tpu.memref_slice %arg4[%mul3A_25] : memref<1280000xf32, #tpu.memory_space<hbm>> -> memref<320xf32, #tpu.memory_space<hbm>>
        tpu.wait_dma2 semaphore(%run_scoped3A : memref<!tpu.dma_semaphore, #tpu.memory_space<semaphore_mem>>) src(%dma_wait3A_67 : memref<320xf32, #tpu.memory_space<hbm>>) dst(%dma_wait3A_66 : memref<320xf32, #tpu.memory_space<vmem>>)
        tpu.yield
      }) : () -> ()
      %dma_start3A = arith.constant 0 : i32
      %dma_start3A_26 = arith.constant 0 : i32
      %dma_start3A_27 = tpu.memref_slice %arg5[%dma_start3A, %dma_start3A_26] : memref<10000x128xf32, #tpu.memory_space<hbm>> -> memref<10000x128xf32, #tpu.memory_space<hbm>>
      tpu.enqueue_indirect_dma source(%dma_start3A_27 : memref<10000x128xf32, #tpu.memory_space<hbm>>) target(%arg17 : memref<80x128xf32, #tpu.memory_space<vmem>>) offsets(%arg14 : memref<80xi32, #tpu.memory_space<vmem>>) semaphore(%arg26 : memref<!tpu.dma_semaphore, #tpu.memory_space<semaphore_mem>>)
      %dma_start3A_28 = arith.constant 0 : i32
      %dma_start3A_29 = arith.constant 0 : i32
      %dma_start3A_30 = tpu.memref_slice %arg6[%dma_start3A_28, %dma_start3A_29] : memref<10000x128xf32, #tpu.memory_space<hbm>> -> memref<10000x128xf32, #tpu.memory_space<hbm>>
      tpu.enqueue_indirect_dma source(%dma_start3A_30 : memref<10000x128xf32, #tpu.memory_space<hbm>>) target(%arg18 : memref<80x128xf32, #tpu.memory_space<vmem>>) offsets(%arg15 : memref<80xi32, #tpu.memory_space<vmem>>) semaphore(%arg26 : memref<!tpu.dma_semaphore, #tpu.memory_space<semaphore_mem>>)
      %dma_start3A_31 = arith.constant 0 : i32
      %dma_start3A_32 = arith.constant 0 : i32
      %dma_start3A_33 = tpu.memref_slice %arg7[%dma_start3A_31, %dma_start3A_32] : memref<10000x16xf32, #tpu.memory_space<hbm>> -> memref<10000x16xf32, #tpu.memory_space<hbm>>
      tpu.enqueue_indirect_dma source(%dma_start3A_33 : memref<10000x16xf32, #tpu.memory_space<hbm>>) target(%arg19 : memref<80x16xf32, #tpu.memory_space<vmem>>) offsets(%arg14 : memref<80xi32, #tpu.memory_space<vmem>>) semaphore(%arg26 : memref<!tpu.dma_semaphore, #tpu.memory_space<semaphore_mem>>)
      %dma_start3A_34 = arith.constant 0 : i32
      %dma_start3A_35 = arith.constant 0 : i32
      %dma_start3A_36 = tpu.memref_slice %arg8[%dma_start3A_34, %dma_start3A_35] : memref<10000x16xf32, #tpu.memory_space<hbm>> -> memref<10000x16xf32, #tpu.memory_space<hbm>>
      tpu.enqueue_indirect_dma source(%dma_start3A_36 : memref<10000x16xf32, #tpu.memory_space<hbm>>) target(%arg20 : memref<80x16xf32, #tpu.memory_space<vmem>>) offsets(%arg15 : memref<80xi32, #tpu.memory_space<vmem>>) semaphore(%arg26 : memref<!tpu.dma_semaphore, #tpu.memory_space<semaphore_mem>>)
      %dma_wait3A = arith.constant 0 : i32
      %dma_wait3A_37 = arith.constant 0 : i32
      %dma_wait3A_38 = tpu.memref_slice %arg5[%dma_wait3A, %dma_wait3A_37] : memref<10000x128xf32, #tpu.memory_space<hbm>> -> memref<10000x128xf32, #tpu.memory_space<hbm>>
      tpu.wait_indirect_dma semaphore(%arg26 : memref<!tpu.dma_semaphore, #tpu.memory_space<semaphore_mem>>) src(%dma_wait3A_38 : memref<10000x128xf32, #tpu.memory_space<hbm>>) dst(%arg17 : memref<80x128xf32, #tpu.memory_space<vmem>>)
      %dma_wait3A_39 = arith.constant 0 : i32
      %dma_wait3A_40 = arith.constant 0 : i32
      %dma_wait3A_41 = tpu.memref_slice %arg6[%dma_wait3A_39, %dma_wait3A_40] : memref<10000x128xf32, #tpu.memory_space<hbm>> -> memref<10000x128xf32, #tpu.memory_space<hbm>>
      tpu.wait_indirect_dma semaphore(%arg26 : memref<!tpu.dma_semaphore, #tpu.memory_space<semaphore_mem>>) src(%dma_wait3A_41 : memref<10000x128xf32, #tpu.memory_space<hbm>>) dst(%arg18 : memref<80x128xf32, #tpu.memory_space<vmem>>)
      %dma_wait3A_42 = arith.constant 0 : i32
      %dma_wait3A_43 = arith.constant 0 : i32
      %dma_wait3A_44 = tpu.memref_slice %arg7[%dma_wait3A_42, %dma_wait3A_43] : memref<10000x16xf32, #tpu.memory_space<hbm>> -> memref<10000x16xf32, #tpu.memory_space<hbm>>
      tpu.wait_indirect_dma semaphore(%arg26 : memref<!tpu.dma_semaphore, #tpu.memory_space<semaphore_mem>>) src(%dma_wait3A_44 : memref<10000x16xf32, #tpu.memory_space<hbm>>) dst(%arg19 : memref<80x16xf32, #tpu.memory_space<vmem>>)
      %dma_wait3A_45 = arith.constant 0 : i32
      %dma_wait3A_46 = arith.constant 0 : i32
      %dma_wait3A_47 = tpu.memref_slice %arg8[%dma_wait3A_45, %dma_wait3A_46] : memref<10000x16xf32, #tpu.memory_space<hbm>> -> memref<10000x16xf32, #tpu.memory_space<hbm>>
      tpu.wait_indirect_dma semaphore(%arg26 : memref<!tpu.dma_semaphore, #tpu.memory_space<semaphore_mem>>) src(%dma_wait3A_47 : memref<10000x16xf32, #tpu.memory_space<hbm>>) dst(%arg20 : memref<80x16xf32, #tpu.memory_space<vmem>>)
      %scan3A_48 = arith.constant 0 : i32
      %scan3A_49 = arith.constant 0 : i32
      %scan3A_50 = arith.constant 80 : i32
      %scan3A_51 = arith.addi %scan3A_49, %scan3A_50 : i32
      %scan3A_52 = arith.constant 1 : i32
      %scan3A_53 = scf.for %scan3A_56 = %scan3A_49 to %scan3A_51 step %scan3A_52 iter_args(%scan3A_57 = %scan3A_48) -> (i32)  : i32 {
        %get3A = arith.index_cast %scan3A_56 : i32 to index
        %get3A_58 = arith.constant 0 : index
        %get3A_59 = tpu.vector_load %arg19[%get3A, %get3A_58] {strides = array<i32>} : memref<80x16xf32, #tpu.memory_space<vmem>>, vector<1x16xf32>,
        %get3A_60 = vector.shape_cast %get3A_59 : vector<1x16xf32> to vector<16xf32>
        %get3A_61 = arith.index_cast %scan3A_56 : i32 to index
        %get3A_62 = arith.constant 0 : index
        %get3A_63 = tpu.vector_load %arg20[%get3A_61, %get3A_62] {strides = array<i32>} : memref<80x16xf32, #tpu.memory_space<vmem>>, vector<1x16xf32>,
        %get3A_64 = vector.shape_cast %get3A_63 : vector<1x16xf32> to vector<16xf32>
        %sub3A = arith.subf %get3A_60, %get3A_64 : vector<16xf32>
        %add3A_65 = arith.addf %get3A_60, %get3A_64 : vector<16xf32>
        %ge3A = arith.constant 0.000000e+00 : f32
        %ge3A_66 = vector.broadcast %ge3A : f32 to vector<16xf32>
        %ge3A_67 = arith.cmpf oge, %add3A_65, %ge3A_66 : vector<16xf32>
        %mul3A_68 = arith.constant 2.000000e-01 : f32
        %mul3A_69 = vector.broadcast %mul3A_68 : f32 to vector<16xf32>
        %mul3A_70 = arith.mulf %mul3A_69, %add3A_65 : vector<16xf32>
        %select_n3A = arith.select %ge3A_67, %add3A_65, %mul3A_70 : vector<16xi1>, vector<16xf32>
        %ge3A_71 = arith.constant 3 : i32
        %ge3A_72 = vector.broadcast %ge3A_71 : i32 to vector<16xi32>
        %ge3A_73 = arith.cmpi sge, %iota3A, %ge3A_72 : vector<16xi32>
        %lt3A = arith.constant 7 : i32
        %lt3A_74 = vector.broadcast %lt3A : i32 to vector<16xi32>
        %lt3A_75 = arith.cmpi slt, %iota3A, %lt3A_74 : vector<16xi32>
        %and3A = arith.andi %ge3A_73, %lt3A_75 : vector<16xi1>
        %exp3A = math.exp %select_n3A : vector<16xf32>
        %jit3A = arith.constant 0.000000e+00 : f32
        %broadcast_in_dim3A_76 = vector.broadcast %jit3A : f32 to vector<16xf32>
        %select_n3A_77 = arith.select %and3A, %exp3A, %broadcast_in_dim3A_76 : vector<16xi1>, vector<16xf32>
        %lt3A_78 = arith.constant 3 : i32
        %lt3A_79 = vector.broadcast %lt3A_78 : i32 to vector<16xi32>
        %lt3A_80 = arith.cmpi slt, %iota3A, %lt3A_79 : vector<16xi32>
        %mul3A_81 = arith.mulf %sub3A, %sub3A : vector<16xf32>
        %jit3A_82 = arith.constant 0.000000e+00 : f32
        %broadcast_in_dim3A_83 = vector.broadcast %jit3A_82 : f32 to vector<16xf32>
        %select_n3A_84 = arith.select %lt3A_80, %mul3A_81, %broadcast_in_dim3A_83 : vector<16xi1>, vector<16xf32>
        %broadcast_in_dim3A_85 = arith.constant 0 : i32
        %broadcast_in_dim3A_86 = vector.broadcast %broadcast_in_dim3A_85 : i32 to vector<16x1xi32>
        %gather3A = vector.shape_cast %broadcast_in_dim3A_86 : vector<16x1xi32> to vector<16xi32>
        %gather3A_87 = tpu.dynamic_gather %select_n3A_84[%gather3A] in [0] : vector<16xf32>, vector<16xi32> -> vector<16xf32>
        %broadcast_in_dim3A_88 = arith.constant 1 : i32
        %broadcast_in_dim3A_89 = vector.broadcast %broadcast_in_dim3A_88 : i32 to vector<16x1xi32>
        %gather3A_90 = vector.shape_cast %broadcast_in_dim3A_89 : vector<16x1xi32> to vector<16xi32>
        %gather3A_91 = tpu.dynamic_gather %select_n3A_84[%gather3A_90] in [0] : vector<16xf32>, vector<16xi32> -> vector<16xf32>
        %add3A_92 = arith.addf %gather3A_87, %gather3A_91 : vector<16xf32>
        %broadcast_in_dim3A_93 = arith.constant 2 : i32
        %broadcast_in_dim3A_94 = vector.broadcast %broadcast_in_dim3A_93 : i32 to vector<16x1xi32>
        %gather3A_95 = vector.shape_cast %broadcast_in_dim3A_94 : vector<16x1xi32> to vector<16xi32>
        %gather3A_96 = tpu.dynamic_gather %select_n3A_84[%gather3A_95] in [0] : vector<16xf32>, vector<16xi32> -> vector<16xf32>
        %add3A_97 = arith.addf %add3A_92, %gather3A_96 : vector<16xf32>
        %lt3A_98 = arith.constant 3 : i32
        %lt3A_99 = vector.broadcast %lt3A_98 : i32 to vector<16xi32>
        %lt3A_100 = arith.cmpi slt, %iota3A, %lt3A_99 : vector<16xi32>
        %select_n3A_101 = arith.select %lt3A_100, %sub3A, %select_n3A_77 : vector<16xi1>, vector<16xf32>
        %swap3A = arith.index_cast %scan3A_56 : i32 to index
        %swap3A_102 = arith.constant 0 : index
        %swap3A_103 = tpu.vector_load %arg22[%swap3A, %swap3A_102] {strides = array<i32>} : memref<80x16xf32, #tpu.memory_space<vmem>>, vector<1x16xf32>,
        %swap3A_104 = vector.shape_cast %swap3A_103 : vector<1x16xf32> to vector<16xf32>
        %swap3A_105 = vector.shape_cast %select_n3A_101 : vector<16xf32> to vector<1x16xf32>
        tpu.vector_store %arg22[%swap3A, %swap3A_102], %swap3A_105 {strides = array<i32>} : memref<80x16xf32, #tpu.memory_space<vmem>>, vector<1x16xf32>,
        %get3A_106 = arith.index_cast %scan3A_56 : i32 to index
        %get3A_107 = tpu.vector_load %arg14[%get3A_106] {strides = array<i32>} : memref<80xi32, #tpu.memory_space<vmem>>, vector<16xi32>,
        %get3A_108 = vector.shape_cast %get3A_107 : vector<16xi32> to vector<16xi32>
        %slice3A = vector.extract_strided_slice %get3A_108 {offsets = [0], sizes = [1], strides = [1]} : vector<16xi32> to vector<1xi32>
        %squeeze3A = vector.extract %slice3A[0] : i32 from vector<1xi32>
        %and3A_109 = arith.constant 3 : i32
        %and3A_110 = arith.andi %squeeze3A, %and3A_109 : i32
        %mul3A_111 = arith.constant 4 : i32
        %mul3A_112 = arith.muli %and3A_110, %mul3A_111 : i32
        %ge3A_113 = vector.broadcast %mul3A_112 : i32 to vector<16xi32>
        %ge3A_114 = arith.cmpi sge, %iota3A, %ge3A_113 : vector<16xi32>
        %add3A_115 = arith.constant 4 : i32
        %add3A_116 = arith.addi %mul3A_112, %add3A_115 : i32
        %lt3A_117 = vector.broadcast %add3A_116 : i32 to vector<16xi32>
        %lt3A_118 = arith.cmpi slt, %iota3A, %lt3A_117 : vector<16xi32>
        %and3A_119 = arith.andi %ge3A_114, %lt3A_118 : vector<16xi1>
        %sub3A_120 = vector.broadcast %mul3A_112 : i32 to vector<16xi32>
        %sub3A_121 = arith.subi %iota3A, %sub3A_120 : vector<16xi32>
        %add3A_122 = arith.constant 3 : i32
        %add3A_123 = vector.broadcast %add3A_122 : i32 to vector<16xi32>
        %add3A_124 = arith.addi %sub3A_121, %add3A_123 : vector<16xi32>
        %jit3A_125 = arith.constant 0 : i32
        %jit3A_126 = arith.constant 15 : i32
        %max3A = vector.broadcast %jit3A_125 : i32 to vector<16xi32>
        %max3A_127 = arith.maxsi %max3A, %add3A_124 : vector<16xi32>
        %min3A = vector.broadcast %jit3A_126 : i32 to vector<16xi32>
        %min3A_128 = arith.minsi %min3A, %max3A_127 : vector<16xi32>
        %reshape3A = vector.shape_cast %min3A_128 : vector<16xi32> to vector<16x1xi32>
        %gather3A_129 = vector.shape_cast %reshape3A : vector<16x1xi32> to vector<16xi32>
        %gather3A_130 = tpu.dynamic_gather %select_n3A_77[%gather3A_129] in [0] : vector<16xf32>, vector<16xi32> -> vector<16xf32>
        %jit3A_131 = arith.constant 0.000000e+00 : f32
        %broadcast_in_dim3A_132 = vector.broadcast %jit3A_131 : f32 to vector<16xf32>
        %select_n3A_133 = arith.select %and3A_119, %gather3A_130, %broadcast_in_dim3A_132 : vector<16xi1>, vector<16xf32>
        %shift_right_arithmetic3A = arith.constant 2 : i32
        %shift_right_arithmetic3A_134 = arith.shrsi %squeeze3A, %shift_right_arithmetic3A : i32
        %get3A_135 = arith.index_cast %shift_right_arithmetic3A_134 : i32 to index
        %get3A_136 = arith.constant 0 : index
        %get3A_137 = tpu.vector_load %arg23[%get3A_135, %get3A_136] {strides = array<i32>} : memref<2512x16xf32, #tpu.memory_space<vmem>>, vector<1x16xf32>,
        %get3A_138 = vector.shape_cast %get3A_137 : vector<1x16xf32> to vector<16xf32>
        %add3A_139 = arith.addf %get3A_138, %select_n3A_133 : vector<16xf32>
        %swap3A_140 = arith.index_cast %shift_right_arithmetic3A_134 : i32 to index
        %swap3A_141 = arith.constant 0 : index
        %swap3A_142 = tpu.vector_load %arg23[%swap3A_140, %swap3A_141] {strides = array<i32>} : memref<2512x16xf32, #tpu.memory_space<vmem>>, vector<1x16xf32>,
        %swap3A_143 = vector.shape_cast %swap3A_142 : vector<1x16xf32> to vector<16xf32>
        %swap3A_144 = vector.shape_cast %add3A_139 : vector<16xf32> to vector<1x16xf32>
        tpu.vector_store %arg23[%swap3A_140, %swap3A_141], %swap3A_144 {strides = array<i32>} : memref<2512x16xf32, #tpu.memory_space<vmem>>, vector<1x16xf32>,
        %mul3A_145 = arith.constant 4 : i32
        %mul3A_146 = arith.muli %mul3A_145, %scan3A_56 : i32
        %get3A_147 = arith.index_cast %mul3A_146 : i32 to index
        %get3A_148 = tpu.vector_load %arg16[%get3A_147] {strides = array<i32>} : memref<336xf32, #tpu.memory_space<vmem>>, vector<16xf32>,
        %get3A_149 = vector.shape_cast %get3A_148 : vector<16xf32> to vector<16xf32>
        %broadcast_in_dim3A_150 = arith.constant 0 : i32
        %broadcast_in_dim3A_151 = vector.broadcast %broadcast_in_dim3A_150 : i32 to vector<16x1xi32>
        %gather3A_152 = vector.shape_cast %broadcast_in_dim3A_151 : vector<16x1xi32> to vector<16xi32>
        %gather3A_153 = tpu.dynamic_gather %get3A_149[%gather3A_152] in [0] : vector<16xf32>, vector<16xi32> -> vector<16xf32>
        %broadcast_in_dim3A_154 = arith.constant 1 : i32
        %broadcast_in_dim3A_155 = vector.broadcast %broadcast_in_dim3A_154 : i32 to vector<16x1xi32>
        %gather3A_156 = vector.shape_cast %broadcast_in_dim3A_155 : vector<16x1xi32> to vector<16xi32>
        %gather3A_157 = tpu.dynamic_gather %get3A_149[%gather3A_156] in [0] : vector<16xf32>, vector<16xi32> -> vector<16xf32>
        %broadcast_in_dim3A_158 = arith.constant 2 : i32
        %broadcast_in_dim3A_159 = vector.broadcast %broadcast_in_dim3A_158 : i32 to vector<16x1xi32>
        %gather3A_160 = vector.shape_cast %broadcast_in_dim3A_159 : vector<16x1xi32> to vector<16xi32>
        %gather3A_161 = tpu.dynamic_gather %get3A_149[%gather3A_160] in [0] : vector<16xf32>, vector<16xi32> -> vector<16xf32>
        %broadcast_in_dim3A_162 = arith.constant 3 : i32
        %broadcast_in_dim3A_163 = vector.broadcast %broadcast_in_dim3A_162 : i32 to vector<16x1xi32>
        %gather3A_164 = vector.shape_cast %broadcast_in_dim3A_163 : vector<16x1xi32> to vector<16xi32>
        %gather3A_165 = tpu.dynamic_gather %get3A_149[%gather3A_164] in [0] : vector<16xf32>, vector<16xi32> -> vector<16xf32>
        %get3A_166 = arith.index_cast %scan3A_56 : i32 to index
        %get3A_167 = arith.constant 0 : index
        %get3A_168 = tpu.vector_load %arg17[%get3A_166, %get3A_167] {strides = array<i32>} : memref<80x128xf32, #tpu.memory_space<vmem>>, vector<1x16xf32>,
        %get3A_169 = vector.shape_cast %get3A_168 : vector<1x16xf32> to vector<16xf32>
        %get3A_170 = arith.index_cast %scan3A_56 : i32 to index
        %get3A_171 = arith.constant 0 : index
        %get3A_172 = tpu.vector_load %arg18[%get3A_170, %get3A_171] {strides = array<i32>} : memref<80x128xf32, #tpu.memory_space<vmem>>, vector<1x16xf32>,
        %get3A_173 = vector.shape_cast %get3A_172 : vector<1x16xf32> to vector<16xf32>
        %add3A_174 = arith.addf %get3A_169, %get3A_173 : vector<16xf32>
        %get3A_175 = arith.constant 0 : index
        %get3A_176 = tpu.vector_load %arg24[%get3A_175] {strides = array<i32>} : memref<128xf32, #tpu.memory_space<vmem>>, vector<16xf32>,
        %get3A_177 = vector.shape_cast %get3A_176 : vector<16xf32> to vector<16xf32>
        %mul3A_178 = arith.mulf %add3A_97, %get3A_177 : vector<16xf32>
        %add3A_179 = arith.addf %add3A_174, %mul3A_178 : vector<16xf32>
        %get3A_180 = arith.constant 0 : i32
        %get3A_181 = arith.index_cast %get3A_180 : i32 to index
        %get3A_182 = arith.constant 0 : index
        %get3A_183 = tpu.vector_load %arg25[%get3A_181, %get3A_182] {strides = array<i32>} : memref<4x128xf32, #tpu.memory_space<vmem>>, vector<1x16xf32>,
        %get3A_184 = vector.shape_cast %get3A_183 : vector<1x16xf32> to vector<16xf32>
        %mul3A_185 = arith.mulf %gather3A_153, %get3A_184 : vector<16xf32>
        %add3A_186 = arith.addf %add3A_179, %mul3A_185 : vector<16xf32>
        %get3A_187 = arith.constant 1 : i32
        %get3A_188 = arith.index_cast %get3A_187 : i32 to index
        %get3A_189 = arith.constant 0 : index
        %get3A_190 = tpu.vector_load %arg25[%get3A_188, %get3A_189] {strides = array<i32>} : memref<4x128xf32, #tpu.memory_space<vmem>>, vector<1x16xf32>,
        %get3A_191 = vector.shape_cast %get3A_190 : vector<1x16xf32> to vector<16xf32>
        %mul3A_192 = arith.mulf %gather3A_157, %get3A_191 : vector<16xf32>
        %add3A_193 = arith.addf %add3A_186, %mul3A_192 : vector<16xf32>
        %get3A_194 = arith.constant 2 : i32
        %get3A_195 = arith.index_cast %get3A_194 : i32 to index
        %get3A_196 = arith.constant 0 : index
        %get3A_197 = tpu.vector_load %arg25[%get3A_195, %get3A_196] {strides = array<i32>} : memref<4x128xf32, #tpu.memory_space<vmem>>, vector<1x16xf32>,
        %get3A_198 = vector.shape_cast %get3A_197 : vector<1x16xf32> to vector<16xf32>
        %mul3A_199 = arith.mulf %gather3A_161, %get3A_198 : vector<16xf32>
        %add3A_200 = arith.addf %add3A_193, %mul3A_199 : vector<16xf32>
        %get3A_201 = arith.constant 3 : i32
        %get3A_202 = arith.index_cast %get3A_201 : i32 to index
        %get3A_203 = arith.constant 0 : index
        %get3A_204 = tpu.vector_load %arg25[%get3A_202, %get3A_203] {strides = array<i32>} : memref<4x128xf32, #tpu.memory_space<vmem>>, vector<1x16xf32>,
        %get3A_205 = vector.shape_cast %get3A_204 : vector<1x16xf32> to vector<16xf32>
        %mul3A_206 = arith.mulf %gather3A_165, %get3A_205 : vector<16xf32>
        %add3A_207 = arith.addf %add3A_200, %mul3A_206 : vector<16xf32>
        %neg3A = arith.constant 0.000000e+00 : f32
        %neg3A_208 = vector.broadcast %neg3A : f32 to vector<16xf32>
        %neg3A_209 = arith.subf %neg3A_208, %add3A_207 : vector<16xf32>
        %exp3A_210 = math.exp %neg3A_209 : vector<16xf32>
        %add3A_211 = arith.constant 1.000000e+00 : f32
        %add3A_212 = vector.broadcast %add3A_211 : f32 to vector<16xf32>
        %add3A_213 = arith.addf %add3A_212, %exp3A_210 : vector<16xf32>
        %div3A = arith.constant 1.000000e+00 : f32
        %div3A_214 = vector.broadcast %div3A : f32 to vector<16xf32>
        %div3A_215 = arith.divf %div3A_214, %add3A_213 : vector<16xf32>
        %mul3A_216 = arith.mulf %add3A_207, %div3A_215 : vector<16xf32>
        %swap3A_217 = arith.index_cast %scan3A_56 : i32 to index
        %swap3A_218 = arith.constant 0 : index
        %swap3A_219 = tpu.vector_load %arg21[%swap3A_217, %swap3A_218] {strides = array<i32>} : memref<80x128xf32, #tpu.memory_space<vmem>>, vector<1x16xf32>,
        %swap3A_220 = vector.shape_cast %swap3A_219 : vector<1x16xf32> to vector<16xf32>
        %swap3A_221 = vector.shape_cast %mul3A_216 : vector<16xf32> to vector<1x16xf32>
        tpu.vector_store %arg21[%swap3A_217, %swap3A_218], %swap3A_221 {strides = array<i32>} : memref<80x128xf32, #tpu.memory_space<vmem>>, vector<1x16xf32>,
        %get3A_222 = arith.index_cast %scan3A_56 : i32 to index
        %get3A_223 = arith.constant 16 : index
        %get3A_224 = tpu.vector_load %arg17[%get3A_222, %get3A_223] {strides = array<i32>} : memref<80x128xf32, #tpu.memory_space<vmem>>, vector<1x16xf32>,
        %get3A_225 = vector.shape_cast %get3A_224 : vector<1x16xf32> to vector<16xf32>
        %get3A_226 = arith.index_cast %scan3A_56 : i32 to index
        %get3A_227 = arith.constant 16 : index
        %get3A_228 = tpu.vector_load %arg18[%get3A_226, %get3A_227] {strides = array<i32>} : memref<80x128xf32, #tpu.memory_space<vmem>>, vector<1x16xf32>,
        %get3A_229 = vector.shape_cast %get3A_228 : vector<1x16xf32> to vector<16xf32>
        %add3A_230 = arith.addf %get3A_225, %get3A_229 : vector<16xf32>
        %get3A_231 = arith.constant 16 : index
        %get3A_232 = tpu.vector_load %arg24[%get3A_231] {strides = array<i32>} : memref<128xf32, #tpu.memory_space<vmem>>, vector<16xf32>,
        %get3A_233 = vector.shape_cast %get3A_232 : vector<16xf32> to vector<16xf32>
        %mul3A_234 = arith.mulf %add3A_97, %get3A_233 : vector<16xf32>
        %add3A_235 = arith.addf %add3A_230, %mul3A_234 : vector<16xf32>
        %get3A_236 = arith.constant 0 : i32
        %get3A_237 = arith.index_cast %get3A_236 : i32 to index
        %get3A_238 = arith.constant 16 : index
        %get3A_239 = tpu.vector_load %arg25[%get3A_237, %get3A_238] {strides = array<i32>} : memref<4x128xf32, #tpu.memory_space<vmem>>, vector<1x16xf32>,
        %get3A_240 = vector.shape_cast %get3A_239 : vector<1x16xf32> to vector<16xf32>
        %mul3A_241 = arith.mulf %gather3A_153, %get3A_240 : vector<16xf32>
        %add3A_242 = arith.addf %add3A_235, %mul3A_241 : vector<16xf32>
        %get3A_243 = arith.constant 1 : i32
        %get3A_244 = arith.index_cast %get3A_243 : i32 to index
        %get3A_245 = arith.constant 16 : index
        %get3A_246 = tpu.vector_load %arg25[%get3A_244, %get3A_245] {strides = array<i32>} : memref<4x128xf32, #tpu.memory_space<vmem>>, vector<1x16xf32>,
        %get3A_247 = vector.shape_cast %get3A_246 : vector<1x16xf32> to vector<16xf32>
        %mul3A_248 = arith.mulf %gather3A_157, %get3A_247 : vector<16xf32>
        %add3A_249 = arith.addf %add3A_242, %mul3A_248 : vector<16xf32>
        %get3A_250 = arith.constant 2 : i32
        %get3A_251 = arith.index_cast %get3A_250 : i32 to index
        %get3A_252 = arith.constant 16 : index
        %get3A_253 = tpu.vector_load %arg25[%get3A_251, %get3A_252] {strides = array<i32>} : memref<4x128xf32, #tpu.memory_space<vmem>>, vector<1x16xf32>,
        %get3A_254 = vector.shape_cast %get3A_253 : vector<1x16xf32> to vector<16xf32>
        %mul3A_255 = arith.mulf %gather3A_161, %get3A_254 : vector<16xf32>
        %add3A_256 = arith.addf %add3A_249, %mul3A_255 : vector<16xf32>
        %get3A_257 = arith.constant 3 : i32
        %get3A_258 = arith.index_cast %get3A_257 : i32 to index
        %get3A_259 = arith.constant 16 : index
        %get3A_260 = tpu.vector_load %arg25[%get3A_258, %get3A_259] {strides = array<i32>} : memref<4x128xf32, #tpu.memory_space<vmem>>, vector<1x16xf32>,
        %get3A_261 = vector.shape_cast %get3A_260 : vector<1x16xf32> to vector<16xf32>
        %mul3A_262 = arith.mulf %gather3A_165, %get3A_261 : vector<16xf32>
        %add3A_263 = arith.addf %add3A_256, %mul3A_262 : vector<16xf32>
        %neg3A_264 = arith.constant 0.000000e+00 : f32
        %neg3A_265 = vector.broadcast %neg3A_264 : f32 to vector<16xf32>
        %neg3A_266 = arith.subf %neg3A_265, %add3A_263 : vector<16xf32>
        %exp3A_267 = math.exp %neg3A_266 : vector<16xf32>
        %add3A_268 = arith.constant 1.000000e+00 : f32
        %add3A_269 = vector.broadcast %add3A_268 : f32 to vector<16xf32>
        %add3A_270 = arith.addf %add3A_269, %exp3A_267 : vector<16xf32>
        %div3A_271 = arith.constant 1.000000e+00 : f32
        %div3A_272 = vector.broadcast %div3A_271 : f32 to vector<16xf32>
        %div3A_273 = arith.divf %div3A_272, %add3A_270 : vector<16xf32>
        %mul3A_274 = arith.mulf %add3A_263, %div3A_273 : vector<16xf32>
        %swap3A_275 = arith.index_cast %scan3A_56 : i32 to index
        %swap3A_276 = arith.constant 16 : index
        %swap3A_277 = tpu.vector_load %arg21[%swap3A_275, %swap3A_276] {strides = array<i32>} : memref<80x128xf32, #tpu.memory_space<vmem>>, vector<1x16xf32>,
        %swap3A_278 = vector.shape_cast %swap3A_277 : vector<1x16xf32> to vector<16xf32>
        %swap3A_279 = vector.shape_cast %mul3A_274 : vector<16xf32> to vector<1x16xf32>
        tpu.vector_store %arg21[%swap3A_275, %swap3A_276], %swap3A_279 {strides = array<i32>} : memref<80x128xf32, #tpu.memory_space<vmem>>, vector<1x16xf32>,
        %get3A_280 = arith.index_cast %scan3A_56 : i32 to index
        %get3A_281 = arith.constant 32 : index
        %get3A_282 = tpu.vector_load %arg17[%get3A_280, %get3A_281] {strides = array<i32>} : memref<80x128xf32, #tpu.memory_space<vmem>>, vector<1x16xf32>,
        %get3A_283 = vector.shape_cast %get3A_282 : vector<1x16xf32> to vector<16xf32>
        %get3A_284 = arith.index_cast %scan3A_56 : i32 to index
        %get3A_285 = arith.constant 32 : index
        %get3A_286 = tpu.vector_load %arg18[%get3A_284, %get3A_285] {strides = array<i32>} : memref<80x128xf32, #tpu.memory_space<vmem>>, vector<1x16xf32>,
        %get3A_287 = vector.shape_cast %get3A_286 : vector<1x16xf32> to vector<16xf32>
        %add3A_288 = arith.addf %get3A_283, %get3A_287 : vector<16xf32>
        %get3A_289 = arith.constant 32 : index
        %get3A_290 = tpu.vector_load %arg24[%get3A_289] {strides = array<i32>} : memref<128xf32, #tpu.memory_space<vmem>>, vector<16xf32>,
        %get3A_291 = vector.shape_cast %get3A_290 : vector<16xf32> to vector<16xf32>
        %mul3A_292 = arith.mulf %add3A_97, %get3A_291 : vector<16xf32>
        %add3A_293 = arith.addf %add3A_288, %mul3A_292 : vector<16xf32>
        %get3A_294 = arith.constant 0 : i32
        %get3A_295 = arith.index_cast %get3A_294 : i32 to index
        %get3A_296 = arith.constant 32 : index
        %get3A_297 = tpu.vector_load %arg25[%get3A_295, %get3A_296] {strides = array<i32>} : memref<4x128xf32, #tpu.memory_space<vmem>>, vector<1x16xf32>,
        %get3A_298 = vector.shape_cast %get3A_297 : vector<1x16xf32> to vector<16xf32>
        %mul3A_299 = arith.mulf %gather3A_153, %get3A_298 : vector<16xf32>
        %add3A_300 = arith.addf %add3A_293, %mul3A_299 : vector<16xf32>
        %get3A_301 = arith.constant 1 : i32
        %get3A_302 = arith.index_cast %get3A_301 : i32 to index
        %get3A_303 = arith.constant 32 : index
        %get3A_304 = tpu.vector_load %arg25[%get3A_302, %get3A_303] {strides = array<i32>} : memref<4x128xf32, #tpu.memory_space<vmem>>, vector<1x16xf32>,
        %get3A_305 = vector.shape_cast %get3A_304 : vector<1x16xf32> to vector<16xf32>
        %mul3A_306 = arith.mulf %gather3A_157, %get3A_305 : vector<16xf32>
        %add3A_307 = arith.addf %add3A_300, %mul3A_306 : vector<16xf32>
        %get3A_308 = arith.constant 2 : i32
        %get3A_309 = arith.index_cast %get3A_308 : i32 to index
        %get3A_310 = arith.constant 32 : index
        %get3A_311 = tpu.vector_load %arg25[%get3A_309, %get3A_310] {strides = array<i32>} : memref<4x128xf32, #tpu.memory_space<vmem>>, vector<1x16xf32>,
        %get3A_312 = vector.shape_cast %get3A_311 : vector<1x16xf32> to vector<16xf32>
        %mul3A_313 = arith.mulf %gather3A_161, %get3A_312 : vector<16xf32>
        %add3A_314 = arith.addf %add3A_307, %mul3A_313 : vector<16xf32>
        %get3A_315 = arith.constant 3 : i32
        %get3A_316 = arith.index_cast %get3A_315 : i32 to index
        %get3A_317 = arith.constant 32 : index
        %get3A_318 = tpu.vector_load %arg25[%get3A_316, %get3A_317] {strides = array<i32>} : memref<4x128xf32, #tpu.memory_space<vmem>>, vector<1x16xf32>,
        %get3A_319 = vector.shape_cast %get3A_318 : vector<1x16xf32> to vector<16xf32>
        %mul3A_320 = arith.mulf %gather3A_165, %get3A_319 : vector<16xf32>
        %add3A_321 = arith.addf %add3A_314, %mul3A_320 : vector<16xf32>
        %neg3A_322 = arith.constant 0.000000e+00 : f32
        %neg3A_323 = vector.broadcast %neg3A_322 : f32 to vector<16xf32>
        %neg3A_324 = arith.subf %neg3A_323, %add3A_321 : vector<16xf32>
        %exp3A_325 = math.exp %neg3A_324 : vector<16xf32>
        %add3A_326 = arith.constant 1.000000e+00 : f32
        %add3A_327 = vector.broadcast %add3A_326 : f32 to vector<16xf32>
        %add3A_328 = arith.addf %add3A_327, %exp3A_325 : vector<16xf32>
        %div3A_329 = arith.constant 1.000000e+00 : f32
        %div3A_330 = vector.broadcast %div3A_329 : f32 to vector<16xf32>
        %div3A_331 = arith.divf %div3A_330, %add3A_328 : vector<16xf32>
        %mul3A_332 = arith.mulf %add3A_321, %div3A_331 : vector<16xf32>
        %swap3A_333 = arith.index_cast %scan3A_56 : i32 to index
        %swap3A_334 = arith.constant 32 : index
        %swap3A_335 = tpu.vector_load %arg21[%swap3A_333, %swap3A_334] {strides = array<i32>} : memref<80x128xf32, #tpu.memory_space<vmem>>, vector<1x16xf32>,
        %swap3A_336 = vector.shape_cast %swap3A_335 : vector<1x16xf32> to vector<16xf32>
        %swap3A_337 = vector.shape_cast %mul3A_332 : vector<16xf32> to vector<1x16xf32>
        tpu.vector_store %arg21[%swap3A_333, %swap3A_334], %swap3A_337 {strides = array<i32>} : memref<80x128xf32, #tpu.memory_space<vmem>>, vector<1x16xf32>,
        %get3A_338 = arith.index_cast %scan3A_56 : i32 to index
        %get3A_339 = arith.constant 48 : index
        %get3A_340 = tpu.vector_load %arg17[%get3A_338, %get3A_339] {strides = array<i32>} : memref<80x128xf32, #tpu.memory_space<vmem>>, vector<1x16xf32>,
        %get3A_341 = vector.shape_cast %get3A_340 : vector<1x16xf32> to vector<16xf32>
        %get3A_342 = arith.index_cast %scan3A_56 : i32 to index
        %get3A_343 = arith.constant 48 : index
        %get3A_344 = tpu.vector_load %arg18[%get3A_342, %get3A_343] {strides = array<i32>} : memref<80x128xf32, #tpu.memory_space<vmem>>, vector<1x16xf32>,
        %get3A_345 = vector.shape_cast %get3A_344 : vector<1x16xf32> to vector<16xf32>
        %add3A_346 = arith.addf %get3A_341, %get3A_345 : vector<16xf32>
        %get3A_347 = arith.constant 48 : index
        %get3A_348 = tpu.vector_load %arg24[%get3A_347] {strides = array<i32>} : memref<128xf32, #tpu.memory_space<vmem>>, vector<16xf32>,
        %get3A_349 = vector.shape_cast %get3A_348 : vector<16xf32> to vector<16xf32>
        %mul3A_350 = arith.mulf %add3A_97, %get3A_349 : vector<16xf32>
        %add3A_351 = arith.addf %add3A_346, %mul3A_350 : vector<16xf32>
        %get3A_352 = arith.constant 0 : i32
        %get3A_353 = arith.index_cast %get3A_352 : i32 to index
        %get3A_354 = arith.constant 48 : index
        %get3A_355 = tpu.vector_load %arg25[%get3A_353, %get3A_354] {strides = array<i32>} : memref<4x128xf32, #tpu.memory_space<vmem>>, vector<1x16xf32>,
        %get3A_356 = vector.shape_cast %get3A_355 : vector<1x16xf32> to vector<16xf32>
        %mul3A_357 = arith.mulf %gather3A_153, %get3A_356 : vector<16xf32>
        %add3A_358 = arith.addf %add3A_351, %mul3A_357 : vector<16xf32>
        %get3A_359 = arith.constant 1 : i32
        %get3A_360 = arith.index_cast %get3A_359 : i32 to index
        %get3A_361 = arith.constant 48 : index
        %get3A_362 = tpu.vector_load %arg25[%get3A_360, %get3A_361] {strides = array<i32>} : memref<4x128xf32, #tpu.memory_space<vmem>>, vector<1x16xf32>,
        %get3A_363 = vector.shape_cast %get3A_362 : vector<1x16xf32> to vector<16xf32>
        %mul3A_364 = arith.mulf %gather3A_157, %get3A_363 : vector<16xf32>
        %add3A_365 = arith.addf %add3A_358, %mul3A_364 : vector<16xf32>
        %get3A_366 = arith.constant 2 : i32
        %get3A_367 = arith.index_cast %get3A_366 : i32 to index
        %get3A_368 = arith.constant 48 : index
        %get3A_369 = tpu.vector_load %arg25[%get3A_367, %get3A_368] {strides = array<i32>} : memref<4x128xf32, #tpu.memory_space<vmem>>, vector<1x16xf32>,
        %get3A_370 = vector.shape_cast %get3A_369 : vector<1x16xf32> to vector<16xf32>
        %mul3A_371 = arith.mulf %gather3A_161, %get3A_370 : vector<16xf32>
        %add3A_372 = arith.addf %add3A_365, %mul3A_371 : vector<16xf32>
        %get3A_373 = arith.constant 3 : i32
        %get3A_374 = arith.index_cast %get3A_373 : i32 to index
        %get3A_375 = arith.constant 48 : index
        %get3A_376 = tpu.vector_load %arg25[%get3A_374, %get3A_375] {strides = array<i32>} : memref<4x128xf32, #tpu.memory_space<vmem>>, vector<1x16xf32>,
        %get3A_377 = vector.shape_cast %get3A_376 : vector<1x16xf32> to vector<16xf32>
        %mul3A_378 = arith.mulf %gather3A_165, %get3A_377 : vector<16xf32>
        %add3A_379 = arith.addf %add3A_372, %mul3A_378 : vector<16xf32>
        %neg3A_380 = arith.constant 0.000000e+00 : f32
        %neg3A_381 = vector.broadcast %neg3A_380 : f32 to vector<16xf32>
        %neg3A_382 = arith.subf %neg3A_381, %add3A_379 : vector<16xf32>
        %exp3A_383 = math.exp %neg3A_382 : vector<16xf32>
        %add3A_384 = arith.constant 1.000000e+00 : f32
        %add3A_385 = vector.broadcast %add3A_384 : f32 to vector<16xf32>
        %add3A_386 = arith.addf %add3A_385, %exp3A_383 : vector<16xf32>
        %div3A_387 = arith.constant 1.000000e+00 : f32
        %div3A_388 = vector.broadcast %div3A_387 : f32 to vector<16xf32>
        %div3A_389 = arith.divf %div3A_388, %add3A_386 : vector<16xf32>
        %mul3A_390 = arith.mulf %add3A_379, %div3A_389 : vector<16xf32>
        %swap3A_391 = arith.index_cast %scan3A_56 : i32 to index
        %swap3A_392 = arith.constant 48 : index
        %swap3A_393 = tpu.vector_load %arg21[%swap3A_391, %swap3A_392] {strides = array<i32>} : memref<80x128xf32, #tpu.memory_space<vmem>>, vector<1x16xf32>,
        %swap3A_394 = vector.shape_cast %swap3A_393 : vector<1x16xf32> to vector<16xf32>
        %swap3A_395 = vector.shape_cast %mul3A_390 : vector<16xf32> to vector<1x16xf32>
        tpu.vector_store %arg21[%swap3A_391, %swap3A_392], %swap3A_395 {strides = array<i32>} : memref<80x128xf32, #tpu.memory_space<vmem>>, vector<1x16xf32>,
        %get3A_396 = arith.index_cast %scan3A_56 : i32 to index
        %get3A_397 = arith.constant 64 : index
        %get3A_398 = tpu.vector_load %arg17[%get3A_396, %get3A_397] {strides = array<i32>} : memref<80x128xf32, #tpu.memory_space<vmem>>, vector<1x16xf32>,
        %get3A_399 = vector.shape_cast %get3A_398 : vector<1x16xf32> to vector<16xf32>
        %get3A_400 = arith.index_cast %scan3A_56 : i32 to index
        %get3A_401 = arith.constant 64 : index
        %get3A_402 = tpu.vector_load %arg18[%get3A_400, %get3A_401] {strides = array<i32>} : memref<80x128xf32, #tpu.memory_space<vmem>>, vector<1x16xf32>,
        %get3A_403 = vector.shape_cast %get3A_402 : vector<1x16xf32> to vector<16xf32>
        %add3A_404 = arith.addf %get3A_399, %get3A_403 : vector<16xf32>
        %get3A_405 = arith.constant 64 : index
        %get3A_406 = tpu.vector_load %arg24[%get3A_405] {strides = array<i32>} : memref<128xf32, #tpu.memory_space<vmem>>, vector<16xf32>,
        %get3A_407 = vector.shape_cast %get3A_406 : vector<16xf32> to vector<16xf32>
        %mul3A_408 = arith.mulf %add3A_97, %get3A_407 : vector<16xf32>
        %add3A_409 = arith.addf %add3A_404, %mul3A_408 : vector<16xf32>
        %get3A_410 = arith.constant 0 : i32
        %get3A_411 = arith.index_cast %get3A_410 : i32 to index
        %get3A_412 = arith.constant 64 : index
        %get3A_413 = tpu.vector_load %arg25[%get3A_411, %get3A_412] {strides = array<i32>} : memref<4x128xf32, #tpu.memory_space<vmem>>, vector<1x16xf32>,
        %get3A_414 = vector.shape_cast %get3A_413 : vector<1x16xf32> to vector<16xf32>
        %mul3A_415 = arith.mulf %gather3A_153, %get3A_414 : vector<16xf32>
        %add3A_416 = arith.addf %add3A_409, %mul3A_415 : vector<16xf32>
        %get3A_417 = arith.constant 1 : i32
        %get3A_418 = arith.index_cast %get3A_417 : i32 to index
        %get3A_419 = arith.constant 64 : index
        %get3A_420 = tpu.vector_load %arg25[%get3A_418, %get3A_419] {strides = array<i32>} : memref<4x128xf32, #tpu.memory_space<vmem>>, vector<1x16xf32>,
        %get3A_421 = vector.shape_cast %get3A_420 : vector<1x16xf32> to vector<16xf32>
        %mul3A_422 = arith.mulf %gather3A_157, %get3A_421 : vector<16xf32>
        %add3A_423 = arith.addf %add3A_416, %mul3A_422 : vector<16xf32>
        %get3A_424 = arith.constant 2 : i32
        %get3A_425 = arith.index_cast %get3A_424 : i32 to index
        %get3A_426 = arith.constant 64 : index
        %get3A_427 = tpu.vector_load %arg25[%get3A_425, %get3A_426] {strides = array<i32>} : memref<4x128xf32, #tpu.memory_space<vmem>>, vector<1x16xf32>,
        %get3A_428 = vector.shape_cast %get3A_427 : vector<1x16xf32> to vector<16xf32>
        %mul3A_429 = arith.mulf %gather3A_161, %get3A_428 : vector<16xf32>
        %add3A_430 = arith.addf %add3A_423, %mul3A_429 : vector<16xf32>
        %get3A_431 = arith.constant 3 : i32
        %get3A_432 = arith.index_cast %get3A_431 : i32 to index
        %get3A_433 = arith.constant 64 : index
        %get3A_434 = tpu.vector_load %arg25[%get3A_432, %get3A_433] {strides = array<i32>} : memref<4x128xf32, #tpu.memory_space<vmem>>, vector<1x16xf32>,
        %get3A_435 = vector.shape_cast %get3A_434 : vector<1x16xf32> to vector<16xf32>
        %mul3A_436 = arith.mulf %gather3A_165, %get3A_435 : vector<16xf32>
        %add3A_437 = arith.addf %add3A_430, %mul3A_436 : vector<16xf32>
        %neg3A_438 = arith.constant 0.000000e+00 : f32
        %neg3A_439 = vector.broadcast %neg3A_438 : f32 to vector<16xf32>
        %neg3A_440 = arith.subf %neg3A_439, %add3A_437 : vector<16xf32>
        %exp3A_441 = math.exp %neg3A_440 : vector<16xf32>
        %add3A_442 = arith.constant 1.000000e+00 : f32
        %add3A_443 = vector.broadcast %add3A_442 : f32 to vector<16xf32>
        %add3A_444 = arith.addf %add3A_443, %exp3A_441 : vector<16xf32>
        %div3A_445 = arith.constant 1.000000e+00 : f32
        %div3A_446 = vector.broadcast %div3A_445 : f32 to vector<16xf32>
        %div3A_447 = arith.divf %div3A_446, %add3A_444 : vector<16xf32>
        %mul3A_448 = arith.mulf %add3A_437, %div3A_447 : vector<16xf32>
        %swap3A_449 = arith.index_cast %scan3A_56 : i32 to index
        %swap3A_450 = arith.constant 64 : index
        %swap3A_451 = tpu.vector_load %arg21[%swap3A_449, %swap3A_450] {strides = array<i32>} : memref<80x128xf32, #tpu.memory_space<vmem>>, vector<1x16xf32>,
        %swap3A_452 = vector.shape_cast %swap3A_451 : vector<1x16xf32> to vector<16xf32>
        %swap3A_453 = vector.shape_cast %mul3A_448 : vector<16xf32> to vector<1x16xf32>
        tpu.vector_store %arg21[%swap3A_449, %swap3A_450], %swap3A_453 {strides = array<i32>} : memref<80x128xf32, #tpu.memory_space<vmem>>, vector<1x16xf32>,
        %get3A_454 = arith.index_cast %scan3A_56 : i32 to index
        %get3A_455 = arith.constant 80 : index
        %get3A_456 = tpu.vector_load %arg17[%get3A_454, %get3A_455] {strides = array<i32>} : memref<80x128xf32, #tpu.memory_space<vmem>>, vector<1x16xf32>,
        %get3A_457 = vector.shape_cast %get3A_456 : vector<1x16xf32> to vector<16xf32>
        %get3A_458 = arith.index_cast %scan3A_56 : i32 to index
        %get3A_459 = arith.constant 80 : index
        %get3A_460 = tpu.vector_load %arg18[%get3A_458, %get3A_459] {strides = array<i32>} : memref<80x128xf32, #tpu.memory_space<vmem>>, vector<1x16xf32>,
        %get3A_461 = vector.shape_cast %get3A_460 : vector<1x16xf32> to vector<16xf32>
        %add3A_462 = arith.addf %get3A_457, %get3A_461 : vector<16xf32>
        %get3A_463 = arith.constant 80 : index
        %get3A_464 = tpu.vector_load %arg24[%get3A_463] {strides = array<i32>} : memref<128xf32, #tpu.memory_space<vmem>>, vector<16xf32>,
        %get3A_465 = vector.shape_cast %get3A_464 : vector<16xf32> to vector<16xf32>
        %mul3A_466 = arith.mulf %add3A_97, %get3A_465 : vector<16xf32>
        %add3A_467 = arith.addf %add3A_462, %mul3A_466 : vector<16xf32>
        %get3A_468 = arith.constant 0 : i32
        %get3A_469 = arith.index_cast %get3A_468 : i32 to index
        %get3A_470 = arith.constant 80 : index
        %get3A_471 = tpu.vector_load %arg25[%get3A_469, %get3A_470] {strides = array<i32>} : memref<4x128xf32, #tpu.memory_space<vmem>>, vector<1x16xf32>,
        %get3A_472 = vector.shape_cast %get3A_471 : vector<1x16xf32> to vector<16xf32>
        %mul3A_473 = arith.mulf %gather3A_153, %get3A_472 : vector<16xf32>
        %add3A_474 = arith.addf %add3A_467, %mul3A_473 : vector<16xf32>
        %get3A_475 = arith.constant 1 : i32
        %get3A_476 = arith.index_cast %get3A_475 : i32 to index
        %get3A_477 = arith.constant 80 : index
        %get3A_478 = tpu.vector_load %arg25[%get3A_476, %get3A_477] {strides = array<i32>} : memref<4x128xf32, #tpu.memory_space<vmem>>, vector<1x16xf32>,
        %get3A_479 = vector.shape_cast %get3A_478 : vector<1x16xf32> to vector<16xf32>
        %mul3A_480 = arith.mulf %gather3A_157, %get3A_479 : vector<16xf32>
        %add3A_481 = arith.addf %add3A_474, %mul3A_480 : vector<16xf32>
        %get3A_482 = arith.constant 2 : i32
        %get3A_483 = arith.index_cast %get3A_482 : i32 to index
        %get3A_484 = arith.constant 80 : index
        %get3A_485 = tpu.vector_load %arg25[%get3A_483, %get3A_484] {strides = array<i32>} : memref<4x128xf32, #tpu.memory_space<vmem>>, vector<1x16xf32>,
        %get3A_486 = vector.shape_cast %get3A_485 : vector<1x16xf32> to vector<16xf32>
        %mul3A_487 = arith.mulf %gather3A_161, %get3A_486 : vector<16xf32>
        %add3A_488 = arith.addf %add3A_481, %mul3A_487 : vector<16xf32>
        %get3A_489 = arith.constant 3 : i32
        %get3A_490 = arith.index_cast %get3A_489 : i32 to index
        %get3A_491 = arith.constant 80 : index
        %get3A_492 = tpu.vector_load %arg25[%get3A_490, %get3A_491] {strides = array<i32>} : memref<4x128xf32, #tpu.memory_space<vmem>>, vector<1x16xf32>,
        %get3A_493 = vector.shape_cast %get3A_492 : vector<1x16xf32> to vector<16xf32>
        %mul3A_494 = arith.mulf %gather3A_165, %get3A_493 : vector<16xf32>
        %add3A_495 = arith.addf %add3A_488, %mul3A_494 : vector<16xf32>
        %neg3A_496 = arith.constant 0.000000e+00 : f32
        %neg3A_497 = vector.broadcast %neg3A_496 : f32 to vector<16xf32>
        %neg3A_498 = arith.subf %neg3A_497, %add3A_495 : vector<16xf32>
        %exp3A_499 = math.exp %neg3A_498 : vector<16xf32>
        %add3A_500 = arith.constant 1.000000e+00 : f32
        %add3A_501 = vector.broadcast %add3A_500 : f32 to vector<16xf32>
        %add3A_502 = arith.addf %add3A_501, %exp3A_499 : vector<16xf32>
        %div3A_503 = arith.constant 1.000000e+00 : f32
        %div3A_504 = vector.broadcast %div3A_503 : f32 to vector<16xf32>
        %div3A_505 = arith.divf %div3A_504, %add3A_502 : vector<16xf32>
        %mul3A_506 = arith.mulf %add3A_495, %div3A_505 : vector<16xf32>
        %swap3A_507 = arith.index_cast %scan3A_56 : i32 to index
        %swap3A_508 = arith.constant 80 : index
        %swap3A_509 = tpu.vector_load %arg21[%swap3A_507, %swap3A_508] {strides = array<i32>} : memref<80x128xf32, #tpu.memory_space<vmem>>, vector<1x16xf32>,
        %swap3A_510 = vector.shape_cast %swap3A_509 : vector<1x16xf32> to vector<16xf32>
        %swap3A_511 = vector.shape_cast %mul3A_506 : vector<16xf32> to vector<1x16xf32>
        tpu.vector_store %arg21[%swap3A_507, %swap3A_508], %swap3A_511 {strides = array<i32>} : memref<80x128xf32, #tpu.memory_space<vmem>>, vector<1x16xf32>,
        %get3A_512 = arith.index_cast %scan3A_56 : i32 to index
        %get3A_513 = arith.constant 96 : index
        %get3A_514 = tpu.vector_load %arg17[%get3A_512, %get3A_513] {strides = array<i32>} : memref<80x128xf32, #tpu.memory_space<vmem>>, vector<1x16xf32>,
        %get3A_515 = vector.shape_cast %get3A_514 : vector<1x16xf32> to vector<16xf32>
        %get3A_516 = arith.index_cast %scan3A_56 : i32 to index
        %get3A_517 = arith.constant 96 : index
        %get3A_518 = tpu.vector_load %arg18[%get3A_516, %get3A_517] {strides = array<i32>} : memref<80x128xf32, #tpu.memory_space<vmem>>, vector<1x16xf32>,
        %get3A_519 = vector.shape_cast %get3A_518 : vector<1x16xf32> to vector<16xf32>
        %add3A_520 = arith.addf %get3A_515, %get3A_519 : vector<16xf32>
        %get3A_521 = arith.constant 96 : index
        %get3A_522 = tpu.vector_load %arg24[%get3A_521] {strides = array<i32>} : memref<128xf32, #tpu.memory_space<vmem>>, vector<16xf32>,
        %get3A_523 = vector.shape_cast %get3A_522 : vector<16xf32> to vector<16xf32>
        %mul3A_524 = arith.mulf %add3A_97, %get3A_523 : vector<16xf32>
        %add3A_525 = arith.addf %add3A_520, %mul3A_524 : vector<16xf32>
        %get3A_526 = arith.constant 0 : i32
        %get3A_527 = arith.index_cast %get3A_526 : i32 to index
        %get3A_528 = arith.constant 96 : index
        %get3A_529 = tpu.vector_load %arg25[%get3A_527, %get3A_528] {strides = array<i32>} : memref<4x128xf32, #tpu.memory_space<vmem>>, vector<1x16xf32>,
        %get3A_530 = vector.shape_cast %get3A_529 : vector<1x16xf32> to vector<16xf32>
        %mul3A_531 = arith.mulf %gather3A_153, %get3A_530 : vector<16xf32>
        %add3A_532 = arith.addf %add3A_525, %mul3A_531 : vector<16xf32>
        %get3A_533 = arith.constant 1 : i32
        %get3A_534 = arith.index_cast %get3A_533 : i32 to index
        %get3A_535 = arith.constant 96 : index
        %get3A_536 = tpu.vector_load %arg25[%get3A_534, %get3A_535] {strides = array<i32>} : memref<4x128xf32, #tpu.memory_space<vmem>>, vector<1x16xf32>,
        %get3A_537 = vector.shape_cast %get3A_536 : vector<1x16xf32> to vector<16xf32>
        %mul3A_538 = arith.mulf %gather3A_157, %get3A_537 : vector<16xf32>
        %add3A_539 = arith.addf %add3A_532, %mul3A_538 : vector<16xf32>
        %get3A_540 = arith.constant 2 : i32
        %get3A_541 = arith.index_cast %get3A_540 : i32 to index
        %get3A_542 = arith.constant 96 : index
        %get3A_543 = tpu.vector_load %arg25[%get3A_541, %get3A_542] {strides = array<i32>} : memref<4x128xf32, #tpu.memory_space<vmem>>, vector<1x16xf32>,
        %get3A_544 = vector.shape_cast %get3A_543 : vector<1x16xf32> to vector<16xf32>
        %mul3A_545 = arith.mulf %gather3A_161, %get3A_544 : vector<16xf32>
        %add3A_546 = arith.addf %add3A_539, %mul3A_545 : vector<16xf32>
        %get3A_547 = arith.constant 3 : i32
        %get3A_548 = arith.index_cast %get3A_547 : i32 to index
        %get3A_549 = arith.constant 96 : index
        %get3A_550 = tpu.vector_load %arg25[%get3A_548, %get3A_549] {strides = array<i32>} : memref<4x128xf32, #tpu.memory_space<vmem>>, vector<1x16xf32>,
        %get3A_551 = vector.shape_cast %get3A_550 : vector<1x16xf32> to vector<16xf32>
        %mul3A_552 = arith.mulf %gather3A_165, %get3A_551 : vector<16xf32>
        %add3A_553 = arith.addf %add3A_546, %mul3A_552 : vector<16xf32>
        %neg3A_554 = arith.constant 0.000000e+00 : f32
        %neg3A_555 = vector.broadcast %neg3A_554 : f32 to vector<16xf32>
        %neg3A_556 = arith.subf %neg3A_555, %add3A_553 : vector<16xf32>
        %exp3A_557 = math.exp %neg3A_556 : vector<16xf32>
        %add3A_558 = arith.constant 1.000000e+00 : f32
        %add3A_559 = vector.broadcast %add3A_558 : f32 to vector<16xf32>
        %add3A_560 = arith.addf %add3A_559, %exp3A_557 : vector<16xf32>
        %div3A_561 = arith.constant 1.000000e+00 : f32
        %div3A_562 = vector.broadcast %div3A_561 : f32 to vector<16xf32>
        %div3A_563 = arith.divf %div3A_562, %add3A_560 : vector<16xf32>
        %mul3A_564 = arith.mulf %add3A_553, %div3A_563 : vector<16xf32>
        %swap3A_565 = arith.index_cast %scan3A_56 : i32 to index
        %swap3A_566 = arith.constant 96 : index
        %swap3A_567 = tpu.vector_load %arg21[%swap3A_565, %swap3A_566] {strides = array<i32>} : memref<80x128xf32, #tpu.memory_space<vmem>>, vector<1x16xf32>,
        %swap3A_568 = vector.shape_cast %swap3A_567 : vector<1x16xf32> to vector<16xf32>
        %swap3A_569 = vector.shape_cast %mul3A_564 : vector<16xf32> to vector<1x16xf32>
        tpu.vector_store %arg21[%swap3A_565, %swap3A_566], %swap3A_569 {strides = array<i32>} : memref<80x128xf32, #tpu.memory_space<vmem>>, vector<1x16xf32>,
        %get3A_570 = arith.index_cast %scan3A_56 : i32 to index
        %get3A_571 = arith.constant 112 : index
        %get3A_572 = tpu.vector_load %arg17[%get3A_570, %get3A_571] {strides = array<i32>} : memref<80x128xf32, #tpu.memory_space<vmem>>, vector<1x16xf32>,
        %get3A_573 = vector.shape_cast %get3A_572 : vector<1x16xf32> to vector<16xf32>
        %get3A_574 = arith.index_cast %scan3A_56 : i32 to index
        %get3A_575 = arith.constant 112 : index
        %get3A_576 = tpu.vector_load %arg18[%get3A_574, %get3A_575] {strides = array<i32>} : memref<80x128xf32, #tpu.memory_space<vmem>>, vector<1x16xf32>,
        %get3A_577 = vector.shape_cast %get3A_576 : vector<1x16xf32> to vector<16xf32>
        %add3A_578 = arith.addf %get3A_573, %get3A_577 : vector<16xf32>
        %get3A_579 = arith.constant 112 : index
        %get3A_580 = tpu.vector_load %arg24[%get3A_579] {strides = array<i32>} : memref<128xf32, #tpu.memory_space<vmem>>, vector<16xf32>,
        %get3A_581 = vector.shape_cast %get3A_580 : vector<16xf32> to vector<16xf32>
        %mul3A_582 = arith.mulf %add3A_97, %get3A_581 : vector<16xf32>
        %add3A_583 = arith.addf %add3A_578, %mul3A_582 : vector<16xf32>
        %get3A_584 = arith.constant 0 : i32
        %get3A_585 = arith.index_cast %get3A_584 : i32 to index
        %get3A_586 = arith.constant 112 : index
        %get3A_587 = tpu.vector_load %arg25[%get3A_585, %get3A_586] {strides = array<i32>} : memref<4x128xf32, #tpu.memory_space<vmem>>, vector<1x16xf32>,
        %get3A_588 = vector.shape_cast %get3A_587 : vector<1x16xf32> to vector<16xf32>
        %mul3A_589 = arith.mulf %gather3A_153, %get3A_588 : vector<16xf32>
        %add3A_590 = arith.addf %add3A_583, %mul3A_589 : vector<16xf32>
        %get3A_591 = arith.constant 1 : i32
        %get3A_592 = arith.index_cast %get3A_591 : i32 to index
        %get3A_593 = arith.constant 112 : index
        %get3A_594 = tpu.vector_load %arg25[%get3A_592, %get3A_593] {strides = array<i32>} : memref<4x128xf32, #tpu.memory_space<vmem>>, vector<1x16xf32>,
        %get3A_595 = vector.shape_cast %get3A_594 : vector<1x16xf32> to vector<16xf32>
        %mul3A_596 = arith.mulf %gather3A_157, %get3A_595 : vector<16xf32>
        %add3A_597 = arith.addf %add3A_590, %mul3A_596 : vector<16xf32>
        %get3A_598 = arith.constant 2 : i32
        %get3A_599 = arith.index_cast %get3A_598 : i32 to index
        %get3A_600 = arith.constant 112 : index
        %get3A_601 = tpu.vector_load %arg25[%get3A_599, %get3A_600] {strides = array<i32>} : memref<4x128xf32, #tpu.memory_space<vmem>>, vector<1x16xf32>,
        %get3A_602 = vector.shape_cast %get3A_601 : vector<1x16xf32> to vector<16xf32>
        %mul3A_603 = arith.mulf %gather3A_161, %get3A_602 : vector<16xf32>
        %add3A_604 = arith.addf %add3A_597, %mul3A_603 : vector<16xf32>
        %get3A_605 = arith.constant 3 : i32
        %get3A_606 = arith.index_cast %get3A_605 : i32 to index
        %get3A_607 = arith.constant 112 : index
        %get3A_608 = tpu.vector_load %arg25[%get3A_606, %get3A_607] {strides = array<i32>} : memref<4x128xf32, #tpu.memory_space<vmem>>, vector<1x16xf32>,
        %get3A_609 = vector.shape_cast %get3A_608 : vector<1x16xf32> to vector<16xf32>
        %mul3A_610 = arith.mulf %gather3A_165, %get3A_609 : vector<16xf32>
        %add3A_611 = arith.addf %add3A_604, %mul3A_610 : vector<16xf32>
        %neg3A_612 = arith.constant 0.000000e+00 : f32
        %neg3A_613 = vector.broadcast %neg3A_612 : f32 to vector<16xf32>
        %neg3A_614 = arith.subf %neg3A_613, %add3A_611 : vector<16xf32>
        %exp3A_615 = math.exp %neg3A_614 : vector<16xf32>
        %add3A_616 = arith.constant 1.000000e+00 : f32
        %add3A_617 = vector.broadcast %add3A_616 : f32 to vector<16xf32>
        %add3A_618 = arith.addf %add3A_617, %exp3A_615 : vector<16xf32>
        %div3A_619 = arith.constant 1.000000e+00 : f32
        %div3A_620 = vector.broadcast %div3A_619 : f32 to vector<16xf32>
        %div3A_621 = arith.divf %div3A_620, %add3A_618 : vector<16xf32>
        %mul3A_622 = arith.mulf %add3A_611, %div3A_621 : vector<16xf32>
        %swap3A_623 = arith.index_cast %scan3A_56 : i32 to index
        %swap3A_624 = arith.constant 112 : index
        %swap3A_625 = tpu.vector_load %arg21[%swap3A_623, %swap3A_624] {strides = array<i32>} : memref<80x128xf32, #tpu.memory_space<vmem>>, vector<1x16xf32>,
        %swap3A_626 = vector.shape_cast %swap3A_625 : vector<1x16xf32> to vector<16xf32>
        %swap3A_627 = vector.shape_cast %mul3A_622 : vector<16xf32> to vector<1x16xf32>
        tpu.vector_store %arg21[%swap3A_623, %swap3A_624], %swap3A_627 {strides = array<i32>} : memref<80x128xf32, #tpu.memory_space<vmem>>, vector<1x16xf32>,
        %scan3A_628 = arith.constant 0 : i32
        scf.yield %scan3A_628 : i32
      }
      %scan3A_54 = arith.constant 80 : i32
      "tpu.region"() ({
        %run_scoped3A = tpu.sem_alloc : memref<!tpu.dma_semaphore, #tpu.memory_space<semaphore_mem>>
        %dma_start3A_56 = arith.constant 0 : i32
        %dma_start3A_57 = tpu.memref_slice %arg11[%add3A_23, %dma_start3A_56] : memref<320000x128xf32, #tpu.memory_space<hbm>> -> memref<80x128xf32, #tpu.memory_space<hbm>>
        %dma_start3A_58 = arith.constant 0 : i32
        %dma_start3A_59 = tpu.memref_slice %arg11[%add3A_23, %dma_start3A_58] : memref<320000x128xf32, #tpu.memory_space<hbm>> -> memref<80x128xf32, #tpu.memory_space<hbm>>
        tpu.enqueue_dma source(%arg21 : memref<80x128xf32, #tpu.memory_space<vmem>>) target(%dma_start3A_59 : memref<80x128xf32, #tpu.memory_space<hbm>>) target_semaphore(%run_scoped3A : memref<!tpu.dma_semaphore, #tpu.memory_space<semaphore_mem>>)
        %dma_wait3A_60 = arith.constant 0 : i32
        %dma_wait3A_61 = tpu.memref_slice %arg11[%add3A_23, %dma_wait3A_60] : memref<320000x128xf32, #tpu.memory_space<hbm>> -> memref<80x128xf32, #tpu.memory_space<hbm>>
        %dma_wait3A_62 = arith.constant 0 : i32
        %dma_wait3A_63 = tpu.memref_slice %arg11[%add3A_23, %dma_wait3A_62] : memref<320000x128xf32, #tpu.memory_space<hbm>> -> memref<80x128xf32, #tpu.memory_space<hbm>>
        tpu.wait_dma2 semaphore(%run_scoped3A : memref<!tpu.dma_semaphore, #tpu.memory_space<semaphore_mem>>) src(%arg21 : memref<80x128xf32, #tpu.memory_space<vmem>>) dst(%dma_wait3A_63 : memref<80x128xf32, #tpu.memory_space<hbm>>)
        tpu.yield
      }) : () -> ()
      "tpu.region"() ({
        %run_scoped3A = tpu.sem_alloc : memref<!tpu.dma_semaphore, #tpu.memory_space<semaphore_mem>>
        %dma_start3A_56 = arith.constant 0 : i32
        %dma_start3A_57 = tpu.memref_slice %arg12[%add3A_23, %dma_start3A_56] : memref<320000x16xf32, #tpu.memory_space<hbm>> -> memref<80x16xf32, #tpu.memory_space<hbm>>
        %dma_start3A_58 = arith.constant 0 : i32
        %dma_start3A_59 = tpu.memref_slice %arg12[%add3A_23, %dma_start3A_58] : memref<320000x16xf32, #tpu.memory_space<hbm>> -> memref<80x16xf32, #tpu.memory_space<hbm>>
        tpu.enqueue_dma source(%arg22 : memref<80x16xf32, #tpu.memory_space<vmem>>) target(%dma_start3A_59 : memref<80x16xf32, #tpu.memory_space<hbm>>) target_semaphore(%run_scoped3A : memref<!tpu.dma_semaphore, #tpu.memory_space<semaphore_mem>>)
        %dma_wait3A_60 = arith.constant 0 : i32
        %dma_wait3A_61 = tpu.memref_slice %arg12[%add3A_23, %dma_wait3A_60] : memref<320000x16xf32, #tpu.memory_space<hbm>> -> memref<80x16xf32, #tpu.memory_space<hbm>>
        %dma_wait3A_62 = arith.constant 0 : i32
        %dma_wait3A_63 = tpu.memref_slice %arg12[%add3A_23, %dma_wait3A_62] : memref<320000x16xf32, #tpu.memory_space<hbm>> -> memref<80x16xf32, #tpu.memory_space<hbm>>
        tpu.wait_dma2 semaphore(%run_scoped3A : memref<!tpu.dma_semaphore, #tpu.memory_space<semaphore_mem>>) src(%arg22 : memref<80x16xf32, #tpu.memory_space<vmem>>) dst(%dma_wait3A_63 : memref<80x16xf32, #tpu.memory_space<hbm>>)
        tpu.yield
      }) : () -> ()
      %scan3A_55 = arith.constant 0 : i32
      scf.yield %scan3A_55 : i32
    }
    %scan3A_14 = arith.constant 125 : i32
    %mul3A_15 = arith.constant 2512 : i32
    %mul3A_16 = arith.muli %add3A, %mul3A_15 : i32
    "tpu.region"() ({
      %run_scoped3A = tpu.sem_alloc : memref<!tpu.dma_semaphore, #tpu.memory_space<semaphore_mem>>
      %dma_start3A = arith.constant 0 : i32
      %dma_start3A_17 = tpu.memref_slice %arg13[%mul3A_16, %dma_start3A] : memref<80384x16xf32, #tpu.memory_space<hbm>> -> memref<2512x16xf32, #tpu.memory_space<hbm>>
      %dma_start3A_18 = arith.constant 0 : i32
      %dma_start3A_19 = tpu.memref_slice %arg13[%mul3A_16, %dma_start3A_18] : memref<80384x16xf32, #tpu.memory_space<hbm>> -> memref<2512x16xf32, #tpu.memory_space<hbm>>
      tpu.enqueue_dma source(%arg23 : memref<2512x16xf32, #tpu.memory_space<vmem>>) target(%dma_start3A_19 : memref<2512x16xf32, #tpu.memory_space<hbm>>) target_semaphore(%run_scoped3A : memref<!tpu.dma_semaphore, #tpu.memory_space<semaphore_mem>>)
      %dma_wait3A = arith.constant 0 : i32
      %dma_wait3A_20 = tpu.memref_slice %arg13[%mul3A_16, %dma_wait3A] : memref<80384x16xf32, #tpu.memory_space<hbm>> -> memref<2512x16xf32, #tpu.memory_space<hbm>>
      %dma_wait3A_21 = arith.constant 0 : i32
      %dma_wait3A_22 = tpu.memref_slice %arg13[%mul3A_16, %dma_wait3A_21] : memref<80384x16xf32, #tpu.memory_space<hbm>> -> memref<2512x16xf32, #tpu.memory_space<hbm>>
      tpu.wait_dma2 semaphore(%run_scoped3A : memref<!tpu.dma_semaphore, #tpu.memory_space<semaphore_mem>>) src(%arg23 : memref<2512x16xf32, #tpu.memory_space<vmem>>) dst(%dma_wait3A_22 : memref<2512x16xf32, #tpu.memory_space<hbm>>)
      tpu.yield
    }) : () -> ()
    return
  }
}

#map = affine_map<(d0, d1) -> (0)>
#map1 = affine_map<(d0, d1) -> (0, 0)>
module attributes {stable_mosaic.version = 14 : i64} {
  func.func @kern(%arg0: i32, %arg1: i32, %arg2: memref<320000xi32, #tpu.memory_space<hbm>>, %arg3: memref<320000xi32, #tpu.memory_space<hbm>>, %arg4: memref<320000x16xf32, #tpu.memory_space<hbm>>, %arg5: memref<320000x128xf32, #tpu.memory_space<hbm>>, %arg6: memref<2512x16xf32, #tpu.memory_space<hbm>>, %arg7: memref<339456x128xf32, #tpu.memory_space<hbm>>, %arg8: memref<320000x128xf32, #tpu.memory_space<hbm>>, %arg9: memref<80xi32, #tpu.memory_space<vmem>>, %arg10: memref<80xi32, #tpu.memory_space<vmem>>, %arg11: memref<80xi32, #tpu.memory_space<vmem>>, %arg12: memref<80x128xf32, #tpu.memory_space<vmem>>, %arg13: memref<80x16xf32, #tpu.memory_space<vmem>>, %arg14: memref<80x16xf32, #tpu.memory_space<vmem>>, %arg15: memref<624x128xf32, #tpu.memory_space<vmem>>, %arg16: memref<!tpu.dma_semaphore, #tpu.memory_space<semaphore_mem>>) attributes {dimension_semantics = [#tpu.dimension_semantics<core_parallel>, #tpu.dimension_semantics<subcore_parallel>], iteration_bounds = array<i64: 2, 16>, scalar_prefetch = 0 : i64, scratch_operands = 8 : i64, tpu.core_type = #tpu.core_type<sc_vector_subcore>, window_params = [{transform_indices = #map}, {transform_indices = #map}, {transform_indices = #map1}, {transform_indices = #map1}, {transform_indices = #map1}, {transform_indices = #map1}, {transform_indices = #map1}]} {
    %mul3A = arith.constant 2 : i32
    %mul3A_0 = arith.muli %arg1, %mul3A : i32
    %add3A = arith.addi %mul3A_0, %arg0 : i32
    %iota3A = tpu.iota {dimensions = array<i32: 0>} : vector<16xi32>
    %broadcast_in_dim3A = arith.constant 0.000000e+00 : f32
    %broadcast_in_dim3A_1 = vector.broadcast %broadcast_in_dim3A : f32 to vector<16xf32>
    %scan3A = arith.constant 0 : i32
    %scan3A_2 = arith.constant 0 : i32
    %scan3A_3 = arith.constant 125 : i32
    %scan3A_4 = arith.addi %scan3A_2, %scan3A_3 : i32
    %scan3A_5 = arith.constant 1 : i32
    %scan3A_6 = scf.for %scan3A_15 = %scan3A_2 to %scan3A_4 step %scan3A_5 iter_args(%scan3A_16 = %scan3A) -> (i32)  : i32 {
      %mul3A_17 = arith.constant 10000 : i32
      %mul3A_18 = arith.muli %add3A, %mul3A_17 : i32
      %mul3A_19 = arith.constant 80 : i32
      %mul3A_20 = arith.muli %scan3A_15, %mul3A_19 : i32
      %add3A_21 = arith.addi %mul3A_18, %mul3A_20 : i32
      "tpu.region"() ({
        %run_scoped3A = tpu.sem_alloc : memref<!tpu.dma_semaphore, #tpu.memory_space<semaphore_mem>>
        %dma_start3A_41 = tpu.memref_slice %arg2[%add3A_21] : memref<320000xi32, #tpu.memory_space<hbm>> -> memref<80xi32, #tpu.memory_space<hbm>>
        %dma_start3A_42 = tpu.memref_slice %arg2[%add3A_21] : memref<320000xi32, #tpu.memory_space<hbm>> -> memref<80xi32, #tpu.memory_space<hbm>>
        tpu.enqueue_dma source(%dma_start3A_42 : memref<80xi32, #tpu.memory_space<hbm>>) target(%arg9 : memref<80xi32, #tpu.memory_space<vmem>>) target_semaphore(%run_scoped3A : memref<!tpu.dma_semaphore, #tpu.memory_space<semaphore_mem>>)
        %dma_wait3A_43 = tpu.memref_slice %arg2[%add3A_21] : memref<320000xi32, #tpu.memory_space<hbm>> -> memref<80xi32, #tpu.memory_space<hbm>>
        %dma_wait3A_44 = tpu.memref_slice %arg2[%add3A_21] : memref<320000xi32, #tpu.memory_space<hbm>> -> memref<80xi32, #tpu.memory_space<hbm>>
        tpu.wait_dma2 semaphore(%run_scoped3A : memref<!tpu.dma_semaphore, #tpu.memory_space<semaphore_mem>>) src(%dma_wait3A_44 : memref<80xi32, #tpu.memory_space<hbm>>) dst(%arg9 : memref<80xi32, #tpu.memory_space<vmem>>)
        tpu.yield
      }) : () -> ()
      "tpu.region"() ({
        %run_scoped3A = tpu.sem_alloc : memref<!tpu.dma_semaphore, #tpu.memory_space<semaphore_mem>>
        %dma_start3A_41 = arith.constant 0 : i32
        %dma_start3A_42 = tpu.memref_slice %arg4[%add3A_21, %dma_start3A_41] : memref<320000x16xf32, #tpu.memory_space<hbm>> -> memref<80x16xf32, #tpu.memory_space<hbm>>
        %dma_start3A_43 = arith.constant 0 : i32
        %dma_start3A_44 = tpu.memref_slice %arg4[%add3A_21, %dma_start3A_43] : memref<320000x16xf32, #tpu.memory_space<hbm>> -> memref<80x16xf32, #tpu.memory_space<hbm>>
        tpu.enqueue_dma source(%dma_start3A_44 : memref<80x16xf32, #tpu.memory_space<hbm>>) target(%arg13 : memref<80x16xf32, #tpu.memory_space<vmem>>) target_semaphore(%run_scoped3A : memref<!tpu.dma_semaphore, #tpu.memory_space<semaphore_mem>>)
        %dma_wait3A_45 = arith.constant 0 : i32
        %dma_wait3A_46 = tpu.memref_slice %arg4[%add3A_21, %dma_wait3A_45] : memref<320000x16xf32, #tpu.memory_space<hbm>> -> memref<80x16xf32, #tpu.memory_space<hbm>>
        %dma_wait3A_47 = arith.constant 0 : i32
        %dma_wait3A_48 = tpu.memref_slice %arg4[%add3A_21, %dma_wait3A_47] : memref<320000x16xf32, #tpu.memory_space<hbm>> -> memref<80x16xf32, #tpu.memory_space<hbm>>
        tpu.wait_dma2 semaphore(%run_scoped3A : memref<!tpu.dma_semaphore, #tpu.memory_space<semaphore_mem>>) src(%dma_wait3A_48 : memref<80x16xf32, #tpu.memory_space<hbm>>) dst(%arg13 : memref<80x16xf32, #tpu.memory_space<vmem>>)
        tpu.yield
      }) : () -> ()
      "tpu.region"() ({
        %run_scoped3A = tpu.sem_alloc : memref<!tpu.dma_semaphore, #tpu.memory_space<semaphore_mem>>
        %dma_start3A_41 = arith.constant 0 : i32
        %dma_start3A_42 = tpu.memref_slice %arg5[%add3A_21, %dma_start3A_41] : memref<320000x128xf32, #tpu.memory_space<hbm>> -> memref<80x128xf32, #tpu.memory_space<hbm>>
        %dma_start3A_43 = arith.constant 0 : i32
        %dma_start3A_44 = tpu.memref_slice %arg5[%add3A_21, %dma_start3A_43] : memref<320000x128xf32, #tpu.memory_space<hbm>> -> memref<80x128xf32, #tpu.memory_space<hbm>>
        tpu.enqueue_dma source(%dma_start3A_44 : memref<80x128xf32, #tpu.memory_space<hbm>>) target(%arg12 : memref<80x128xf32, #tpu.memory_space<vmem>>) target_semaphore(%run_scoped3A : memref<!tpu.dma_semaphore, #tpu.memory_space<semaphore_mem>>)
        %dma_wait3A_45 = arith.constant 0 : i32
        %dma_wait3A_46 = tpu.memref_slice %arg5[%add3A_21, %dma_wait3A_45] : memref<320000x128xf32, #tpu.memory_space<hbm>> -> memref<80x128xf32, #tpu.memory_space<hbm>>
        %dma_wait3A_47 = arith.constant 0 : i32
        %dma_wait3A_48 = tpu.memref_slice %arg5[%add3A_21, %dma_wait3A_47] : memref<320000x128xf32, #tpu.memory_space<hbm>> -> memref<80x128xf32, #tpu.memory_space<hbm>>
        tpu.wait_dma2 semaphore(%run_scoped3A : memref<!tpu.dma_semaphore, #tpu.memory_space<semaphore_mem>>) src(%dma_wait3A_48 : memref<80x128xf32, #tpu.memory_space<hbm>>) dst(%arg12 : memref<80x128xf32, #tpu.memory_space<vmem>>)
        tpu.yield
      }) : () -> ()
      %scan3A_22 = arith.constant 0 : i32
      %scan3A_23 = arith.constant 0 : i32
      %scan3A_24 = arith.constant 5 : i32
      %scan3A_25 = arith.addi %scan3A_23, %scan3A_24 : i32
      %scan3A_26 = arith.constant 1 : i32
      %scan3A_27 = scf.for %scan3A_41 = %scan3A_23 to %scan3A_25 step %scan3A_26 iter_args(%scan3A_42 = %scan3A_22) -> (i32)  : i32 {
        %mul3A_43 = arith.constant 16 : i32
        %mul3A_44 = arith.muli %mul3A_43, %scan3A_41 : i32
        %get3A = arith.index_cast %mul3A_44 : i32 to index
        %get3A_45 = tpu.vector_load %arg9[%get3A] {strides = array<i32>} : memref<80xi32, #tpu.memory_space<vmem>>, vector<16xi32>,
        %get3A_46 = vector.shape_cast %get3A_45 : vector<16xi32> to vector<16xi32>
        %shift_right_logical3A = arith.constant 2 : i32
        %shift_right_logical3A_47 = vector.broadcast %shift_right_logical3A : i32 to vector<16xi32>
        %shift_right_logical3A_48 = arith.shrui %get3A_46, %shift_right_logical3A_47 : vector<16xi32>
        %swap3A = arith.index_cast %mul3A_44 : i32 to index
        %swap3A_49 = tpu.vector_load %arg10[%swap3A] {strides = array<i32>} : memref<80xi32, #tpu.memory_space<vmem>>, vector<16xi32>,
        %swap3A_50 = vector.shape_cast %swap3A_49 : vector<16xi32> to vector<16xi32>
        %swap3A_51 = vector.shape_cast %shift_right_logical3A_48 : vector<16xi32> to vector<16xi32>
        tpu.vector_store %arg10[%swap3A], %swap3A_51 {strides = array<i32>} : memref<80xi32, #tpu.memory_space<vmem>>, vector<16xi32>,
        %scan3A_52 = arith.constant 0 : i32
        scf.yield %scan3A_52 : i32
      }
      %scan3A_28 = arith.constant 5 : i32
      %dma_start3A = arith.constant 0 : i32
      %dma_start3A_29 = arith.constant 0 : i32
      %dma_start3A_30 = tpu.memref_slice %arg6[%dma_start3A, %dma_start3A_29] : memref<2512x16xf32, #tpu.memory_space<hbm>> -> memref<2512x16xf32, #tpu.memory_space<hbm>>
      tpu.enqueue_indirect_dma source(%dma_start3A_30 : memref<2512x16xf32, #tpu.memory_space<hbm>>) target(%arg14 : memref<80x16xf32, #tpu.memory_space<vmem>>) offsets(%arg10 : memref<80xi32, #tpu.memory_space<vmem>>) semaphore(%arg16 : memref<!tpu.dma_semaphore, #tpu.memory_space<semaphore_mem>>)
      %dma_wait3A = arith.constant 0 : i32
      %dma_wait3A_31 = arith.constant 0 : i32
      %dma_wait3A_32 = tpu.memref_slice %arg6[%dma_wait3A, %dma_wait3A_31] : memref<2512x16xf32, #tpu.memory_space<hbm>> -> memref<2512x16xf32, #tpu.memory_space<hbm>>
      tpu.wait_indirect_dma semaphore(%arg16 : memref<!tpu.dma_semaphore, #tpu.memory_space<semaphore_mem>>) src(%dma_wait3A_32 : memref<2512x16xf32, #tpu.memory_space<hbm>>) dst(%arg14 : memref<80x16xf32, #tpu.memory_space<vmem>>)
      %scan3A_33 = arith.constant 0 : i32
      %scan3A_34 = arith.constant 0 : i32
      %scan3A_35 = arith.constant 80 : i32
      %scan3A_36 = arith.addi %scan3A_34, %scan3A_35 : i32
      %scan3A_37 = arith.constant 1 : i32
      %scan3A_38 = scf.for %scan3A_41 = %scan3A_34 to %scan3A_36 step %scan3A_37 iter_args(%scan3A_42 = %scan3A_33) -> (i32)  : i32 {
        %get3A = arith.index_cast %scan3A_41 : i32 to index
        %get3A_43 = arith.constant 0 : index
        %get3A_44 = tpu.vector_load %arg13[%get3A, %get3A_43] {strides = array<i32>} : memref<80x16xf32, #tpu.memory_space<vmem>>, vector<1x16xf32>,
        %get3A_45 = vector.shape_cast %get3A_44 : vector<1x16xf32> to vector<16xf32>
        %get3A_46 = arith.index_cast %scan3A_41 : i32 to index
        %get3A_47 = tpu.vector_load %arg9[%get3A_46] {strides = array<i32>} : memref<80xi32, #tpu.memory_space<vmem>>, vector<16xi32>,
        %get3A_48 = vector.shape_cast %get3A_47 : vector<16xi32> to vector<16xi32>
        %slice3A = vector.extract_strided_slice %get3A_48 {offsets = [0], sizes = [1], strides = [1]} : vector<16xi32> to vector<1xi32>
        %squeeze3A = vector.extract %slice3A[0] : i32 from vector<1xi32>
        %and3A = arith.constant 3 : i32
        %and3A_49 = arith.andi %squeeze3A, %and3A : i32
        %mul3A_50 = arith.constant 4 : i32
        %mul3A_51 = arith.muli %and3A_49, %mul3A_50 : i32
        %get3A_52 = arith.index_cast %scan3A_41 : i32 to index
        %get3A_53 = arith.constant 0 : index
        %get3A_54 = tpu.vector_load %arg14[%get3A_52, %get3A_53] {strides = array<i32>} : memref<80x16xf32, #tpu.memory_space<vmem>>, vector<1x16xf32>,
        %get3A_55 = vector.shape_cast %get3A_54 : vector<1x16xf32> to vector<16xf32>
        %sub3A = arith.constant 3 : i32
        %sub3A_56 = vector.broadcast %sub3A : i32 to vector<16xi32>
        %sub3A_57 = arith.subi %iota3A, %sub3A_56 : vector<16xi32>
        %add3A_58 = vector.broadcast %mul3A_51 : i32 to vector<16xi32>
        %add3A_59 = arith.addi %sub3A_57, %add3A_58 : vector<16xi32>
        %jit3A = arith.constant 0 : i32
        %jit3A_60 = arith.constant 15 : i32
        %max3A = vector.broadcast %jit3A : i32 to vector<16xi32>
        %max3A_61 = arith.maxsi %max3A, %add3A_59 : vector<16xi32>
        %min3A = vector.broadcast %jit3A_60 : i32 to vector<16xi32>
        %min3A_62 = arith.minsi %min3A, %max3A_61 : vector<16xi32>
        %reshape3A = vector.shape_cast %min3A_62 : vector<16xi32> to vector<16x1xi32>
        %gather3A = vector.shape_cast %reshape3A : vector<16x1xi32> to vector<16xi32>
        %gather3A_63 = tpu.dynamic_gather %get3A_55[%gather3A] in [0] : vector<16xf32>, vector<16xi32> -> vector<16xf32>
        %add3A_64 = arith.constant 1.000000e-16 : f32
        %add3A_65 = vector.broadcast %add3A_64 : f32 to vector<16xf32>
        %add3A_66 = arith.addf %gather3A_63, %add3A_65 : vector<16xf32>
        %div3A = arith.divf %get3A_45, %add3A_66 : vector<16xf32>
        %broadcast_in_dim3A_67 = arith.constant 3 : i32
        %broadcast_in_dim3A_68 = vector.broadcast %broadcast_in_dim3A_67 : i32 to vector<16x1xi32>
        %gather3A_69 = vector.shape_cast %broadcast_in_dim3A_68 : vector<16x1xi32> to vector<16xi32>
        %gather3A_70 = tpu.dynamic_gather %div3A[%gather3A_69] in [0] : vector<16xf32>, vector<16xi32> -> vector<16xf32>
        %get3A_71 = arith.index_cast %scan3A_41 : i32 to index
        %get3A_72 = arith.constant 0 : index
        %get3A_73 = tpu.vector_load %arg12[%get3A_71, %get3A_72] {strides = array<i32>} : memref<80x128xf32, #tpu.memory_space<vmem>>, vector<1x16xf32>,
        %get3A_74 = vector.shape_cast %get3A_73 : vector<1x16xf32> to vector<16xf32>
        %mul3A_75 = arith.mulf %get3A_74, %gather3A_70 : vector<16xf32>
        %swap3A = arith.index_cast %scan3A_41 : i32 to index
        %swap3A_76 = arith.constant 0 : index
        %swap3A_77 = tpu.vector_load %arg12[%swap3A, %swap3A_76] {strides = array<i32>} : memref<80x128xf32, #tpu.memory_space<vmem>>, vector<1x16xf32>,
        %swap3A_78 = vector.shape_cast %swap3A_77 : vector<1x16xf32> to vector<16xf32>
        %swap3A_79 = vector.shape_cast %mul3A_75 : vector<16xf32> to vector<1x16xf32>
        tpu.vector_store %arg12[%swap3A, %swap3A_76], %swap3A_79 {strides = array<i32>} : memref<80x128xf32, #tpu.memory_space<vmem>>, vector<1x16xf32>,
        %get3A_80 = arith.index_cast %scan3A_41 : i32 to index
        %get3A_81 = arith.constant 16 : index
        %get3A_82 = tpu.vector_load %arg12[%get3A_80, %get3A_81] {strides = array<i32>} : memref<80x128xf32, #tpu.memory_space<vmem>>, vector<1x16xf32>,
        %get3A_83 = vector.shape_cast %get3A_82 : vector<1x16xf32> to vector<16xf32>
        %mul3A_84 = arith.mulf %get3A_83, %gather3A_70 : vector<16xf32>
        %swap3A_85 = arith.index_cast %scan3A_41 : i32 to index
        %swap3A_86 = arith.constant 16 : index
        %swap3A_87 = tpu.vector_load %arg12[%swap3A_85, %swap3A_86] {strides = array<i32>} : memref<80x128xf32, #tpu.memory_space<vmem>>, vector<1x16xf32>,
        %swap3A_88 = vector.shape_cast %swap3A_87 : vector<1x16xf32> to vector<16xf32>
        %swap3A_89 = vector.shape_cast %mul3A_84 : vector<16xf32> to vector<1x16xf32>
        tpu.vector_store %arg12[%swap3A_85, %swap3A_86], %swap3A_89 {strides = array<i32>} : memref<80x128xf32, #tpu.memory_space<vmem>>, vector<1x16xf32>,
        %broadcast_in_dim3A_90 = arith.constant 4 : i32
        %broadcast_in_dim3A_91 = vector.broadcast %broadcast_in_dim3A_90 : i32 to vector<16x1xi32>
        %gather3A_92 = vector.shape_cast %broadcast_in_dim3A_91 : vector<16x1xi32> to vector<16xi32>
        %gather3A_93 = tpu.dynamic_gather %div3A[%gather3A_92] in [0] : vector<16xf32>, vector<16xi32> -> vector<16xf32>
        %get3A_94 = arith.index_cast %scan3A_41 : i32 to index
        %get3A_95 = arith.constant 32 : index
        %get3A_96 = tpu.vector_load %arg12[%get3A_94, %get3A_95] {strides = array<i32>} : memref<80x128xf32, #tpu.memory_space<vmem>>, vector<1x16xf32>,
        %get3A_97 = vector.shape_cast %get3A_96 : vector<1x16xf32> to vector<16xf32>
        %mul3A_98 = arith.mulf %get3A_97, %gather3A_93 : vector<16xf32>
        %swap3A_99 = arith.index_cast %scan3A_41 : i32 to index
        %swap3A_100 = arith.constant 32 : index
        %swap3A_101 = tpu.vector_load %arg12[%swap3A_99, %swap3A_100] {strides = array<i32>} : memref<80x128xf32, #tpu.memory_space<vmem>>, vector<1x16xf32>,
        %swap3A_102 = vector.shape_cast %swap3A_101 : vector<1x16xf32> to vector<16xf32>
        %swap3A_103 = vector.shape_cast %mul3A_98 : vector<16xf32> to vector<1x16xf32>
        tpu.vector_store %arg12[%swap3A_99, %swap3A_100], %swap3A_103 {strides = array<i32>} : memref<80x128xf32, #tpu.memory_space<vmem>>, vector<1x16xf32>,
        %get3A_104 = arith.index_cast %scan3A_41 : i32 to index
        %get3A_105 = arith.constant 48 : index
        %get3A_106 = tpu.vector_load %arg12[%get3A_104, %get3A_105] {strides = array<i32>} : memref<80x128xf32, #tpu.memory_space<vmem>>, vector<1x16xf32>,
        %get3A_107 = vector.shape_cast %get3A_106 : vector<1x16xf32> to vector<16xf32>
        %mul3A_108 = arith.mulf %get3A_107, %gather3A_93 : vector<16xf32>
        %swap3A_109 = arith.index_cast %scan3A_41 : i32 to index
        %swap3A_110 = arith.constant 48 : index
        %swap3A_111 = tpu.vector_load %arg12[%swap3A_109, %swap3A_110] {strides = array<i32>} : memref<80x128xf32, #tpu.memory_space<vmem>>, vector<1x16xf32>,
        %swap3A_112 = vector.shape_cast %swap3A_111 : vector<1x16xf32> to vector<16xf32>
        %swap3A_113 = vector.shape_cast %mul3A_108 : vector<16xf32> to vector<1x16xf32>
        tpu.vector_store %arg12[%swap3A_109, %swap3A_110], %swap3A_113 {strides = array<i32>} : memref<80x128xf32, #tpu.memory_space<vmem>>, vector<1x16xf32>,
        %broadcast_in_dim3A_114 = arith.constant 5 : i32
        %broadcast_in_dim3A_115 = vector.broadcast %broadcast_in_dim3A_114 : i32 to vector<16x1xi32>
        %gather3A_116 = vector.shape_cast %broadcast_in_dim3A_115 : vector<16x1xi32> to vector<16xi32>
        %gather3A_117 = tpu.dynamic_gather %div3A[%gather3A_116] in [0] : vector<16xf32>, vector<16xi32> -> vector<16xf32>
        %get3A_118 = arith.index_cast %scan3A_41 : i32 to index
        %get3A_119 = arith.constant 64 : index
        %get3A_120 = tpu.vector_load %arg12[%get3A_118, %get3A_119] {strides = array<i32>} : memref<80x128xf32, #tpu.memory_space<vmem>>, vector<1x16xf32>,
        %get3A_121 = vector.shape_cast %get3A_120 : vector<1x16xf32> to vector<16xf32>
        %mul3A_122 = arith.mulf %get3A_121, %gather3A_117 : vector<16xf32>
        %swap3A_123 = arith.index_cast %scan3A_41 : i32 to index
        %swap3A_124 = arith.constant 64 : index
        %swap3A_125 = tpu.vector_load %arg12[%swap3A_123, %swap3A_124] {strides = array<i32>} : memref<80x128xf32, #tpu.memory_space<vmem>>, vector<1x16xf32>,
        %swap3A_126 = vector.shape_cast %swap3A_125 : vector<1x16xf32> to vector<16xf32>
        %swap3A_127 = vector.shape_cast %mul3A_122 : vector<16xf32> to vector<1x16xf32>
        tpu.vector_store %arg12[%swap3A_123, %swap3A_124], %swap3A_127 {strides = array<i32>} : memref<80x128xf32, #tpu.memory_space<vmem>>, vector<1x16xf32>,
        %get3A_128 = arith.index_cast %scan3A_41 : i32 to index
        %get3A_129 = arith.constant 80 : index
        %get3A_130 = tpu.vector_load %arg12[%get3A_128, %get3A_129] {strides = array<i32>} : memref<80x128xf32, #tpu.memory_space<vmem>>, vector<1x16xf32>,
        %get3A_131 = vector.shape_cast %get3A_130 : vector<1x16xf32> to vector<16xf32>
        %mul3A_132 = arith.mulf %get3A_131, %gather3A_117 : vector<16xf32>
        %swap3A_133 = arith.index_cast %scan3A_41 : i32 to index
        %swap3A_134 = arith.constant 80 : index
        %swap3A_135 = tpu.vector_load %arg12[%swap3A_133, %swap3A_134] {strides = array<i32>} : memref<80x128xf32, #tpu.memory_space<vmem>>, vector<1x16xf32>,
        %swap3A_136 = vector.shape_cast %swap3A_135 : vector<1x16xf32> to vector<16xf32>
        %swap3A_137 = vector.shape_cast %mul3A_132 : vector<16xf32> to vector<1x16xf32>
        tpu.vector_store %arg12[%swap3A_133, %swap3A_134], %swap3A_137 {strides = array<i32>} : memref<80x128xf32, #tpu.memory_space<vmem>>, vector<1x16xf32>,
        %broadcast_in_dim3A_138 = arith.constant 6 : i32
        %broadcast_in_dim3A_139 = vector.broadcast %broadcast_in_dim3A_138 : i32 to vector<16x1xi32>
        %gather3A_140 = vector.shape_cast %broadcast_in_dim3A_139 : vector<16x1xi32> to vector<16xi32>
        %gather3A_141 = tpu.dynamic_gather %div3A[%gather3A_140] in [0] : vector<16xf32>, vector<16xi32> -> vector<16xf32>
        %get3A_142 = arith.index_cast %scan3A_41 : i32 to index
        %get3A_143 = arith.constant 96 : index
        %get3A_144 = tpu.vector_load %arg12[%get3A_142, %get3A_143] {strides = array<i32>} : memref<80x128xf32, #tpu.memory_space<vmem>>, vector<1x16xf32>,
        %get3A_145 = vector.shape_cast %get3A_144 : vector<1x16xf32> to vector<16xf32>
        %mul3A_146 = arith.mulf %get3A_145, %gather3A_141 : vector<16xf32>
        %swap3A_147 = arith.index_cast %scan3A_41 : i32 to index
        %swap3A_148 = arith.constant 96 : index
        %swap3A_149 = tpu.vector_load %arg12[%swap3A_147, %swap3A_148] {strides = array<i32>} : memref<80x128xf32, #tpu.memory_space<vmem>>, vector<1x16xf32>,
        %swap3A_150 = vector.shape_cast %swap3A_149 : vector<1x16xf32> to vector<16xf32>
        %swap3A_151 = vector.shape_cast %mul3A_146 : vector<16xf32> to vector<1x16xf32>
        tpu.vector_store %arg12[%swap3A_147, %swap3A_148], %swap3A_151 {strides = array<i32>} : memref<80x128xf32, #tpu.memory_space<vmem>>, vector<1x16xf32>,
        %get3A_152 = arith.index_cast %scan3A_41 : i32 to index
        %get3A_153 = arith.constant 112 : index
        %get3A_154 = tpu.vector_load %arg12[%get3A_152, %get3A_153] {strides = array<i32>} : memref<80x128xf32, #tpu.memory_space<vmem>>, vector<1x16xf32>,
        %get3A_155 = vector.shape_cast %get3A_154 : vector<1x16xf32> to vector<16xf32>
        %mul3A_156 = arith.mulf %get3A_155, %gather3A_141 : vector<16xf32>
        %swap3A_157 = arith.index_cast %scan3A_41 : i32 to index
        %swap3A_158 = arith.constant 112 : index
        %swap3A_159 = tpu.vector_load %arg12[%swap3A_157, %swap3A_158] {strides = array<i32>} : memref<80x128xf32, #tpu.memory_space<vmem>>, vector<1x16xf32>,
        %swap3A_160 = vector.shape_cast %swap3A_159 : vector<1x16xf32> to vector<16xf32>
        %swap3A_161 = vector.shape_cast %mul3A_156 : vector<16xf32> to vector<1x16xf32>
        tpu.vector_store %arg12[%swap3A_157, %swap3A_158], %swap3A_161 {strides = array<i32>} : memref<80x128xf32, #tpu.memory_space<vmem>>, vector<1x16xf32>,
        %scan3A_162 = arith.constant 0 : i32
        scf.yield %scan3A_162 : i32
      }
      %scan3A_39 = arith.constant 80 : i32
      "tpu.region"() ({
        %run_scoped3A = tpu.sem_alloc : memref<!tpu.dma_semaphore, #tpu.memory_space<semaphore_mem>>
        %dma_start3A_41 = arith.constant 0 : i32
        %dma_start3A_42 = tpu.memref_slice %arg8[%add3A_21, %dma_start3A_41] : memref<320000x128xf32, #tpu.memory_space<hbm>> -> memref<80x128xf32, #tpu.memory_space<hbm>>
        %dma_start3A_43 = arith.constant 0 : i32
        %dma_start3A_44 = tpu.memref_slice %arg8[%add3A_21, %dma_start3A_43] : memref<320000x128xf32, #tpu.memory_space<hbm>> -> memref<80x128xf32, #tpu.memory_space<hbm>>
        tpu.enqueue_dma source(%arg12 : memref<80x128xf32, #tpu.memory_space<vmem>>) target(%dma_start3A_44 : memref<80x128xf32, #tpu.memory_space<hbm>>) target_semaphore(%run_scoped3A : memref<!tpu.dma_semaphore, #tpu.memory_space<semaphore_mem>>)
        %dma_wait3A_45 = arith.constant 0 : i32
        %dma_wait3A_46 = tpu.memref_slice %arg8[%add3A_21, %dma_wait3A_45] : memref<320000x128xf32, #tpu.memory_space<hbm>> -> memref<80x128xf32, #tpu.memory_space<hbm>>
        %dma_wait3A_47 = arith.constant 0 : i32
        %dma_wait3A_48 = tpu.memref_slice %arg8[%add3A_21, %dma_wait3A_47] : memref<320000x128xf32, #tpu.memory_space<hbm>> -> memref<80x128xf32, #tpu.memory_space<hbm>>
        tpu.wait_dma2 semaphore(%run_scoped3A : memref<!tpu.dma_semaphore, #tpu.memory_space<semaphore_mem>>) src(%arg12 : memref<80x128xf32, #tpu.memory_space<vmem>>) dst(%dma_wait3A_48 : memref<80x128xf32, #tpu.memory_space<hbm>>)
        tpu.yield
      }) : () -> ()
      %scan3A_40 = arith.constant 0 : i32
      scf.yield %scan3A_40 : i32
    }
    %scan3A_7 = arith.constant 125 : i32
    %scan3A_8 = arith.constant 0 : i32
    %scan3A_9 = arith.constant 0 : i32
    %scan3A_10 = arith.constant 17 : i32
    %scan3A_11 = arith.addi %scan3A_9, %scan3A_10 : i32
    %scan3A_12 = arith.constant 1 : i32
    %scan3A_13 = scf.for %scan3A_15 = %scan3A_9 to %scan3A_11 step %scan3A_12 iter_args(%scan3A_16 = %scan3A_8) -> (i32)  : i32 {
      %mul3A_17 = arith.constant 624 : i32
      %mul3A_18 = arith.muli %scan3A_15, %mul3A_17 : i32
      %scan3A_19 = arith.constant 0 : i32
      %scan3A_20 = arith.constant 0 : i32
      %scan3A_21 = arith.constant 624 : i32
      %scan3A_22 = arith.addi %scan3A_20, %scan3A_21 : i32
      %scan3A_23 = arith.constant 1 : i32
      %scan3A_24 = scf.for %scan3A_37 = %scan3A_20 to %scan3A_22 step %scan3A_23 iter_args(%scan3A_38 = %scan3A_19) -> (i32)  : i32 {
        %swap3A = arith.index_cast %scan3A_37 : i32 to index
        %swap3A_39 = arith.constant 0 : index
        %swap3A_40 = tpu.vector_load %arg15[%swap3A, %swap3A_39] {strides = array<i32>} : memref<624x128xf32, #tpu.memory_space<vmem>>, vector<1x16xf32>,
        %swap3A_41 = vector.shape_cast %swap3A_40 : vector<1x16xf32> to vector<16xf32>
        %swap3A_42 = vector.shape_cast %broadcast_in_dim3A_1 : vector<16xf32> to vector<1x16xf32>
        tpu.vector_store %arg15[%swap3A, %swap3A_39], %swap3A_42 {strides = array<i32>} : memref<624x128xf32, #tpu.memory_space<vmem>>, vector<1x16xf32>,
        %swap3A_43 = arith.index_cast %scan3A_37 : i32 to index
        %swap3A_44 = arith.constant 16 : index
        %swap3A_45 = tpu.vector_load %arg15[%swap3A_43, %swap3A_44] {strides = array<i32>} : memref<624x128xf32, #tpu.memory_space<vmem>>, vector<1x16xf32>,
        %swap3A_46 = vector.shape_cast %swap3A_45 : vector<1x16xf32> to vector<16xf32>
        %swap3A_47 = vector.shape_cast %broadcast_in_dim3A_1 : vector<16xf32> to vector<1x16xf32>
        tpu.vector_store %arg15[%swap3A_43, %swap3A_44], %swap3A_47 {strides = array<i32>} : memref<624x128xf32, #tpu.memory_space<vmem>>, vector<1x16xf32>,
        %swap3A_48 = arith.index_cast %scan3A_37 : i32 to index
        %swap3A_49 = arith.constant 32 : index
        %swap3A_50 = tpu.vector_load %arg15[%swap3A_48, %swap3A_49] {strides = array<i32>} : memref<624x128xf32, #tpu.memory_space<vmem>>, vector<1x16xf32>,
        %swap3A_51 = vector.shape_cast %swap3A_50 : vector<1x16xf32> to vector<16xf32>
        %swap3A_52 = vector.shape_cast %broadcast_in_dim3A_1 : vector<16xf32> to vector<1x16xf32>
        tpu.vector_store %arg15[%swap3A_48, %swap3A_49], %swap3A_52 {strides = array<i32>} : memref<624x128xf32, #tpu.memory_space<vmem>>, vector<1x16xf32>,
        %swap3A_53 = arith.index_cast %scan3A_37 : i32 to index
        %swap3A_54 = arith.constant 48 : index
        %swap3A_55 = tpu.vector_load %arg15[%swap3A_53, %swap3A_54] {strides = array<i32>} : memref<624x128xf32, #tpu.memory_space<vmem>>, vector<1x16xf32>,
        %swap3A_56 = vector.shape_cast %swap3A_55 : vector<1x16xf32> to vector<16xf32>
        %swap3A_57 = vector.shape_cast %broadcast_in_dim3A_1 : vector<16xf32> to vector<1x16xf32>
        tpu.vector_store %arg15[%swap3A_53, %swap3A_54], %swap3A_57 {strides = array<i32>} : memref<624x128xf32, #tpu.memory_space<vmem>>, vector<1x16xf32>,
        %swap3A_58 = arith.index_cast %scan3A_37 : i32 to index
        %swap3A_59 = arith.constant 64 : index
        %swap3A_60 = tpu.vector_load %arg15[%swap3A_58, %swap3A_59] {strides = array<i32>} : memref<624x128xf32, #tpu.memory_space<vmem>>, vector<1x16xf32>,
        %swap3A_61 = vector.shape_cast %swap3A_60 : vector<1x16xf32> to vector<16xf32>
        %swap3A_62 = vector.shape_cast %broadcast_in_dim3A_1 : vector<16xf32> to vector<1x16xf32>
        tpu.vector_store %arg15[%swap3A_58, %swap3A_59], %swap3A_62 {strides = array<i32>} : memref<624x128xf32, #tpu.memory_space<vmem>>, vector<1x16xf32>,
        %swap3A_63 = arith.index_cast %scan3A_37 : i32 to index
        %swap3A_64 = arith.constant 80 : index
        %swap3A_65 = tpu.vector_load %arg15[%swap3A_63, %swap3A_64] {strides = array<i32>} : memref<624x128xf32, #tpu.memory_space<vmem>>, vector<1x16xf32>,
        %swap3A_66 = vector.shape_cast %swap3A_65 : vector<1x16xf32> to vector<16xf32>
        %swap3A_67 = vector.shape_cast %broadcast_in_dim3A_1 : vector<16xf32> to vector<1x16xf32>
        tpu.vector_store %arg15[%swap3A_63, %swap3A_64], %swap3A_67 {strides = array<i32>} : memref<624x128xf32, #tpu.memory_space<vmem>>, vector<1x16xf32>,
        %swap3A_68 = arith.index_cast %scan3A_37 : i32 to index
        %swap3A_69 = arith.constant 96 : index
        %swap3A_70 = tpu.vector_load %arg15[%swap3A_68, %swap3A_69] {strides = array<i32>} : memref<624x128xf32, #tpu.memory_space<vmem>>, vector<1x16xf32>,
        %swap3A_71 = vector.shape_cast %swap3A_70 : vector<1x16xf32> to vector<16xf32>
        %swap3A_72 = vector.shape_cast %broadcast_in_dim3A_1 : vector<16xf32> to vector<1x16xf32>
        tpu.vector_store %arg15[%swap3A_68, %swap3A_69], %swap3A_72 {strides = array<i32>} : memref<624x128xf32, #tpu.memory_space<vmem>>, vector<1x16xf32>,
        %swap3A_73 = arith.index_cast %scan3A_37 : i32 to index
        %swap3A_74 = arith.constant 112 : index
        %swap3A_75 = tpu.vector_load %arg15[%swap3A_73, %swap3A_74] {strides = array<i32>} : memref<624x128xf32, #tpu.memory_space<vmem>>, vector<1x16xf32>,
        %swap3A_76 = vector.shape_cast %swap3A_75 : vector<1x16xf32> to vector<16xf32>
        %swap3A_77 = vector.shape_cast %broadcast_in_dim3A_1 : vector<16xf32> to vector<1x16xf32>
        tpu.vector_store %arg15[%swap3A_73, %swap3A_74], %swap3A_77 {strides = array<i32>} : memref<624x128xf32, #tpu.memory_space<vmem>>, vector<1x16xf32>,
        %scan3A_78 = arith.constant 0 : i32
        scf.yield %scan3A_78 : i32
      }
      %scan3A_25 = arith.constant 624 : i32
      %scan3A_26 = arith.constant 0 : i32
      %scan3A_27 = arith.constant 0 : i32
      %scan3A_28 = arith.constant 125 : i32
      %scan3A_29 = arith.addi %scan3A_27, %scan3A_28 : i32
      %scan3A_30 = arith.constant 1 : i32
      %scan3A_31 = scf.for %scan3A_37 = %scan3A_27 to %scan3A_29 step %scan3A_30 iter_args(%scan3A_38 = %scan3A_26) -> (i32)  : i32 {
        %mul3A_39 = arith.constant 10000 : i32
        %mul3A_40 = arith.muli %add3A, %mul3A_39 : i32
        %mul3A_41 = arith.constant 80 : i32
        %mul3A_42 = arith.muli %scan3A_37, %mul3A_41 : i32
        %add3A_43 = arith.addi %mul3A_40, %mul3A_42 : i32
        "tpu.region"() ({
          %run_scoped3A = tpu.sem_alloc : memref<!tpu.dma_semaphore, #tpu.memory_space<semaphore_mem>>
          %dma_start3A = tpu.memref_slice %arg3[%add3A_43] : memref<320000xi32, #tpu.memory_space<hbm>> -> memref<80xi32, #tpu.memory_space<hbm>>
          %dma_start3A_52 = tpu.memref_slice %arg3[%add3A_43] : memref<320000xi32, #tpu.memory_space<hbm>> -> memref<80xi32, #tpu.memory_space<hbm>>
          tpu.enqueue_dma source(%dma_start3A_52 : memref<80xi32, #tpu.memory_space<hbm>>) target(%arg11 : memref<80xi32, #tpu.memory_space<vmem>>) target_semaphore(%run_scoped3A : memref<!tpu.dma_semaphore, #tpu.memory_space<semaphore_mem>>)
          %dma_wait3A = tpu.memref_slice %arg3[%add3A_43] : memref<320000xi32, #tpu.memory_space<hbm>> -> memref<80xi32, #tpu.memory_space<hbm>>
          %dma_wait3A_53 = tpu.memref_slice %arg3[%add3A_43] : memref<320000xi32, #tpu.memory_space<hbm>> -> memref<80xi32, #tpu.memory_space<hbm>>
          tpu.wait_dma2 semaphore(%run_scoped3A : memref<!tpu.dma_semaphore, #tpu.memory_space<semaphore_mem>>) src(%dma_wait3A_53 : memref<80xi32, #tpu.memory_space<hbm>>) dst(%arg11 : memref<80xi32, #tpu.memory_space<vmem>>)
          tpu.yield
        }) : () -> ()
        "tpu.region"() ({
          %run_scoped3A = tpu.sem_alloc : memref<!tpu.dma_semaphore, #tpu.memory_space<semaphore_mem>>
          %dma_start3A = arith.constant 0 : i32
          %dma_start3A_52 = tpu.memref_slice %arg8[%add3A_43, %dma_start3A] : memref<320000x128xf32, #tpu.memory_space<hbm>> -> memref<80x128xf32, #tpu.memory_space<hbm>>
          %dma_start3A_53 = arith.constant 0 : i32
          %dma_start3A_54 = tpu.memref_slice %arg8[%add3A_43, %dma_start3A_53] : memref<320000x128xf32, #tpu.memory_space<hbm>> -> memref<80x128xf32, #tpu.memory_space<hbm>>
          tpu.enqueue_dma source(%dma_start3A_54 : memref<80x128xf32, #tpu.memory_space<hbm>>) target(%arg12 : memref<80x128xf32, #tpu.memory_space<vmem>>) target_semaphore(%run_scoped3A : memref<!tpu.dma_semaphore, #tpu.memory_space<semaphore_mem>>)
          %dma_wait3A = arith.constant 0 : i32
          %dma_wait3A_55 = tpu.memref_slice %arg8[%add3A_43, %dma_wait3A] : memref<320000x128xf32, #tpu.memory_space<hbm>> -> memref<80x128xf32, #tpu.memory_space<hbm>>
          %dma_wait3A_56 = arith.constant 0 : i32
          %dma_wait3A_57 = tpu.memref_slice %arg8[%add3A_43, %dma_wait3A_56] : memref<320000x128xf32, #tpu.memory_space<hbm>> -> memref<80x128xf32, #tpu.memory_space<hbm>>
          tpu.wait_dma2 semaphore(%run_scoped3A : memref<!tpu.dma_semaphore, #tpu.memory_space<semaphore_mem>>) src(%dma_wait3A_57 : memref<80x128xf32, #tpu.memory_space<hbm>>) dst(%arg12 : memref<80x128xf32, #tpu.memory_space<vmem>>)
          tpu.yield
        }) : () -> ()
        %scan3A_44 = arith.constant 0 : i32
        %scan3A_45 = arith.constant 0 : i32
        %scan3A_46 = arith.constant 80 : i32
        %scan3A_47 = arith.addi %scan3A_45, %scan3A_46 : i32
        %scan3A_48 = arith.constant 1 : i32
        %scan3A_49 = scf.for %scan3A_52 = %scan3A_45 to %scan3A_47 step %scan3A_48 iter_args(%scan3A_53 = %scan3A_44) -> (i32)  : i32 {
          %get3A = arith.index_cast %scan3A_52 : i32 to index
          %get3A_54 = tpu.vector_load %arg11[%get3A] {strides = array<i32>} : memref<80xi32, #tpu.memory_space<vmem>>, vector<16xi32>,
          %get3A_55 = vector.shape_cast %get3A_54 : vector<16xi32> to vector<16xi32>
          %slice3A = vector.extract_strided_slice %get3A_55 {offsets = [0], sizes = [1], strides = [1]} : vector<16xi32> to vector<1xi32>
          %squeeze3A = vector.extract %slice3A[0] : i32 from vector<1xi32>
          %ge3A = arith.cmpi sge, %squeeze3A, %mul3A_18 : i32
          %add3A_56 = arith.constant 624 : i32
          %add3A_57 = arith.addi %mul3A_18, %add3A_56 : i32
          %lt3A = arith.cmpi slt, %squeeze3A, %add3A_57 : i32
          %and3A = arith.andi %ge3A, %lt3A : i1
          %convert_element_type3A = arith.extui %and3A : i1 to i32
          %cond3A = arith.constant 0 : i32
          %cond3A_58 = arith.cmpi ne, %convert_element_type3A, %cond3A : i32
          scf.if %cond3A_58 {
            %sub3A = arith.subi %squeeze3A, %mul3A_18 : i32
            %get3A_60 = arith.index_cast %sub3A : i32 to index
            %get3A_61 = arith.constant 0 : index
            %get3A_62 = tpu.vector_load %arg15[%get3A_60, %get3A_61] {strides = array<i32>} : memref<624x128xf32, #tpu.memory_space<vmem>>, vector<1x16xf32>,
            %get3A_63 = vector.shape_cast %get3A_62 : vector<1x16xf32> to vector<16xf32>
            %get3A_64 = arith.index_cast %scan3A_52 : i32 to index
            %get3A_65 = arith.constant 0 : index
            %get3A_66 = tpu.vector_load %arg12[%get3A_64, %get3A_65] {strides = array<i32>} : memref<80x128xf32, #tpu.memory_space<vmem>>, vector<1x16xf32>,
            %get3A_67 = vector.shape_cast %get3A_66 : vector<1x16xf32> to vector<16xf32>
            %add3A_68 = arith.addf %get3A_63, %get3A_67 : vector<16xf32>
            %swap3A = arith.index_cast %sub3A : i32 to index
            %swap3A_69 = arith.constant 0 : index
            %swap3A_70 = tpu.vector_load %arg15[%swap3A, %swap3A_69] {strides = array<i32>} : memref<624x128xf32, #tpu.memory_space<vmem>>, vector<1x16xf32>,
            %swap3A_71 = vector.shape_cast %swap3A_70 : vector<1x16xf32> to vector<16xf32>
            %swap3A_72 = vector.shape_cast %add3A_68 : vector<16xf32> to vector<1x16xf32>
            tpu.vector_store %arg15[%swap3A, %swap3A_69], %swap3A_72 {strides = array<i32>} : memref<624x128xf32, #tpu.memory_space<vmem>>, vector<1x16xf32>,
            %get3A_73 = arith.index_cast %sub3A : i32 to index
            %get3A_74 = arith.constant 16 : index
            %get3A_75 = tpu.vector_load %arg15[%get3A_73, %get3A_74] {strides = array<i32>} : memref<624x128xf32, #tpu.memory_space<vmem>>, vector<1x16xf32>,
            %get3A_76 = vector.shape_cast %get3A_75 : vector<1x16xf32> to vector<16xf32>
            %get3A_77 = arith.index_cast %scan3A_52 : i32 to index
            %get3A_78 = arith.constant 16 : index
            %get3A_79 = tpu.vector_load %arg12[%get3A_77, %get3A_78] {strides = array<i32>} : memref<80x128xf32, #tpu.memory_space<vmem>>, vector<1x16xf32>,
            %get3A_80 = vector.shape_cast %get3A_79 : vector<1x16xf32> to vector<16xf32>
            %add3A_81 = arith.addf %get3A_76, %get3A_80 : vector<16xf32>
            %swap3A_82 = arith.index_cast %sub3A : i32 to index
            %swap3A_83 = arith.constant 16 : index
            %swap3A_84 = tpu.vector_load %arg15[%swap3A_82, %swap3A_83] {strides = array<i32>} : memref<624x128xf32, #tpu.memory_space<vmem>>, vector<1x16xf32>,
            %swap3A_85 = vector.shape_cast %swap3A_84 : vector<1x16xf32> to vector<16xf32>
            %swap3A_86 = vector.shape_cast %add3A_81 : vector<16xf32> to vector<1x16xf32>
            tpu.vector_store %arg15[%swap3A_82, %swap3A_83], %swap3A_86 {strides = array<i32>} : memref<624x128xf32, #tpu.memory_space<vmem>>, vector<1x16xf32>,
            %get3A_87 = arith.index_cast %sub3A : i32 to index
            %get3A_88 = arith.constant 32 : index
            %get3A_89 = tpu.vector_load %arg15[%get3A_87, %get3A_88] {strides = array<i32>} : memref<624x128xf32, #tpu.memory_space<vmem>>, vector<1x16xf32>,
            %get3A_90 = vector.shape_cast %get3A_89 : vector<1x16xf32> to vector<16xf32>
            %get3A_91 = arith.index_cast %scan3A_52 : i32 to index
            %get3A_92 = arith.constant 32 : index
            %get3A_93 = tpu.vector_load %arg12[%get3A_91, %get3A_92] {strides = array<i32>} : memref<80x128xf32, #tpu.memory_space<vmem>>, vector<1x16xf32>,
            %get3A_94 = vector.shape_cast %get3A_93 : vector<1x16xf32> to vector<16xf32>
            %add3A_95 = arith.addf %get3A_90, %get3A_94 : vector<16xf32>
            %swap3A_96 = arith.index_cast %sub3A : i32 to index
            %swap3A_97 = arith.constant 32 : index
            %swap3A_98 = tpu.vector_load %arg15[%swap3A_96, %swap3A_97] {strides = array<i32>} : memref<624x128xf32, #tpu.memory_space<vmem>>, vector<1x16xf32>,
            %swap3A_99 = vector.shape_cast %swap3A_98 : vector<1x16xf32> to vector<16xf32>
            %swap3A_100 = vector.shape_cast %add3A_95 : vector<16xf32> to vector<1x16xf32>
            tpu.vector_store %arg15[%swap3A_96, %swap3A_97], %swap3A_100 {strides = array<i32>} : memref<624x128xf32, #tpu.memory_space<vmem>>, vector<1x16xf32>,
            %get3A_101 = arith.index_cast %sub3A : i32 to index
            %get3A_102 = arith.constant 48 : index
            %get3A_103 = tpu.vector_load %arg15[%get3A_101, %get3A_102] {strides = array<i32>} : memref<624x128xf32, #tpu.memory_space<vmem>>, vector<1x16xf32>,
            %get3A_104 = vector.shape_cast %get3A_103 : vector<1x16xf32> to vector<16xf32>
            %get3A_105 = arith.index_cast %scan3A_52 : i32 to index
            %get3A_106 = arith.constant 48 : index
            %get3A_107 = tpu.vector_load %arg12[%get3A_105, %get3A_106] {strides = array<i32>} : memref<80x128xf32, #tpu.memory_space<vmem>>, vector<1x16xf32>,
            %get3A_108 = vector.shape_cast %get3A_107 : vector<1x16xf32> to vector<16xf32>
            %add3A_109 = arith.addf %get3A_104, %get3A_108 : vector<16xf32>
            %swap3A_110 = arith.index_cast %sub3A : i32 to index
            %swap3A_111 = arith.constant 48 : index
            %swap3A_112 = tpu.vector_load %arg15[%swap3A_110, %swap3A_111] {strides = array<i32>} : memref<624x128xf32, #tpu.memory_space<vmem>>, vector<1x16xf32>,
            %swap3A_113 = vector.shape_cast %swap3A_112 : vector<1x16xf32> to vector<16xf32>
            %swap3A_114 = vector.shape_cast %add3A_109 : vector<16xf32> to vector<1x16xf32>
            tpu.vector_store %arg15[%swap3A_110, %swap3A_111], %swap3A_114 {strides = array<i32>} : memref<624x128xf32, #tpu.memory_space<vmem>>, vector<1x16xf32>,
            %get3A_115 = arith.index_cast %sub3A : i32 to index
            %get3A_116 = arith.constant 64 : index
            %get3A_117 = tpu.vector_load %arg15[%get3A_115, %get3A_116] {strides = array<i32>} : memref<624x128xf32, #tpu.memory_space<vmem>>, vector<1x16xf32>,
            %get3A_118 = vector.shape_cast %get3A_117 : vector<1x16xf32> to vector<16xf32>
            %get3A_119 = arith.index_cast %scan3A_52 : i32 to index
            %get3A_120 = arith.constant 64 : index
            %get3A_121 = tpu.vector_load %arg12[%get3A_119, %get3A_120] {strides = array<i32>} : memref<80x128xf32, #tpu.memory_space<vmem>>, vector<1x16xf32>,
            %get3A_122 = vector.shape_cast %get3A_121 : vector<1x16xf32> to vector<16xf32>
            %add3A_123 = arith.addf %get3A_118, %get3A_122 : vector<16xf32>
            %swap3A_124 = arith.index_cast %sub3A : i32 to index
            %swap3A_125 = arith.constant 64 : index
            %swap3A_126 = tpu.vector_load %arg15[%swap3A_124, %swap3A_125] {strides = array<i32>} : memref<624x128xf32, #tpu.memory_space<vmem>>, vector<1x16xf32>,
            %swap3A_127 = vector.shape_cast %swap3A_126 : vector<1x16xf32> to vector<16xf32>
            %swap3A_128 = vector.shape_cast %add3A_123 : vector<16xf32> to vector<1x16xf32>
            tpu.vector_store %arg15[%swap3A_124, %swap3A_125], %swap3A_128 {strides = array<i32>} : memref<624x128xf32, #tpu.memory_space<vmem>>, vector<1x16xf32>,
            %get3A_129 = arith.index_cast %sub3A : i32 to index
            %get3A_130 = arith.constant 80 : index
            %get3A_131 = tpu.vector_load %arg15[%get3A_129, %get3A_130] {strides = array<i32>} : memref<624x128xf32, #tpu.memory_space<vmem>>, vector<1x16xf32>,
            %get3A_132 = vector.shape_cast %get3A_131 : vector<1x16xf32> to vector<16xf32>
            %get3A_133 = arith.index_cast %scan3A_52 : i32 to index
            %get3A_134 = arith.constant 80 : index
            %get3A_135 = tpu.vector_load %arg12[%get3A_133, %get3A_134] {strides = array<i32>} : memref<80x128xf32, #tpu.memory_space<vmem>>, vector<1x16xf32>,
            %get3A_136 = vector.shape_cast %get3A_135 : vector<1x16xf32> to vector<16xf32>
            %add3A_137 = arith.addf %get3A_132, %get3A_136 : vector<16xf32>
            %swap3A_138 = arith.index_cast %sub3A : i32 to index
            %swap3A_139 = arith.constant 80 : index
            %swap3A_140 = tpu.vector_load %arg15[%swap3A_138, %swap3A_139] {strides = array<i32>} : memref<624x128xf32, #tpu.memory_space<vmem>>, vector<1x16xf32>,
            %swap3A_141 = vector.shape_cast %swap3A_140 : vector<1x16xf32> to vector<16xf32>
            %swap3A_142 = vector.shape_cast %add3A_137 : vector<16xf32> to vector<1x16xf32>
            tpu.vector_store %arg15[%swap3A_138, %swap3A_139], %swap3A_142 {strides = array<i32>} : memref<624x128xf32, #tpu.memory_space<vmem>>, vector<1x16xf32>,
            %get3A_143 = arith.index_cast %sub3A : i32 to index
            %get3A_144 = arith.constant 96 : index
            %get3A_145 = tpu.vector_load %arg15[%get3A_143, %get3A_144] {strides = array<i32>} : memref<624x128xf32, #tpu.memory_space<vmem>>, vector<1x16xf32>,
            %get3A_146 = vector.shape_cast %get3A_145 : vector<1x16xf32> to vector<16xf32>
            %get3A_147 = arith.index_cast %scan3A_52 : i32 to index
            %get3A_148 = arith.constant 96 : index
            %get3A_149 = tpu.vector_load %arg12[%get3A_147, %get3A_148] {strides = array<i32>} : memref<80x128xf32, #tpu.memory_space<vmem>>, vector<1x16xf32>,
            %get3A_150 = vector.shape_cast %get3A_149 : vector<1x16xf32> to vector<16xf32>
            %add3A_151 = arith.addf %get3A_146, %get3A_150 : vector<16xf32>
            %swap3A_152 = arith.index_cast %sub3A : i32 to index
            %swap3A_153 = arith.constant 96 : index
            %swap3A_154 = tpu.vector_load %arg15[%swap3A_152, %swap3A_153] {strides = array<i32>} : memref<624x128xf32, #tpu.memory_space<vmem>>, vector<1x16xf32>,
            %swap3A_155 = vector.shape_cast %swap3A_154 : vector<1x16xf32> to vector<16xf32>
            %swap3A_156 = vector.shape_cast %add3A_151 : vector<16xf32> to vector<1x16xf32>
            tpu.vector_store %arg15[%swap3A_152, %swap3A_153], %swap3A_156 {strides = array<i32>} : memref<624x128xf32, #tpu.memory_space<vmem>>, vector<1x16xf32>,
            %get3A_157 = arith.index_cast %sub3A : i32 to index
            %get3A_158 = arith.constant 112 : index
            %get3A_159 = tpu.vector_load %arg15[%get3A_157, %get3A_158] {strides = array<i32>} : memref<624x128xf32, #tpu.memory_space<vmem>>, vector<1x16xf32>,
            %get3A_160 = vector.shape_cast %get3A_159 : vector<1x16xf32> to vector<16xf32>
            %get3A_161 = arith.index_cast %scan3A_52 : i32 to index
            %get3A_162 = arith.constant 112 : index
            %get3A_163 = tpu.vector_load %arg12[%get3A_161, %get3A_162] {strides = array<i32>} : memref<80x128xf32, #tpu.memory_space<vmem>>, vector<1x16xf32>,
            %get3A_164 = vector.shape_cast %get3A_163 : vector<1x16xf32> to vector<16xf32>
            %add3A_165 = arith.addf %get3A_160, %get3A_164 : vector<16xf32>
            %swap3A_166 = arith.index_cast %sub3A : i32 to index
            %swap3A_167 = arith.constant 112 : index
            %swap3A_168 = tpu.vector_load %arg15[%swap3A_166, %swap3A_167] {strides = array<i32>} : memref<624x128xf32, #tpu.memory_space<vmem>>, vector<1x16xf32>,
            %swap3A_169 = vector.shape_cast %swap3A_168 : vector<1x16xf32> to vector<16xf32>
            %swap3A_170 = vector.shape_cast %add3A_165 : vector<16xf32> to vector<1x16xf32>
            tpu.vector_store %arg15[%swap3A_166, %swap3A_167], %swap3A_170 {strides = array<i32>} : memref<624x128xf32, #tpu.memory_space<vmem>>, vector<1x16xf32>,
          } else {
          }
          %scan3A_59 = arith.constant 0 : i32
          scf.yield %scan3A_59 : i32
        }
        %scan3A_50 = arith.constant 80 : i32
        %scan3A_51 = arith.constant 0 : i32
        scf.yield %scan3A_51 : i32
      }
      %scan3A_32 = arith.constant 125 : i32
      %mul3A_33 = arith.constant 10608 : i32
      %mul3A_34 = arith.muli %add3A, %mul3A_33 : i32
      %add3A_35 = arith.addi %mul3A_34, %mul3A_18 : i32
      "tpu.region"() ({
        %run_scoped3A = tpu.sem_alloc : memref<!tpu.dma_semaphore, #tpu.memory_space<semaphore_mem>>
        %dma_start3A = arith.constant 0 : i32
        %dma_start3A_37 = tpu.memref_slice %arg7[%add3A_35, %dma_start3A] : memref<339456x128xf32, #tpu.memory_space<hbm>> -> memref<624x128xf32, #tpu.memory_space<hbm>>
        %dma_start3A_38 = arith.constant 0 : i32
        %dma_start3A_39 = tpu.memref_slice %arg7[%add3A_35, %dma_start3A_38] : memref<339456x128xf32, #tpu.memory_space<hbm>> -> memref<624x128xf32, #tpu.memory_space<hbm>>
        tpu.enqueue_dma source(%arg15 : memref<624x128xf32, #tpu.memory_space<vmem>>) target(%dma_start3A_39 : memref<624x128xf32, #tpu.memory_space<hbm>>) target_semaphore(%run_scoped3A : memref<!tpu.dma_semaphore, #tpu.memory_space<semaphore_mem>>)
        %dma_wait3A = arith.constant 0 : i32
        %dma_wait3A_40 = tpu.memref_slice %arg7[%add3A_35, %dma_wait3A] : memref<339456x128xf32, #tpu.memory_space<hbm>> -> memref<624x128xf32, #tpu.memory_space<hbm>>
        %dma_wait3A_41 = arith.constant 0 : i32
        %dma_wait3A_42 = tpu.memref_slice %arg7[%add3A_35, %dma_wait3A_41] : memref<339456x128xf32, #tpu.memory_space<hbm>> -> memref<624x128xf32, #tpu.memory_space<hbm>>
        tpu.wait_dma2 semaphore(%run_scoped3A : memref<!tpu.dma_semaphore, #tpu.memory_space<semaphore_mem>>) src(%arg15 : memref<624x128xf32, #tpu.memory_space<vmem>>) dst(%dma_wait3A_42 : memref<624x128xf32, #tpu.memory_space<hbm>>)
        tpu.yield
      }) : () -> ()
      %scan3A_36 = arith.constant 0 : i32
      scf.yield %scan3A_36 : i32
    }
    %scan3A_14 = arith.constant 17 : i32
    return
  }
}

module attributes {stable_mosaic.version = 14 : i64} {
  func.func @_k0_body(%arg0: i32, %arg1: memref<1000x128xf32, #tpu.memory_space<vmem>>, %arg2: memref<1000x8xf32, #tpu.memory_space<vmem>>, %arg3: memref<128x128xf32, #tpu.memory_space<vmem>>, %arg4: memref<128x128xf32, #tpu.memory_space<vmem>>, %arg5: memref<1x128xf32, #tpu.memory_space<vmem>>, %arg6: memref<128x16xf32, #tpu.memory_space<vmem>>, %arg7: memref<128x16xf32, #tpu.memory_space<vmem>>, %arg8: memref<8x16xf32, #tpu.memory_space<vmem>>, %arg9: memref<1000x128xf32, #tpu.memory_space<vmem>>, %arg10: memref<1000x128xf32, #tpu.memory_space<vmem>>, %arg11: memref<1000x16xf32, #tpu.memory_space<vmem>>, %arg12: memref<1000x16xf32, #tpu.memory_space<vmem>>) attributes {dimension_semantics = [#tpu.dimension_semantics<arbitrary>], iteration_bounds = array<i64: 10>, scalar_prefetch = 0 : i64, scratch_operands = 0 : i64, tpu.core_type = #tpu.core_type<tc>, window_params = [{transform_indices = @transform_0, window_bounds = array<i64: 1000, 128>}, {transform_indices = @transform_1, window_bounds = array<i64: 1000, 8>}, {pipeline_mode = #tpu.pipeline_mode<synchronous>, transform_indices = @transform_2, window_bounds = array<i64: 128, 128>}, {pipeline_mode = #tpu.pipeline_mode<synchronous>, transform_indices = @transform_3, window_bounds = array<i64: 128, 128>}, {pipeline_mode = #tpu.pipeline_mode<synchronous>, transform_indices = @transform_4, window_bounds = array<i64: 1, 128>}, {pipeline_mode = #tpu.pipeline_mode<synchronous>, transform_indices = @transform_5, window_bounds = array<i64: 128, 16>}, {pipeline_mode = #tpu.pipeline_mode<synchronous>, transform_indices = @transform_6, window_bounds = array<i64: 128, 16>}, {pipeline_mode = #tpu.pipeline_mode<synchronous>, transform_indices = @transform_7, window_bounds = array<i64: 8, 16>}, {transform_indices = @transform_8, window_bounds = array<i64: 1000, 128>}, {transform_indices = @transform_9, window_bounds = array<i64: 1000, 128>}, {transform_indices = @transform_10, window_bounds = array<i64: 1000, 16>}, {transform_indices = @transform_11, window_bounds = array<i64: 1000, 16>}]} {
    %get3A = arith.constant 0 : index
    %get3A_0 = arith.constant 0 : index
    %get3A_1 = vector.load %arg1[%get3A, %get3A_0] : memref<1000x128xf32, #tpu.memory_space<vmem>>, vector<1000x128xf32>
    %get3A_2 = arith.constant 0 : index
    %get3A_3 = arith.constant 0 : index
    %get3A_4 = vector.load %arg3[%get3A_2, %get3A_3] : memref<128x128xf32, #tpu.memory_space<vmem>>, vector<128x128xf32>
    %dot_general3A = arith.constant dense<0.000000e+00> : vector<1000x128xf32>
    %dot_general3A_5 = tpu.matmul %get3A_1, %get3A_4, %dot_general3A {dimension_numbers = #tpu.dot_dimension_numbers<[1], [0], [0], [1], [0, 0, 1, 1], [], []>, transpose_lhs_hint = false} : vector<1000x128xf32>, vector<128x128xf32>, vector<1000x128xf32> -> vector<1000x128xf32>
    %get3A_6 = arith.constant 0 : index
    %get3A_7 = arith.constant 0 : index
    %get3A_8 = vector.load %arg5[%get3A_6, %get3A_7] : memref<1x128xf32, #tpu.memory_space<vmem>>, vector<1x128xf32>
    %add3A = vector.broadcast %get3A_8 : vector<1x128xf32> to vector<1000x128xf32>
    %add3A_9 = arith.addf %dot_general3A_5, %add3A : vector<1000x128xf32>
    %swap3A = arith.constant 0 : index
    %swap3A_10 = arith.constant 0 : index
    %swap3A_11 = vector.load %arg9[%swap3A, %swap3A_10] : memref<1000x128xf32, #tpu.memory_space<vmem>>, vector<1000x128xf32>
    tpu.vector_store %arg9[%swap3A, %swap3A_10], %add3A_9 {strides = array<i32>} : memref<1000x128xf32, #tpu.memory_space<vmem>>, vector<1000x128xf32>,
    %get3A_12 = arith.constant 0 : index
    %get3A_13 = arith.constant 0 : index
    %get3A_14 = vector.load %arg4[%get3A_12, %get3A_13] : memref<128x128xf32, #tpu.memory_space<vmem>>, vector<128x128xf32>
    %dot_general3A_15 = arith.constant dense<0.000000e+00> : vector<1000x128xf32>
    %dot_general3A_16 = tpu.matmul %get3A_1, %get3A_14, %dot_general3A_15 {dimension_numbers = #tpu.dot_dimension_numbers<[1], [0], [0], [1], [0, 0, 1, 1], [], []>, transpose_lhs_hint = false} : vector<1000x128xf32>, vector<128x128xf32>, vector<1000x128xf32> -> vector<1000x128xf32>
    %swap3A_17 = arith.constant 0 : index
    %swap3A_18 = arith.constant 0 : index
    %swap3A_19 = vector.load %arg10[%swap3A_17, %swap3A_18] : memref<1000x128xf32, #tpu.memory_space<vmem>>, vector<1000x128xf32>
    tpu.vector_store %arg10[%swap3A_17, %swap3A_18], %dot_general3A_16 {strides = array<i32>} : memref<1000x128xf32, #tpu.memory_space<vmem>>, vector<1000x128xf32>,
    %get3A_20 = arith.constant 0 : index
    %get3A_21 = arith.constant 0 : index
    %get3A_22 = vector.load %arg2[%get3A_20, %get3A_21] : memref<1000x8xf32, #tpu.memory_space<vmem>>, vector<1000x8xf32>
    %get3A_23 = arith.constant 0 : index
    %get3A_24 = arith.constant 0 : index
    %get3A_25 = vector.load %arg8[%get3A_23, %get3A_24] : memref<8x16xf32, #tpu.memory_space<vmem>>, vector<8x16xf32>
    %dot_general3A_26 = arith.constant dense<0.000000e+00> : vector<1000x16xf32>
    %dot_general3A_27 = tpu.matmul %get3A_22, %get3A_25, %dot_general3A_26 {dimension_numbers = #tpu.dot_dimension_numbers<[1], [0], [0], [1], [0, 0, 1, 1], [], []>, transpose_lhs_hint = false} : vector<1000x8xf32>, vector<8x16xf32>, vector<1000x16xf32> -> vector<1000x16xf32>
    %get3A_28 = arith.constant 0 : index
    %get3A_29 = arith.constant 0 : index
    %get3A_30 = vector.load %arg6[%get3A_28, %get3A_29] : memref<128x16xf32, #tpu.memory_space<vmem>>, vector<128x16xf32>
    %dot_general3A_31 = arith.constant dense<0.000000e+00> : vector<1000x16xf32>
    %dot_general3A_32 = tpu.matmul %get3A_1, %get3A_30, %dot_general3A_31 {dimension_numbers = #tpu.dot_dimension_numbers<[1], [0], [0], [1], [0, 0, 1, 1], [], []>, transpose_lhs_hint = false} : vector<1000x128xf32>, vector<128x16xf32>, vector<1000x16xf32> -> vector<1000x16xf32>
    %add3A_33 = arith.addf %dot_general3A_32, %dot_general3A_27 : vector<1000x16xf32>
    %swap3A_34 = arith.constant 0 : index
    %swap3A_35 = arith.constant 0 : index
    %swap3A_36 = vector.load %arg11[%swap3A_34, %swap3A_35] : memref<1000x16xf32, #tpu.memory_space<vmem>>, vector<1000x16xf32>
    tpu.vector_store %arg11[%swap3A_34, %swap3A_35], %add3A_33 {strides = array<i32>} : memref<1000x16xf32, #tpu.memory_space<vmem>>, vector<1000x16xf32>,
    %get3A_37 = arith.constant 0 : index
    %get3A_38 = arith.constant 0 : index
    %get3A_39 = vector.load %arg7[%get3A_37, %get3A_38] : memref<128x16xf32, #tpu.memory_space<vmem>>, vector<128x16xf32>
    %dot_general3A_40 = arith.constant dense<0.000000e+00> : vector<1000x16xf32>
    %dot_general3A_41 = tpu.matmul %get3A_1, %get3A_39, %dot_general3A_40 {dimension_numbers = #tpu.dot_dimension_numbers<[1], [0], [0], [1], [0, 0, 1, 1], [], []>, transpose_lhs_hint = false} : vector<1000x128xf32>, vector<128x16xf32>, vector<1000x16xf32> -> vector<1000x16xf32>
    %add3A_42 = arith.addf %dot_general3A_41, %dot_general3A_27 : vector<1000x16xf32>
    %swap3A_43 = arith.constant 0 : index
    %swap3A_44 = arith.constant 0 : index
    %swap3A_45 = vector.load %arg12[%swap3A_43, %swap3A_44] : memref<1000x16xf32, #tpu.memory_space<vmem>>, vector<1000x16xf32>
    tpu.vector_store %arg12[%swap3A_43, %swap3A_44], %add3A_42 {strides = array<i32>} : memref<1000x16xf32, #tpu.memory_space<vmem>>, vector<1000x16xf32>,
    return
  }
  func.func @transform_0(%arg0: i32) -> (i32, i32) {
    %c0_i32 = arith.constant 0 : i32
    %c0_i32_0 = arith.constant 0 : i32
    return %arg0, %c0_i32 : i32, i32
  }
  func.func @transform_1(%arg0: i32) -> (i32, i32) {
    %c0_i32 = arith.constant 0 : i32
    %c0_i32_0 = arith.constant 0 : i32
    return %arg0, %c0_i32 : i32, i32
  }
  func.func @transform_2(%arg0: i32) -> (i32, i32) {
    %c0_i32 = arith.constant 0 : i32
    %c0_i32_0 = arith.constant 0 : i32
    %c0_i32_1 = arith.constant 0 : i32
    return %c0_i32, %c0_i32_0 : i32, i32
  }
  func.func @transform_3(%arg0: i32) -> (i32, i32) {
    %c0_i32 = arith.constant 0 : i32
    %c0_i32_0 = arith.constant 0 : i32
    %c0_i32_1 = arith.constant 0 : i32
    return %c0_i32, %c0_i32_0 : i32, i32
  }
  func.func @transform_4(%arg0: i32) -> (i32, i32) {
    %c0_i32 = arith.constant 0 : i32
    %c0_i32_0 = arith.constant 0 : i32
    %c0_i32_1 = arith.constant 0 : i32
    return %c0_i32, %c0_i32_0 : i32, i32
  }
  func.func @transform_5(%arg0: i32) -> (i32, i32) {
    %c0_i32 = arith.constant 0 : i32
    %c0_i32_0 = arith.constant 0 : i32
    %c0_i32_1 = arith.constant 0 : i32
    return %c0_i32, %c0_i32_0 : i32, i32
  }
  func.func @transform_6(%arg0: i32) -> (i32, i32) {
    %c0_i32 = arith.constant 0 : i32
    %c0_i32_0 = arith.constant 0 : i32
    %c0_i32_1 = arith.constant 0 : i32
    return %c0_i32, %c0_i32_0 : i32, i32
  }
  func.func @transform_7(%arg0: i32) -> (i32, i32) {
    %c0_i32 = arith.constant 0 : i32
    %c0_i32_0 = arith.constant 0 : i32
    %c0_i32_1 = arith.constant 0 : i32
    return %c0_i32, %c0_i32_0 : i32, i32
  }
  func.func @transform_8(%arg0: i32) -> (i32, i32) {
    %c0_i32 = arith.constant 0 : i32
    %c0_i32_0 = arith.constant 0 : i32
    return %arg0, %c0_i32 : i32, i32
  }
  func.func @transform_9(%arg0: i32) -> (i32, i32) {
    %c0_i32 = arith.constant 0 : i32
    %c0_i32_0 = arith.constant 0 : i32
    return %arg0, %c0_i32 : i32, i32
  }
  func.func @transform_10(%arg0: i32) -> (i32, i32) {
    %c0_i32 = arith.constant 0 : i32
    %c0_i32_0 = arith.constant 0 : i32
    return %arg0, %c0_i32 : i32, i32
  }
  func.func @transform_11(%arg0: i32) -> (i32, i32) {
    %c0_i32 = arith.constant 0 : i32
    %c0_i32_0 = arith.constant 0 : i32
    return %arg0, %c0_i32 : i32, i32
  }
}

module attributes {stable_mosaic.version = 14 : i64} {
  func.func @_kb_body(%arg0: i32, %arg1: memref<512x128xf32, #tpu.memory_space<vmem>>, %arg2: memref<128x128xf32, #tpu.memory_space<vmem>>, %arg3: memref<1x128xf32, #tpu.memory_space<vmem>>, %arg4: memref<128x128xf32, #tpu.memory_space<vmem>>, %arg5: memref<1x128xf32, #tpu.memory_space<vmem>>, %arg6: memref<128x1xf32, #tpu.memory_space<vmem>>, %arg7: memref<512x128xf32, #tpu.memory_space<vmem>>, %arg8: memref<512x1xf32, #tpu.memory_space<vmem>>) attributes {dimension_semantics = [#tpu.dimension_semantics<arbitrary>], iteration_bounds = array<i64: 625>, scalar_prefetch = 0 : i64, scratch_operands = 0 : i64, tpu.core_type = #tpu.core_type<tc>, window_params = [{transform_indices = @transform_0, window_bounds = array<i64: 512, 128>}, {pipeline_mode = #tpu.pipeline_mode<synchronous>, transform_indices = @transform_1, window_bounds = array<i64: 128, 128>}, {pipeline_mode = #tpu.pipeline_mode<synchronous>, transform_indices = @transform_2, window_bounds = array<i64: 1, 128>}, {pipeline_mode = #tpu.pipeline_mode<synchronous>, transform_indices = @transform_3, window_bounds = array<i64: 128, 128>}, {pipeline_mode = #tpu.pipeline_mode<synchronous>, transform_indices = @transform_4, window_bounds = array<i64: 1, 128>}, {pipeline_mode = #tpu.pipeline_mode<synchronous>, transform_indices = @transform_5, window_bounds = array<i64: 128, 1>}, {transform_indices = @transform_6, window_bounds = array<i64: 512, 128>}, {transform_indices = @transform_7, window_bounds = array<i64: 512, 1>}]} {
    %get3A = arith.constant 0 : index
    %get3A_0 = arith.constant 0 : index
    %get3A_1 = vector.load %arg1[%get3A, %get3A_0] : memref<512x128xf32, #tpu.memory_space<vmem>>, vector<512x128xf32>
    %get3A_2 = arith.constant 0 : index
    %get3A_3 = arith.constant 0 : index
    %get3A_4 = vector.load %arg2[%get3A_2, %get3A_3] : memref<128x128xf32, #tpu.memory_space<vmem>>, vector<128x128xf32>
    %dot_general3A = arith.constant dense<0.000000e+00> : vector<512x128xf32>
    %dot_general3A_5 = tpu.matmul %get3A_1, %get3A_4, %dot_general3A {dimension_numbers = #tpu.dot_dimension_numbers<[1], [0], [0], [1], [0, 0, 1, 1], [], []>, transpose_lhs_hint = false} : vector<512x128xf32>, vector<128x128xf32>, vector<512x128xf32> -> vector<512x128xf32>
    %get3A_6 = arith.constant 0 : index
    %get3A_7 = arith.constant 0 : index
    %get3A_8 = vector.load %arg3[%get3A_6, %get3A_7] : memref<1x128xf32, #tpu.memory_space<vmem>>, vector<1x128xf32>
    %add3A = vector.broadcast %get3A_8 : vector<1x128xf32> to vector<512x128xf32>
    %add3A_9 = arith.addf %dot_general3A_5, %add3A : vector<512x128xf32>
    %swap3A = arith.constant 0 : index
    %swap3A_10 = arith.constant 0 : index
    %swap3A_11 = vector.load %arg7[%swap3A, %swap3A_10] : memref<512x128xf32, #tpu.memory_space<vmem>>, vector<512x128xf32>
    tpu.vector_store %arg7[%swap3A, %swap3A_10], %add3A_9 {strides = array<i32>} : memref<512x128xf32, #tpu.memory_space<vmem>>, vector<512x128xf32>,
    %get3A_12 = arith.constant 0 : index
    %get3A_13 = arith.constant 0 : index
    %get3A_14 = vector.load %arg4[%get3A_12, %get3A_13] : memref<128x128xf32, #tpu.memory_space<vmem>>, vector<128x128xf32>
    %dot_general3A_15 = arith.constant dense<0.000000e+00> : vector<512x128xf32>
    %dot_general3A_16 = tpu.matmul %get3A_1, %get3A_14, %dot_general3A_15 {dimension_numbers = #tpu.dot_dimension_numbers<[1], [0], [0], [1], [0, 0, 1, 1], [], []>, transpose_lhs_hint = false} : vector<512x128xf32>, vector<128x128xf32>, vector<512x128xf32> -> vector<512x128xf32>
    %get3A_17 = arith.constant 0 : index
    %get3A_18 = arith.constant 0 : index
    %get3A_19 = vector.load %arg5[%get3A_17, %get3A_18] : memref<1x128xf32, #tpu.memory_space<vmem>>, vector<1x128xf32>
    %add3A_20 = vector.broadcast %get3A_19 : vector<1x128xf32> to vector<512x128xf32>
    %add3A_21 = arith.addf %dot_general3A_16, %add3A_20 : vector<512x128xf32>
    %neg3A = arith.constant 0.000000e+00 : f32
    %neg3A_22 = vector.broadcast %neg3A : f32 to vector<512x128xf32>
    %neg3A_23 = arith.subf %neg3A_22, %add3A_21 : vector<512x128xf32>
    %exp3A = math.exp %neg3A_23 : vector<512x128xf32>
    %add3A_24 = arith.constant 1.000000e+00 : f32
    %add3A_25 = vector.broadcast %add3A_24 : f32 to vector<512x128xf32>
    %add3A_26 = arith.addf %add3A_25, %exp3A : vector<512x128xf32>
    %div3A = arith.constant 1.000000e+00 : f32
    %div3A_27 = vector.broadcast %div3A : f32 to vector<512x128xf32>
    %div3A_28 = arith.divf %div3A_27, %add3A_26 : vector<512x128xf32>
    %mul3A = arith.mulf %add3A_21, %div3A_28 : vector<512x128xf32>
    %get3A_29 = arith.constant 0 : index
    %get3A_30 = arith.constant 0 : index
    %get3A_31 = vector.load %arg6[%get3A_29, %get3A_30] : memref<128x1xf32, #tpu.memory_space<vmem>>, vector<128x1xf32>
    %dot_general3A_32 = arith.constant dense<0.000000e+00> : vector<512x1xf32>
    %dot_general3A_33 = tpu.matmul %mul3A, %get3A_31, %dot_general3A_32 {dimension_numbers = #tpu.dot_dimension_numbers<[1], [0], [0], [1], [0, 0, 1, 1], [], []>, transpose_lhs_hint = false} : vector<512x128xf32>, vector<128x1xf32>, vector<512x1xf32> -> vector<512x1xf32>
    %swap3A_34 = arith.constant 0 : index
    %swap3A_35 = arith.constant 0 : index
    %swap3A_36 = vector.load %arg8[%swap3A_34, %swap3A_35] : memref<512x1xf32, #tpu.memory_space<vmem>>, vector<512x1xf32>
    tpu.vector_store %arg8[%swap3A_34, %swap3A_35], %dot_general3A_33 {strides = array<i32>} : memref<512x1xf32, #tpu.memory_space<vmem>>, vector<512x1xf32>,
    return
  }
  func.func @transform_0(%arg0: i32) -> (i32, i32) {
    %c0_i32 = arith.constant 0 : i32
    %c0_i32_0 = arith.constant 0 : i32
    return %arg0, %c0_i32 : i32, i32
  }
  func.func @transform_1(%arg0: i32) -> (i32, i32) {
    %c0_i32 = arith.constant 0 : i32
    %c0_i32_0 = arith.constant 0 : i32
    %c0_i32_1 = arith.constant 0 : i32
    return %c0_i32, %c0_i32_0 : i32, i32
  }
  func.func @transform_2(%arg0: i32) -> (i32, i32) {
    %c0_i32 = arith.constant 0 : i32
    %c0_i32_0 = arith.constant 0 : i32
    %c0_i32_1 = arith.constant 0 : i32
    return %c0_i32, %c0_i32_0 : i32, i32
  }
  func.func @transform_3(%arg0: i32) -> (i32, i32) {
    %c0_i32 = arith.constant 0 : i32
    %c0_i32_0 = arith.constant 0 : i32
    %c0_i32_1 = arith.constant 0 : i32
    return %c0_i32, %c0_i32_0 : i32, i32
  }
  func.func @transform_4(%arg0: i32) -> (i32, i32) {
    %c0_i32 = arith.constant 0 : i32
    %c0_i32_0 = arith.constant 0 : i32
    %c0_i32_1 = arith.constant 0 : i32
    return %c0_i32, %c0_i32_0 : i32, i32
  }
  func.func @transform_5(%arg0: i32) -> (i32, i32) {
    %c0_i32 = arith.constant 0 : i32
    %c0_i32_0 = arith.constant 0 : i32
    %c0_i32_1 = arith.constant 0 : i32
    return %c0_i32, %c0_i32_0 : i32, i32
  }
  func.func @transform_6(%arg0: i32) -> (i32, i32) {
    %c0_i32 = arith.constant 0 : i32
    %c0_i32_0 = arith.constant 0 : i32
    return %arg0, %c0_i32 : i32, i32
  }
  func.func @transform_7(%arg0: i32) -> (i32, i32) {
    %c0_i32 = arith.constant 0 : i32
    %c0_i32_0 = arith.constant 0 : i32
    return %arg0, %c0_i32 : i32, i32
  }
}

module attributes {stable_mosaic.version = 14 : i64} {
  func.func @_red_body(%arg0: i32, %arg1: memref<2512x16xf32, #tpu.memory_space<vmem>>, %arg2: memref<2512x16xf32, #tpu.memory_space<vmem>>) attributes {dimension_semantics = [#tpu.dimension_semantics<arbitrary>], iteration_bounds = array<i64: 32>, scalar_prefetch = 0 : i64, scratch_operands = 0 : i64, tpu.core_type = #tpu.core_type<tc>, window_params = [{transform_indices = @transform_0, window_bounds = array<i64: 2512, 16>}, {pipeline_mode = #tpu.pipeline_mode<synchronous>, transform_indices = @transform_1, window_bounds = array<i64: 2512, 16>}]} {
    %eq3A = arith.constant 0 : i32
    %eq3A_0 = arith.cmpi eq, %arg0, %eq3A : i32
    %convert_element_type3A = arith.extui %eq3A_0 : i1 to i32
    %cond3A = arith.constant 0 : i32
    %cond3A_1 = arith.cmpi ne, %convert_element_type3A, %cond3A : i32
    scf.if %cond3A_1 {
      %broadcast_in_dim3A = arith.constant 0.000000e+00 : f32
      %broadcast_in_dim3A_9 = vector.broadcast %broadcast_in_dim3A : f32 to vector<2512x16xf32>
      %swap3A_10 = arith.constant 0 : index
      %swap3A_11 = arith.constant 0 : index
      %swap3A_12 = vector.load %arg2[%swap3A_10, %swap3A_11] : memref<2512x16xf32, #tpu.memory_space<vmem>>, vector<2512x16xf32>
      tpu.vector_store %arg2[%swap3A_10, %swap3A_11], %broadcast_in_dim3A_9 {strides = array<i32>} : memref<2512x16xf32, #tpu.memory_space<vmem>>, vector<2512x16xf32>,
    } else {
    }
    %get3A = arith.constant 0 : index
    %get3A_2 = arith.constant 0 : index
    %get3A_3 = vector.load %arg2[%get3A, %get3A_2] : memref<2512x16xf32, #tpu.memory_space<vmem>>, vector<2512x16xf32>
    %get3A_4 = arith.constant 0 : index
    %get3A_5 = arith.constant 0 : index
    %get3A_6 = vector.load %arg1[%get3A_4, %get3A_5] : memref<2512x16xf32, #tpu.memory_space<vmem>>, vector<2512x16xf32>
    %add3A = arith.addf %get3A_3, %get3A_6 : vector<2512x16xf32>
    %swap3A = arith.constant 0 : index
    %swap3A_7 = arith.constant 0 : index
    %swap3A_8 = vector.load %arg2[%swap3A, %swap3A_7] : memref<2512x16xf32, #tpu.memory_space<vmem>>, vector<2512x16xf32>
    tpu.vector_store %arg2[%swap3A, %swap3A_7], %add3A {strides = array<i32>} : memref<2512x16xf32, #tpu.memory_space<vmem>>, vector<2512x16xf32>,
    return
  }
  func.func @transform_0(%arg0: i32) -> (i32, i32) {
    %c0_i32 = arith.constant 0 : i32
    %c0_i32_0 = arith.constant 0 : i32
    return %arg0, %c0_i32 : i32, i32
  }
  func.func @transform_1(%arg0: i32) -> (i32, i32) {
    %c0_i32 = arith.constant 0 : i32
    %c0_i32_0 = arith.constant 0 : i32
    %c0_i32_1 = arith.constant 0 : i32
    return %c0_i32, %c0_i32_0 : i32, i32
  }
}

module attributes {stable_mosaic.version = 14 : i64} {
  func.func @_red3_body(%arg0: i32, %arg1: i32, %arg2: memref<624x128xf32, #tpu.memory_space<vmem>>, %arg3: memref<624x128xf32, #tpu.memory_space<vmem>>) attributes {dimension_semantics = [#tpu.dimension_semantics<arbitrary>, #tpu.dimension_semantics<arbitrary>], iteration_bounds = array<i64: 17, 32>, scalar_prefetch = 0 : i64, scratch_operands = 0 : i64, tpu.core_type = #tpu.core_type<tc>, window_params = [{transform_indices = @transform_0, window_bounds = array<i64: 624, 128>}, {transform_indices = @transform_1, window_bounds = array<i64: 624, 128>}]} {
    %eq3A = arith.constant 0 : i32
    %eq3A_0 = arith.cmpi eq, %arg1, %eq3A : i32
    %convert_element_type3A = arith.extui %eq3A_0 : i1 to i32
    %cond3A = arith.constant 0 : i32
    %cond3A_1 = arith.cmpi ne, %convert_element_type3A, %cond3A : i32
    scf.if %cond3A_1 {
      %broadcast_in_dim3A = arith.constant 0.000000e+00 : f32
      %broadcast_in_dim3A_9 = vector.broadcast %broadcast_in_dim3A : f32 to vector<624x128xf32>
      %swap3A_10 = arith.constant 0 : index
      %swap3A_11 = arith.constant 0 : index
      %swap3A_12 = vector.load %arg3[%swap3A_10, %swap3A_11] : memref<624x128xf32, #tpu.memory_space<vmem>>, vector<624x128xf32>
      tpu.vector_store %arg3[%swap3A_10, %swap3A_11], %broadcast_in_dim3A_9 {strides = array<i32>} : memref<624x128xf32, #tpu.memory_space<vmem>>, vector<624x128xf32>,
    } else {
    }
    %get3A = arith.constant 0 : index
    %get3A_2 = arith.constant 0 : index
    %get3A_3 = vector.load %arg3[%get3A, %get3A_2] : memref<624x128xf32, #tpu.memory_space<vmem>>, vector<624x128xf32>
    %get3A_4 = arith.constant 0 : index
    %get3A_5 = arith.constant 0 : index
    %get3A_6 = vector.load %arg2[%get3A_4, %get3A_5] : memref<624x128xf32, #tpu.memory_space<vmem>>, vector<624x128xf32>
    %add3A = arith.addf %get3A_3, %get3A_6 : vector<624x128xf32>
    %swap3A = arith.constant 0 : index
    %swap3A_7 = arith.constant 0 : index
    %swap3A_8 = vector.load %arg3[%swap3A, %swap3A_7] : memref<624x128xf32, #tpu.memory_space<vmem>>, vector<624x128xf32>
    tpu.vector_store %arg3[%swap3A, %swap3A_7], %add3A {strides = array<i32>} : memref<624x128xf32, #tpu.memory_space<vmem>>, vector<624x128xf32>,
    return
  }
  func.func @transform_0(%arg0: i32, %arg1: i32) -> (i32, i32) {
    %mul3A = arith.constant 17 : i32
    %mul3A_0 = arith.muli %arg1, %mul3A : i32
    %add3A = arith.addi %mul3A_0, %arg0 : i32
    %c0_i32 = arith.constant 0 : i32
    %c0_i32_1 = arith.constant 0 : i32
    return %add3A, %c0_i32 : i32, i32
  }
  func.func @transform_1(%arg0: i32, %arg1: i32) -> (i32, i32) {
    %c0_i32 = arith.constant 0 : i32
    %c0_i32_0 = arith.constant 0 : i32
    return %arg0, %c0_i32 : i32, i32
  }
}

module attributes {stable_mosaic.version = 14 : i64} {
  func.func @_kd_body(%arg0: i32, %arg1: memref<1000x128xf32, #tpu.memory_space<vmem>>, %arg2: memref<1000x8xf32, #tpu.memory_space<vmem>>, %arg3: memref<1000x128xf32, #tpu.memory_space<vmem>>, %arg4: memref<1000x4xf32, #tpu.memory_space<vmem>>, %arg5: memref<128x128xf32, #tpu.memory_space<vmem>>, %arg6: memref<128x128xf32, #tpu.memory_space<vmem>>, %arg7: memref<1x128xf32, #tpu.memory_space<vmem>>, %arg8: memref<128x128xf32, #tpu.memory_space<vmem>>, %arg9: memref<1x128xf32, #tpu.memory_space<vmem>>, %arg10: memref<4x8xf32, #tpu.memory_space<vmem>>, %arg11: memref<4x8xf32, #tpu.memory_space<vmem>>, %arg12: memref<1000x128xf32, #tpu.memory_space<vmem>>, %arg13: memref<1000x8xf32, #tpu.memory_space<vmem>>) attributes {dimension_semantics = [#tpu.dimension_semantics<arbitrary>], iteration_bounds = array<i64: 10>, scalar_prefetch = 0 : i64, scratch_operands = 0 : i64, tpu.core_type = #tpu.core_type<tc>, window_params = [{transform_indices = @transform_0, window_bounds = array<i64: 1000, 128>}, {transform_indices = @transform_1, window_bounds = array<i64: 1000, 8>}, {transform_indices = @transform_2, window_bounds = array<i64: 1000, 128>}, {transform_indices = @transform_3, window_bounds = array<i64: 1000, 4>}, {pipeline_mode = #tpu.pipeline_mode<synchronous>, transform_indices = @transform_4, window_bounds = array<i64: 128, 128>}, {pipeline_mode = #tpu.pipeline_mode<synchronous>, transform_indices = @transform_5, window_bounds = array<i64: 128, 128>}, {pipeline_mode = #tpu.pipeline_mode<synchronous>, transform_indices = @transform_6, window_bounds = array<i64: 1, 128>}, {pipeline_mode = #tpu.pipeline_mode<synchronous>, transform_indices = @transform_7, window_bounds = array<i64: 128, 128>}, {pipeline_mode = #tpu.pipeline_mode<synchronous>, transform_indices = @transform_8, window_bounds = array<i64: 1, 128>}, {pipeline_mode = #tpu.pipeline_mode<synchronous>, transform_indices = @transform_9, window_bounds = array<i64: 4, 8>}, {pipeline_mode = #tpu.pipeline_mode<synchronous>, transform_indices = @transform_10, window_bounds = array<i64: 4, 8>}, {transform_indices = @transform_11, window_bounds = array<i64: 1000, 128>}, {transform_indices = @transform_12, window_bounds = array<i64: 1000, 8>}]} {
    %get3A = arith.constant 0 : index
    %get3A_0 = arith.constant 0 : index
    %get3A_1 = vector.load %arg1[%get3A, %get3A_0] : memref<1000x128xf32, #tpu.memory_space<vmem>>, vector<1000x128xf32>
    %get3A_2 = arith.constant 0 : index
    %get3A_3 = arith.constant 0 : index
    %get3A_4 = vector.load %arg5[%get3A_2, %get3A_3] : memref<128x128xf32, #tpu.memory_space<vmem>>, vector<128x128xf32>
    %dot_general3A = arith.constant dense<0.000000e+00> : vector<1000x128xf32>
    %dot_general3A_5 = tpu.matmul %get3A_1, %get3A_4, %dot_general3A {dimension_numbers = #tpu.dot_dimension_numbers<[1], [0], [0], [1], [0, 0, 1, 1], [], []>, transpose_lhs_hint = false} : vector<1000x128xf32>, vector<128x128xf32>, vector<1000x128xf32> -> vector<1000x128xf32>
    %get3A_6 = arith.constant 0 : index
    %get3A_7 = arith.constant 0 : index
    %get3A_8 = vector.load %arg3[%get3A_6, %get3A_7] : memref<1000x128xf32, #tpu.memory_space<vmem>>, vector<1000x128xf32>
    %get3A_9 = arith.constant 0 : index
    %get3A_10 = arith.constant 0 : index
    %get3A_11 = vector.load %arg6[%get3A_9, %get3A_10] : memref<128x128xf32, #tpu.memory_space<vmem>>, vector<128x128xf32>
    %dot_general3A_12 = arith.constant dense<0.000000e+00> : vector<1000x128xf32>
    %dot_general3A_13 = tpu.matmul %get3A_8, %get3A_11, %dot_general3A_12 {dimension_numbers = #tpu.dot_dimension_numbers<[1], [0], [0], [1], [0, 0, 1, 1], [], []>, transpose_lhs_hint = false} : vector<1000x128xf32>, vector<128x128xf32>, vector<1000x128xf32> -> vector<1000x128xf32>
    %add3A = arith.addf %dot_general3A_5, %dot_general3A_13 : vector<1000x128xf32>
    %get3A_14 = arith.constant 0 : index
    %get3A_15 = arith.constant 0 : index
    %get3A_16 = vector.load %arg7[%get3A_14, %get3A_15] : memref<1x128xf32, #tpu.memory_space<vmem>>, vector<1x128xf32>
    %add3A_17 = vector.broadcast %get3A_16 : vector<1x128xf32> to vector<1000x128xf32>
    %add3A_18 = arith.addf %add3A, %add3A_17 : vector<1000x128xf32>
    %neg3A = arith.constant 0.000000e+00 : f32
    %neg3A_19 = vector.broadcast %neg3A : f32 to vector<1000x128xf32>
    %neg3A_20 = arith.subf %neg3A_19, %add3A_18 : vector<1000x128xf32>
    %exp3A = math.exp %neg3A_20 : vector<1000x128xf32>
    %add3A_21 = arith.constant 1.000000e+00 : f32
    %add3A_22 = vector.broadcast %add3A_21 : f32 to vector<1000x128xf32>
    %add3A_23 = arith.addf %add3A_22, %exp3A : vector<1000x128xf32>
    %div3A = arith.constant 1.000000e+00 : f32
    %div3A_24 = vector.broadcast %div3A : f32 to vector<1000x128xf32>
    %div3A_25 = arith.divf %div3A_24, %add3A_23 : vector<1000x128xf32>
    %mul3A = arith.mulf %add3A_18, %div3A_25 : vector<1000x128xf32>
    %get3A_26 = arith.constant 0 : index
    %get3A_27 = arith.constant 0 : index
    %get3A_28 = vector.load %arg8[%get3A_26, %get3A_27] : memref<128x128xf32, #tpu.memory_space<vmem>>, vector<128x128xf32>
    %dot_general3A_29 = arith.constant dense<0.000000e+00> : vector<1000x128xf32>
    %dot_general3A_30 = tpu.matmul %mul3A, %get3A_28, %dot_general3A_29 {dimension_numbers = #tpu.dot_dimension_numbers<[1], [0], [0], [1], [0, 0, 1, 1], [], []>, transpose_lhs_hint = false} : vector<1000x128xf32>, vector<128x128xf32>, vector<1000x128xf32> -> vector<1000x128xf32>
    %add3A_31 = arith.addf %get3A_1, %dot_general3A_30 : vector<1000x128xf32>
    %get3A_32 = arith.constant 0 : index
    %get3A_33 = arith.constant 0 : index
    %get3A_34 = vector.load %arg9[%get3A_32, %get3A_33] : memref<1x128xf32, #tpu.memory_space<vmem>>, vector<1x128xf32>
    %add3A_35 = vector.broadcast %get3A_34 : vector<1x128xf32> to vector<1000x128xf32>
    %add3A_36 = arith.addf %add3A_31, %add3A_35 : vector<1000x128xf32>
    %swap3A = arith.constant 0 : index
    %swap3A_37 = arith.constant 0 : index
    %swap3A_38 = vector.load %arg12[%swap3A, %swap3A_37] : memref<1000x128xf32, #tpu.memory_space<vmem>>, vector<1000x128xf32>
    tpu.vector_store %arg12[%swap3A, %swap3A_37], %add3A_36 {strides = array<i32>} : memref<1000x128xf32, #tpu.memory_space<vmem>>, vector<1000x128xf32>,
    %get3A_39 = arith.constant 0 : index
    %get3A_40 = arith.constant 0 : index
    %get3A_41 = vector.load %arg4[%get3A_39, %get3A_40] : memref<1000x4xf32, #tpu.memory_space<vmem>>, vector<1000x4xf32>
    %get3A_42 = arith.constant 0 : index
    %get3A_43 = arith.constant 0 : index
    %get3A_44 = vector.load %arg10[%get3A_42, %get3A_43] : memref<4x8xf32, #tpu.memory_space<vmem>>, vector<4x8xf32>
    %dot_general3A_45 = arith.constant dense<0.000000e+00> : vector<1000x8xf32>
    %dot_general3A_46 = tpu.matmul %get3A_41, %get3A_44, %dot_general3A_45 {dimension_numbers = #tpu.dot_dimension_numbers<[1], [0], [0], [1], [0, 0, 1, 1], [], []>, transpose_lhs_hint = false} : vector<1000x4xf32>, vector<4x8xf32>, vector<1000x8xf32> -> vector<1000x8xf32>
    %get3A_47 = arith.constant 0 : index
    %get3A_48 = arith.constant 0 : index
    %get3A_49 = vector.load %arg11[%get3A_47, %get3A_48] : memref<4x8xf32, #tpu.memory_space<vmem>>, vector<4x8xf32>
    %dot_general3A_50 = arith.constant dense<0.000000e+00> : vector<1000x8xf32>
    %dot_general3A_51 = tpu.matmul %get3A_41, %get3A_49, %dot_general3A_50 {dimension_numbers = #tpu.dot_dimension_numbers<[1], [0], [0], [1], [0, 0, 1, 1], [], []>, transpose_lhs_hint = false} : vector<1000x4xf32>, vector<4x8xf32>, vector<1000x8xf32> -> vector<1000x8xf32>
    %get3A_52 = arith.constant 0 : index
    %get3A_53 = arith.constant 0 : index
    %get3A_54 = vector.load %arg2[%get3A_52, %get3A_53] : memref<1000x8xf32, #tpu.memory_space<vmem>>, vector<1000x8xf32>
    %max3A = arith.constant 1.000000e+00 : f32
    %max3A_55 = vector.broadcast %max3A : f32 to vector<1000x8xf32>
    %max3A_56 = arith.maximumf %dot_general3A_51, %max3A_55 : vector<1000x8xf32>
    %div3A_57 = arith.divf %dot_general3A_46, %max3A_56 : vector<1000x8xf32>
    %add3A_58 = arith.addf %get3A_54, %div3A_57 : vector<1000x8xf32>
    %swap3A_59 = arith.constant 0 : index
    %swap3A_60 = arith.constant 0 : index
    %swap3A_61 = vector.load %arg13[%swap3A_59, %swap3A_60] : memref<1000x8xf32, #tpu.memory_space<vmem>>, vector<1000x8xf32>
    tpu.vector_store %arg13[%swap3A_59, %swap3A_60], %add3A_58 {strides = array<i32>} : memref<1000x8xf32, #tpu.memory_space<vmem>>, vector<1000x8xf32>,
    return
  }
  func.func @transform_0(%arg0: i32) -> (i32, i32) {
    %c0_i32 = arith.constant 0 : i32
    %c0_i32_0 = arith.constant 0 : i32
    return %arg0, %c0_i32 : i32, i32
  }
  func.func @transform_1(%arg0: i32) -> (i32, i32) {
    %c0_i32 = arith.constant 0 : i32
    %c0_i32_0 = arith.constant 0 : i32
    return %arg0, %c0_i32 : i32, i32
  }
  func.func @transform_2(%arg0: i32) -> (i32, i32) {
    %c0_i32 = arith.constant 0 : i32
    %c0_i32_0 = arith.constant 0 : i32
    return %arg0, %c0_i32 : i32, i32
  }
  func.func @transform_3(%arg0: i32) -> (i32, i32) {
    %c0_i32 = arith.constant 0 : i32
    %c0_i32_0 = arith.constant 0 : i32
    return %arg0, %c0_i32 : i32, i32
  }
  func.func @transform_4(%arg0: i32) -> (i32, i32) {
    %c0_i32 = arith.constant 0 : i32
    %c0_i32_0 = arith.constant 0 : i32
    %c0_i32_1 = arith.constant 0 : i32
    return %c0_i32, %c0_i32_0 : i32, i32
  }
  func.func @transform_5(%arg0: i32) -> (i32, i32) {
    %c0_i32 = arith.constant 0 : i32
    %c0_i32_0 = arith.constant 0 : i32
    %c0_i32_1 = arith.constant 0 : i32
    return %c0_i32, %c0_i32_0 : i32, i32
  }
  func.func @transform_6(%arg0: i32) -> (i32, i32) {
    %c0_i32 = arith.constant 0 : i32
    %c0_i32_0 = arith.constant 0 : i32
    %c0_i32_1 = arith.constant 0 : i32
    return %c0_i32, %c0_i32_0 : i32, i32
  }
  func.func @transform_7(%arg0: i32) -> (i32, i32) {
    %c0_i32 = arith.constant 0 : i32
    %c0_i32_0 = arith.constant 0 : i32
    %c0_i32_1 = arith.constant 0 : i32
    return %c0_i32, %c0_i32_0 : i32, i32
  }
  func.func @transform_8(%arg0: i32) -> (i32, i32) {
    %c0_i32 = arith.constant 0 : i32
    %c0_i32_0 = arith.constant 0 : i32
    %c0_i32_1 = arith.constant 0 : i32
    return %c0_i32, %c0_i32_0 : i32, i32
  }
  func.func @transform_9(%arg0: i32) -> (i32, i32) {
    %c0_i32 = arith.constant 0 : i32
    %c0_i32_0 = arith.constant 0 : i32
    %c0_i32_1 = arith.constant 0 : i32
    return %c0_i32, %c0_i32_0 : i32, i32
  }
  func.func @transform_10(%arg0: i32) -> (i32, i32) {
    %c0_i32 = arith.constant 0 : i32
    %c0_i32_0 = arith.constant 0 : i32
    %c0_i32_1 = arith.constant 0 : i32
    return %c0_i32, %c0_i32_0 : i32, i32
  }
  func.func @transform_11(%arg0: i32) -> (i32, i32) {
    %c0_i32 = arith.constant 0 : i32
    %c0_i32_0 = arith.constant 0 : i32
    return %arg0, %c0_i32 : i32, i32
  }
  func.func @transform_12(%arg0: i32) -> (i32, i32) {
    %c0_i32 = arith.constant 0 : i32
    %c0_i32_0 = arith.constant 0 : i32
    return %arg0, %c0_i32 : i32, i32
  }
}

</mosaic_0001>

<sc_bundles>
// kernel: kernel.11.cloned.1.call-start
scs
__scs_entry_jumppad:
0x0: {  	(pc) =	sbr.rel $0x88, $3  }
0x1: {  	(tag) =	ssettag $0x0;
	lr =	simm.s32 $0x1  }
0x2: {  	[smem:$0x3F91] =	sst lr;
	_ =	strace $0xD0000000  }
0x3: {  	_ = 	snop  }
0x4: {  	_ = 	snop  }
0x5: {  	_ = 	snop  }
0x6: {  	_ = 	snop  }
0x7: {  	_ = 	snop  }
__scs_overlays_trampoline_lowered:
0x8: {  	[smem:$0x3FA0] =	sst s0  }
0x9: {  	[smem:$0x3FA1] =	sst s1  }
0xa: {  	[smem:$0x3FA2] =	sst s2  }
0xb: {  	[smem:$0x3FA3] =	sst s3  }
0xc: {  	[smem:$0x3FA4] =	sst s4  }
0xd: {  	[smem:$0x3FA5] =	sst s5  }
0xe: {  	[smem:$0x3FA6] =	sst s6  }
0xf: {  	[smem:$0x3FA7] =	sst s7  }
0x10: {  	[smem:$0x3FA8] =	sst s8  }
0x11: {  	[smem:$0x3FA9] =	sst s9;
	s0 =	simm.s32 @!p0 $0x0  }
0x12: {  	s1 =	sld [smem:$0x3F8F];
	s0 =	simm.s32 @p0 $0x1  }
0x13: {  	[smem:$0x3FAA] =	sst s0;
	s0 =	simm.s32 @!p1 $0x0  }
0x14: {  	s2 =	sld [smem:$0x3F8E];
	s0 =	simm.s32 @p1 $0x1  }
0x15: {  	[smem:$0x3FAB] =	sst s0;
	s0 =	simm.s32 @!p2 $0x0  }
0x16: {  	s3 =	sld [smem:$0x3FDB];
	s0 =	simm.s32 @p2 $0x1  }
0x17: {  	s4 =	simm.s32 $0x1BF5;
	[smem:$0x3FAD] =	sst s0  }
0x18: {  	s0 =	sld [smem:$0x3F90];
	_ =	swait.ge [sflag:s4], $0x0  }
0x19: {  	s7 =	sld [smem:$0x3F91]  }
0x1a: {  	s8 =	sadd.s32 $0xFFFFE003, lr  }
0x1b: {  	s9 =	sadd.s32 $0xFFFFFEF7, lr;
	s5 =	simm.s32 $0xFFFFFFFF;
	p2 =	slt.u32 s8, $0xFFFFF086  }
0x1c: {  	p1 =	slt.u32 s9, $0xF7A;
	s5 =	simm.s32 @!p2 $0x0  }
0x1d: {  	s5 =	simm.s32 @p1 $0x1;
	p0 =	seq.s32 s7, s2  }
0x1e: {  	s7 =	smul.u32 @!p0 $0xF7A, s2;
	p2 =	seq.s32 @!p0 s5, $0x0  }
0x1f: {  	s9 =	smul.u32 $0xF7A, s1;
	s8 =	simm.s32 @!p0 $0x1BF5;
	p2 =	por !p2, p0  }
0x20: {  	[sflag:s8] =	ssyncset.s32 @!p0 $0xFFFFF086;
	s6 =	sadd.s32 @!p0 s3, s7;
	s7 =	simm.s32 @!p0 $0x108  }
0x21: {  	s3 =	sadd.s32 s3, s9;
	s6 =	sadd.s32 @!p0 $0x88, s6;
	s7 =	simm.s32 @p2 $0x1082  }
0x22: {  	[simem:s7], [sflag:s8] =	dma.local @!p0 [hbm:s6], $0xF7A  }
0x23: {  	s9 =	sor.u32 $0xD0000000, s2;
	s6 =	simm.s32 $0x108;
	_ =	swait.ge @!p0 [sflag:s8], $0x0  }
0x24: {  	s3 =	sadd.s32 $0x88, s3;
	s6 =	simm.s32 @!p1 $0x1082;
	[sflag:s4] =	ssyncset.s32 $0xFFFFF086  }
0x25: {  	[simem:s6], [sflag:s4] =	dma.local [hbm:s3], $0xF7A  }
0x26: {  	[smem:$0x3F91] =	sst s1;
	(tag) =	ssettag s2;
	_ =	strace s9  }
0x27: {  	s1 =	sld [smem:$0x3FA1]  }
0x28: {  	s2 =	sld [smem:$0x3FA2]  }
0x29: {  	s4 =	sld [smem:$0x3FA4]  }
0x2a: {  	p0 =	seq.s32 s5, $0x0;
	s5 =	sld [smem:$0x3FA5]  }
0x2b: {  	s6 =	sld [smem:$0x3FA6]  }
0x2c: {  	s7 =	sld [smem:$0x3FA7]  }
0x2d: {  	s3 =	simm.s32 $0x108;
	s8 =	sld [smem:$0x3FA8]  }
0x2e: {  	s3 =	simm.s32 @!p0 $0x1082;
	s9 =	sld [smem:$0x3FA9]  }
0x2f: {  	lr =	sadd.s32 s0, s3;
	s0 =	sld [smem:$0x3FA0]  }
0x30: {  	s3 =	sld [smem:$0x3FA3]  }
0x31: {  	[smem:$0x3FAC] =	sst s10  }
0x32: {  	s10 =	sld [smem:$0x3FAA];
	_ =	sdelay $0x3  }
0x33: {  	p0 =	seq.s32 s10, $0x1;
	s10 =	sld [smem:$0x3FAC];
	_ =	sdelay $0x3  }
0x34: {  	[smem:$0x3FAC] =	sst s10  }
0x35: {  	s10 =	sld [smem:$0x3FAB];
	_ =	sdelay $0x3  }
0x36: {  	p1 =	seq.s32 s10, $0x1;
	s10 =	sld [smem:$0x3FAC];
	_ =	sdelay $0x3  }
0x37: {  	[smem:$0x3FAC] =	sst s10  }
0x38: {  	s10 =	sld [smem:$0x3FAD]  }
0x39: {  	_ = 	snop;
	(pc) =	sbr.ind lr, $3  }
0x3a: {  	_ = 	snop  }
0x3b: {  	_ = 	snop  }
0x3c: {  	p2 =	seq.s32 s10, $0x1;
	s10 =	sld [smem:$0x3FAC]  }
0x3d: {  	_ =	shalt  }
0x3e: {  	_ =	shalt  }
0x3f: {  	_ =	shalt  }
0x40: {  	_ =	shalt  }
0x41: {  	_ =	shalt  }
0x42: {  	_ =	shalt  }
0x43: {  	_ =	shalt  }
0x44: {  	_ =	shalt  }
0x45: {  	_ =	shalt  }
0x46: {  	_ =	shalt  }
0x47: {  	_ =	shalt  }
0x48: {  	_ =	shalt  }
0x49: {  	_ =	shalt  }
0x4a: {  	_ =	shalt  }
0x4b: {  	_ =	shalt  }
0x4c: {  	_ =	shalt  }
0x4d: {  	_ =	shalt  }
0x4e: {  	_ =	shalt  }
0x4f: {  	_ =	shalt  }
0x50: {  	_ =	shalt  }
0x51: {  	_ =	shalt  }
0x52: {  	_ =	shalt  }
0x53: {  	_ =	shalt  }
0x54: {  	_ =	shalt  }
0x55: {  	_ =	shalt  }
0x56: {  	_ =	shalt  }
0x57: {  	_ =	shalt  }
0x58: {  	_ =	shalt  }
0x59: {  	_ =	shalt  }
0x5a: {  	_ =	shalt  }
0x5b: {  	_ =	shalt  }
0x5c: {  	_ =	shalt  }
0x5d: {  	_ =	shalt  }
0x5e: {  	_ =	shalt  }
0x5f: {  	_ =	shalt  }
0x60: {  	_ =	shalt  }
0x61: {  	_ =	shalt  }
0x62: {  	_ =	shalt  }
0x63: {  	_ =	shalt  }
0x64: {  	_ =	shalt  }
0x65: {  	_ =	shalt  }
0x66: {  	_ =	shalt  }
0x67: {  	_ =	shalt  }
0x68: {  	_ =	shalt  }
0x69: {  	_ =	shalt  }
0x6a: {  	_ =	shalt  }
0x6b: {  	_ =	shalt  }
0x6c: {  	_ =	shalt  }
0x6d: {  	_ =	shalt  }
0x6e: {  	_ =	shalt  }
0x6f: {  	_ =	shalt  }
0x70: {  	_ =	shalt  }
0x71: {  	_ =	shalt  }
0x72: {  	_ =	shalt  }
0x73: {  	_ =	shalt  }
0x74: {  	_ =	shalt  }
0x75: {  	_ =	shalt  }
0x76: {  	_ =	shalt  }
0x77: {  	_ =	shalt  }
0x78: {  	_ =	shalt  }
0x79: {  	_ =	shalt  }
0x7a: {  	_ =	shalt  }
0x7b: {  	_ =	shalt  }
0x7c: {  	_ =	shalt  }
0x7d: {  	_ =	shalt  }
0x7e: {  	_ =	shalt  }
0x7f: {  	_ =	shalt  }
0x80: {  	_ =	shalt  }
0x81: {  	_ =	shalt  }
0x82: {  	_ =	shalt  }
0x83: {  	_ =	shalt  }
0x84: {  	_ =	shalt  }
0x85: {  	_ =	shalt  }
0x86: {  	_ =	shalt  }
0x87: {  	_ =	shalt  }
.Lfunc_end0:
.L_simem_size_0:
called_computation_lowered:
.L_overlay_start_0:
0x88: {  	s2 =	sld [smem:$0x3FD9]  }
0x89: {  	s3 =	sld [smem:$0x3FFE];
	_ =	sdelay $0x1  }
0x8a: {  	s1 =	srdreg.scid  }
0x8b: {  	s0 =	sand.u32 $0x1, s1  }
0x8c: {  	s14 =	sshll.u32 s0, $0xA;
	s2 =	sadd.s32 s3, s2  }
0x8d: {  	s2 =	sadd.s32 s2, s14  }
0x8e: {  	[smem:$0x3FB8] =	sst s2  }
0x8f: {  	_ = 	snop  }
0x90: {  	s2 =	sld [smem:$0x3FD0];
	_ =	sdelay $0x2  }
0x91: {  	s15 =	simm.s32 $0xB;
	s4 =	simm.s32 $0x10  }
0x92: {  	[smem:s4], [sflag:s15] =	dma.local [hbm:s2], $0x1  }
0x93: {  	_ =	swait.eq [sflag:s15], $0x1  }
0x94: {  	[sflag:s15] =	ssyncset.done $0x0  }
0x95: {  	[sflag:s15] =	ssyncadd.s32 $0xFFFFFFFF  }
0x96: {  	s16 =	sld [smem:$0x11];
	(tm) =	ssettm $0x1  }
0x97: {  	s17 =	sld [smem:$0x3FFB];
	_ =	sdelay $0x3  }
0x98: {  	_ =	strace s17  }
0x99: {  	s3 =	sld [smem:$0x3FFC];
	_ =	sdelay $0x3  }
0x9a: {  	_ =	strace s3  }
0x9b: {  	s3 =	sld [smem:$0x3FFD];
	_ =	sdelay $0x3  }
0x9c: {  	_ =	strace s3  }
0x9d: {  	_ =	strace $0x8FFFFFFF  }
0x9e: {  	s18 =	sld [smem:$0x3FDB];
	_ =	sdelay $0x1  }
0x9f: {  	s19 =	simm.s32 $_scs_section_size  }
0xa0: {  	s5 =	simm.s32 $_size__tile_overlayer_lowered;
	s6 =	simm.s32 $_tile_overlayer_lowered  }
0xa1: {  	s22 =	simm.s32 $0x1BFF;
	s21 =	sshll.u32 s6, $0x1;
	s3 =	sadd.s32 s19, s18  }
0xa2: {  	s7 =	simm.s32 $0x0;
	s20 =	sshll.u32 s5, $0x1;
	s5 =	sadd.s32 s21, s3  }
0xa3: {  	[timem:s7], [sflag:s22] =	dma.local [hbm:s5], s20  }
0xa4: {  	_ =	swait.ge [sflag:s22], s20  }
0xa5: {  	s4 =	ssub.s32 $0x0, s20;
	[sflag:s22] =	ssyncset.done $0x0  }
0xa6: {  	[sflag:s22] =	ssyncadd.s32 s4;
	_ =	sdelay $0x1  }
0xa7: {  	s23 =	simm.s32 $0x1B8B  }
0xa8: {  	_ =	swait.ge [sflag:s23], $0x1  }
0xa9: {  	[sflag:s23] =	ssyncset.done $0x0  }
0xaa: {  	s25 =	simm.s32 $0x1B8E;
	s24 =	sld [smem:$0x3FFE];
	[sflag:s23] =	ssyncadd.s32 $0xFFFFFFFF  }
0xab: {  	s26 =	simm.s32 $execute0_lowered;
	[smem:$0x3FD2] =	sst s25  }
0xac: {  	s5 =	sshll.u32 s26, $0x1;
	_ =	strace $0x80000046;
	[dreg:$0x1] =	wrdreg $0xFFFFFFFF  }
0xad: {  	s28 =	simm.s32 $_size_execute0_lowered;
	s3 =	sadd.s32 s3, s5;
	[dreg:$0x0] =	wrdreg $0x0  }
0xae: {  	s5 =	sshll.u32 s28, $0x1;
	[dreg:$0x2] =	wrdreg s3  }
0xaf: {  	[dreg:$0x3] =	wrdreg s5  }
0xb0: {  	[dreg:$0x4] =	wrdreg $0xC0  }
0xb1: {  	_ =	task [dreg:s7], $0x5FFFF  }
0xb2: {  	[dreg:$0x1] =	wrdreg $0xFFFFFFFF  }
0xb3: {  	[dreg:$0x0] =	wrdreg $0x60  }
0xb4: {  	[dreg:$0x2] =	wrdreg s24  }
0xb5: {  	[dreg:$0x3] =	wrdreg s16  }
0xb6: {  	[dreg:$0x4] =	wrdreg $0x9  }
0xb7: {  	_ =	task.clear_ibuf [dreg:s7], $0x5FFFF;
	_ =	strace $0x90000046  }
0xb8: {  	s29 =	simm.s32 $0x9;
	_ =	strace $0x80000048  }
0xb9: {  	_ =	swait.ge [sflag:s29], $0x1  }
0xba: {  	[sflag:s29] =	ssyncadd.s32 $0xFFFFFFFF  }
0xbb: {  	_ =	strace $0x90000048  }
0xbc: {  	_ =	sfence  }
0xbd: {  	s30 =	sld [smem:$0x0];
	_ =	sdelay $0x2  }
0xbe: {  	s31 =	sshll.u32 s1, $0xD;
	s1 =	sshrl.u32 s1, $0x2  }
0xbf: {  	s3 =	sand.u32 $0x4000, s31;
	s1 =	sadd.s32 s1, s30  }
0xc0: {  	s0 =	sor.u32 s3, s0;
	s1 =	sshll.u32 s1, $0x11  }
0xc1: {  	s0 =	sor.u32 s1, s0  }
0xc2: {  	s0 =	sadd.s32 $0x8F2B, s0  }
0xc3: {  	[sflag:s0] =	ssyncadd.remote.s32 $0x1  }
0xc4: {  	_ =	sfence.sel $0xFFFF  }
0xc5: {  	[dreg:$0x0] =	wrdreg $0xFFFFFFFF;
	(pc) =	sbr.abs _section_cstart, $3  }
0xc6: {  	[dreg:$0x1] =	wrdreg $0xFFFFFFFF  }
0xc7: {  	_ =	task.clear_ibuf [dreg:s7], $0x2FFFF;
	_ =	strace $0x9FFFFFFF  }
0xc8: {  	(tm) =	ssettm $0x7FFFFFFF  }
0xc9: {  	_ =	shalt  }
tec
execute0_lowered:
.L_overlay_start_1:
0x0: {  	(tag) =	ssettag $0x1  }
0x1: {  	s0 =	rddreg [dreg:$0x0];
	s2 =	simm.s32 $0x0  }
0x2: {  	s1 =	srdreg.scid;
	s3 =	stileid.u32;
	s18 =	simm.s32 $0x2  }
0x3: {  	s20 =	simm.s32 $0x50;
	s21 =	simm.s32 $0x1F0;
	s22 =	simm.s32 $0x29F0  }
0x4: {  	s23 =	simm.s32 $0x1;
	s24 =	simm.s32 $0x5BF0;
	s25 =	simm.s32 $0x83F0  }
0x5: {  	s28 =	simm.s32 $0x0;
	[smem:$0x7FF] =	sst s2;
	s4 =	sadd.s32 $0xE000, s0  }
0x6: {  	s5 =	sadd.s32 $0x4200, s0;
	s6 =	sadd.s32 $0x552400, s0;
	s1 =	sand.u32 $0x1, s1  }
0x7: {  	s3 =	sshll.u32 s3, $0x1;
	s7 =	sadd.s32 $0x18000, s0;
	s8 =	sadd.s32 $0x3F200, s0  }
0x8: {  	s9 =	sadd.s32 $0x66400, s0;
	s10 =	sadd.s32 $0x6B400, s0;
	s3 =	sor.u32 s1, s3  }
0x9: {  	s12 =	sadd.s32 $0x4000, s0;
	s13 =	sadd.s32 $0x5A0A00, s0;
	s11 =	smul.u32 $0x13A0, s3  }
0xa: {  	v0 =	vimm.f32 $0.0e+00;
	_ =	strace $0x80000047;
	[dreg:$0x3] =	wrdreg s12;
	s1 =	ssub.s32 $0x2, s1  }
0xb: {  	vm0 =	vcmask $0xB1C;
	vm1 =	vmmov $0x7;
	v1 =	vimm.s32 $0x0;
	s12 =	sadd.s32 $0x70400, s0;
	s31 =	sshrl.u32 s1, $0x1;
	s0 =	sadd.s32 s11, s0  }
0xc: {  	v2 =	vimm.s32 $0x1;
	v3 =	vimm.s32 $0x2;
	v4 =	vlaneseq.u32;
	s29 =	simm.s32 $0x0;
	s1 =	ssub.s32 s1, s31;
	s0 =	sadd.s32 $0x579600, s0  }
0xd: {  	v7 =	vimm.s32 $0x3;
	v5 =	vadd.s32 $0x1, v4;
	v6 =	vadd.s32 $0x3, v4;
	s14 =	smul.u32 $0x2710, s3;
	s16 =	smax.u32 s1, $0x1;
	[dreg:$0x4] =	wrdreg s0  }
.LBB2_1:
0xe: {  	s0 =	rddreg [dreg:$0x3];
	s1 =	simm.s32 $0x125F0  }
0xf: {  	[tilespmem:s1], [sflag:$0x2] =	stream.linear.gather [hbm4b:s0+s2], $0x80, $0x38;
	[tilespmem:$0x12870] =	vst v63  }
0x10: {  	_ =	swait.ge [sflag:s18], $0x80  }
0x11: {  	[sflag:s18] =	ssyncset.done $0x0  }
0x12: {  	[sflag:s18] =	ssyncadd.s32 $0xFFFFFF80  }
0x13: {  	s31 =	simm.s32 $0x12670;
	s30 =	rddreg [dreg:$0x1]  }
0x14: {  	[tilespmem:s31], [sflag:$0x2] =	stream.linear.gather [hbm4b:s30+s2], $0x200, $0x38;
	[tilespmem:$0x12870] =	vst v63  }
0x15: {  	_ =	swait.ge [sflag:s18], $0x200  }
0x16: {  	[sflag:s18] =	ssyncset.done $0x0  }
0x17: {  	s0 =	simm.s32 $0x40;
	s1 =	simm.s32 $0x0;
	[sflag:s18] =	ssyncadd.s32 $0xFFFFFE00  }
.LBB2_2:
0x18: {  	p0 =	sne.s32 s0, $0x273C0;
	[tilespmem:s1+$0x88F0] =	vst v0;
	s1 =	smov.u32 s0;
	s0 =	sadd.s32 $0x40, s0  }
.Ltmp0:
0x19: {  	(pc) =	sbr.rel @p0 .LBB2_2-.Ltmp0, $2  }
0x1a: {  	_ =	sdelay $0x2  }
0x1b: {  	s1 =	sshra.s32 s1, $0x2  }
0x1c: {  	[tilespmem:s1+$0x88F0] =	vst v0;
	s30 =	simm.s32 $0x0  }
.LBB2_4:
0x1d: {  	s0 =	smul.u32 $0x50, s30;
	_ =	sdelay $0x1  }
0x1e: {  	s31 =	sadd.s32 s14, s0  }
0x1f: {  	s0 =	sshrl.u32 s31, $0x3  }
0x20: {  	s1 =	sadd.s32 s4, s0  }
0x21: {  	[tilespmem:s29], [sflag:$0x2] =	stream.linear.gather [hbm4b:s1+s29], $0x50, $0x38;
	[tilespmem:$0x12870] =	vst v63  }
0x22: {  	_ =	swait.ge [sflag:s18], $0x50  }
0x23: {  	[sflag:s18] =	ssyncset.done $0x0  }
0x24: {  	s0 =	sadd.s32 s5, s0;
	[sflag:s18] =	ssyncadd.s32 $0xFFFFFFB0  }
0x25: {  	[tilespmem:s20], [sflag:$0x2] =	stream.linear.gather [hbm4b:s0+s29], $0x50, $0x38;
	[tilespmem:$0x12870] =	vst v63  }
0x26: {  	_ =	swait.ge [sflag:s18], $0x50  }
0x27: {  	s19 =	sshrl.u32 s31, $0x1;
	[sflag:s18] =	ssyncset.done $0x0  }
0x28: {  	s26 =	sadd.s32 s6, s19;
	s0 =	simm.s32 $0xA0;
	[sflag:s18] =	ssyncadd.s32 $0xFFFFFFB0  }
0x29: {  	[tilespmem:s0], [sflag:$0x2] =	stream.linear.gather [hbm4b:s26+s29], $0x140, $0x38;
	[tilespmem:$0x12870] =	vst v63  }
0x2a: {  	_ =	swait.ge [sflag:s18], $0x140  }
0x2b: {  	[sflag:s18] =	ssyncset.done $0x0  }
0x2c: {  	[sflag:s18] =	ssyncadd.s32 $0xFFFFFEC0  }
0x2d: {  	[tilespmem:s21], [sflag:$0x1] =	stream.indirect.gather [hbm4b:s7+s20], $0x80, s29, s20, $0xb8;
	[tilespmem:$0x12870] =	vst v63  }
0x2e: {  	_ = 	snop  }
0x2f: {  	[tilespmem:s22], [sflag:$0x1] =	stream.indirect.gather [hbm4b:s8+s20], $0x80, s20, s20, $0xb8;
	[tilespmem:$0x12870] =	vst v63  }
0x30: {  	s3 =	simm.s32 $0x51F0  }
0x31: {  	[tilespmem:s3], [sflag:$0x1] =	stream.indirect.gather [hbm4b:s9+s20], $0x10, s29, s20, $0xb8;
	[tilespmem:$0x12870] =	vst v63  }
0x32: {  	s1 =	simm.s32 $0x56F0  }
0x33: {  	[tilespmem:s1], [sflag:$0x1] =	stream.indirect.gather [hbm4b:s10+s20], $0x10, s20, s20, $0xb8;
	[tilespmem:$0x12870] =	vst v63  }
0x34: {  	_ =	swait.ge [sflag:s23], $0x2800  }
0x35: {  	[sflag:s23] =	ssyncset.done $0x0  }
0x36: {  	[sflag:s23] =	ssyncadd.s32 $0xFFFFD800  }
0x37: {  	_ =	swait.ge [sflag:s23], $0x2800  }
0x38: {  	[sflag:s23] =	ssyncset.done $0x0  }
0x39: {  	[sflag:s23] =	ssyncadd.s32 $0xFFFFD800  }
0x3a: {  	_ =	swait.ge [sflag:s23], $0x500  }
0x3b: {  	[sflag:s23] =	ssyncset.done $0x0  }
0x3c: {  	[sflag:s23] =	ssyncadd.s32 $0xFFFFFB00  }
0x3d: {  	_ =	swait.ge [sflag:s23], $0x500  }
0x3e: {  	s17 =	simm.s32 $0x83F0;
	[sflag:s23] =	ssyncset.done $0x0  }
0x3f: {  	s19 =	simm.s32 $0x0;
	s26 =	simm.s32 $0x0;
	[sflag:s23] =	ssyncadd.s32 $0xFFFFFB00  }
.LBB2_5:
0x40: {  	v8 =	vld [tilespmem:s3+$0x0]  }
0x41: {  	v9 =	vld [tilespmem:s1+$0x0];
	_ =	sdelay $0x4  }
0x42: {  	v10 =	vadd.f32 v9, v8;
	_ =	sdelay $0x1  }
0x43: {  	v11 =	vmul.f32 $2.000000030e-01, v10  }
0x44: {  	vm2 =	vge.f32 v10, $0.0e+00  }
0x45: {  	v10 =	vsel vm2, v10, v11  }
0x46: {  	v10 =	vmul.f32 $1.442695020e+00, v10;
	_ =	sdelay $0x1  }
0x47: {  	(erf) = vpow2.f32 v10;
	_ =	sdelay $0x8  }
0x48: {  	v8 =	vsub.f32 v8, v9;
	v58 =	vpop (erf)  }
0x49: {  	v9 =	vsel vm0, $0x0, v58  }
0x4a: {  	v59 =	vsel vm1, v8, v9  }
0x4b: {  	[tilespmem:s17+$0x0] =	vst v59  }
0x4c: {  	v10 =	vld [tilespmem:s19+$0x0];
	_ =	sdelay $0x4  }
0x4d: {  	(v2sf) =	vpush v10, $0x0;
	_ =	sdelay $0xe  }
0x4e: {  	s11 =	spop (v2sf)  }
0x4f: {  	s11 =	sshll.u32 s11, $0x2  }
0x50: {  	s15 =	sand.u32 $0xC, s11  }
0x51: {  	v60 =	vmov s15  }
0x52: {  	v61 =	vsub.s32 v6, v60  }
0x53: {  	s11 =	sand.u32 $0xFFFFFFF0, s11;
	vm2 =	vgt.s32 v61, $0x0  }
0x54: {  	s15 =	sadd.s32 $0x4, s15;
	v12 =	vld [tilespmem:s11+$0x88F0];
	v11 =	vnsel vm2, $0x0, v61  }
0x55: {  	v13 =	vmov s15;
	v11 =	vmin.u32 v11, $0xF  }
0x56: {  	vm3 =	vgt.u32 v13, v4;
	vm2 =	vlt.u32 v60, v5;
	v9 =	vperm.xlane v9, v11  }
0x57: {  	vm2 =	vmand vm2, vm3  }
0x58: {  	v9 =	vnsel vm2, $0x0, v9  }
0x59: {  	v9 =	vadd.f32 v9, v12;
	_ =	sdelay $0x1  }
0x5a: {  	v8 =	vmul.f32 v8, v8;
	[tilespmem:s11+$0x88F0] =	vst v9  }
0x5b: {  	s15 =	sshra.s32 s26, $0x2;
	v62 =	vld [tilespmem:s0+$0x0]  }
0x5c: {  	v8 =	vnsel vm1, $0x0, v8;
	v63 =	vld [tilespmem:s15+$0x1F0]  }
0x5d: {  	v18 =	vperm.xlane v8, v1;
	v19 =	vperm.xlane v8, v2;
	v20 =	vld [tilespmem:s15+$0x29F0]  }
0x5e: {  	v14 =	vld [tilespmem:$0x125F0]  }
0x5f: {  	v8 =	vperm.xlane v8, v3;
	v9 =	vadd.f32 v19, v18  }
0x60: {  	v21 =	vld [tilespmem:$0x12670]  }
0x61: {  	v9 =	vadd.f32 v8, v9  }
0x62: {  	v15 =	vld [tilespmem:$0x126F0]  }
0x63: {  	v8 =	vperm.xlane v62, v1;
	v13 =	vadd.f32 v20, v63;
	v14 =	vmul.f32 v14, v9  }
0x64: {  	v16 =	vld [tilespmem:$0x12770]  }
0x65: {  	v10 =	vperm.xlane v62, v2;
	v13 =	vadd.f32 v14, v13;
	v22 =	vmul.f32 v21, v8  }
0x66: {  	v17 =	vld [tilespmem:$0x127F0]  }
0x67: {  	v11 =	vperm.xlane v62, v3;
	v23 =	vmul.f32 v15, v10;
	v13 =	vadd.f32 v22, v13;
	_ =	sdelay $0x1  }
0x68: {  	v12 =	vperm.xlane v62, v7;
	v24 =	vmul.f32 v16, v11;
	v13 =	vadd.f32 v23, v13;
	_ =	sdelay $0x1  }
0x69: {  	v25 =	vmul.f32 v17, v12;
	v13 =	vadd.f32 v24, v13;
	_ =	sdelay $0x1  }
0x6a: {  	v13 =	vadd.f32 v25, v13;
	_ =	sdelay $0x1  }
0x6b: {  	v14 =	vsub.f32 $0.0e+00, v13;
	_ =	sdelay $0x1  }
0x6c: {  	v14 =	vmul.f32 $1.442695020e+00, v14;
	_ =	sdelay $0x1  }
0x6d: {  	(erf) = vpow2.f32 v14;
	_ =	sdelay $0x8  }
0x6e: {  	v14 =	vpop (erf)  }
0x6f: {  	v14 =	vadd.f32 $1.000000000e+00, v14;
	_ =	sdelay $0x1  }
0x70: {  	(erf) = vrcp.f32 v14;
	_ =	sdelay $0x8  }
0x71: {  	v14 =	vpop (erf)  }
0x72: {  	v13 =	vmul.f32 v14, v13  }
0x73: {  	v26 =	vld [tilespmem:s15+$0x200]  }
0x74: {  	v27 =	vld [tilespmem:s15+$0x2A00];
	[tilespmem:s15+$0x5BF0] =	vst v13  }
0x75: {  	v28 =	vld [tilespmem:$0x12600];
	_ =	sdelay $0x1  }
0x76: {  	v29 =	vld [tilespmem:$0x12680];
	_ =	sdelay $0x1  }
0x77: {  	v30 =	vld [tilespmem:$0x12700]  }
0x78: {  	v13 =	vadd.f32 v27, v26;
	v31 =	vmul.f32 v28, v9  }
0x79: {  	v32 =	vld [tilespmem:$0x12780]  }
0x7a: {  	v33 =	vmul.f32 v29, v8;
	v13 =	vadd.f32 v31, v13  }
0x7b: {  	v34 =	vld [tilespmem:$0x12800]  }
0x7c: {  	v35 =	vmul.f32 v30, v10;
	v13 =	vadd.f32 v33, v13;
	_ =	sdelay $0x1  }
0x7d: {  	v36 =	vmul.f32 v32, v11;
	v13 =	vadd.f32 v35, v13;
	_ =	sdelay $0x1  }
0x7e: {  	v37 =	vmul.f32 v34, v12;
	v13 =	vadd.f32 v36, v13;
	_ =	sdelay $0x1  }
0x7f: {  	v13 =	vadd.f32 v37, v13;
	_ =	sdelay $0x1  }
0x80: {  	v14 =	vsub.f32 $0.0e+00, v13;
	_ =	sdelay $0x1  }
0x81: {  	v14 =	vmul.f32 $1.442695020e+00, v14;
	_ =	sdelay $0x1  }
0x82: {  	(erf) = vpow2.f32 v14;
	_ =	sdelay $0x8  }
0x83: {  	v14 =	vpop (erf)  }
0x84: {  	v14 =	vadd.f32 $1.000000000e+00, v14;
	_ =	sdelay $0x1  }
0x85: {  	(erf) = vrcp.f32 v14;
	_ =	sdelay $0x8  }
0x86: {  	v14 =	vpop (erf)  }
0x87: {  	v13 =	vmul.f32 v14, v13  }
0x88: {  	v38 =	vld [tilespmem:s15+$0x210]  }
0x89: {  	v39 =	vld [tilespmem:s15+$0x2A10];
	[tilespmem:s15+$0x5C00] =	vst v13  }
0x8a: {  	v40 =	vld [tilespmem:$0x12610];
	_ =	sdelay $0x1  }
0x8b: {  	v41 =	vld [tilespmem:$0x12690];
	_ =	sdelay $0x1  }
0x8c: {  	v42 =	vld [tilespmem:$0x12710]  }
0x8d: {  	v13 =	vadd.f32 v39, v38;
	v43 =	vmul.f32 v40, v9  }
0x8e: {  	v44 =	vld [tilespmem:$0x12790]  }
0x8f: {  	v45 =	vmul.f32 v41, v8;
	v13 =	vadd.f32 v43, v13  }
0x90: {  	v46 =	vld [tilespmem:$0x12810]  }
0x91: {  	v47 =	vmul.f32 v42, v10;
	v13 =	vadd.f32 v45, v13;
	_ =	sdelay $0x1  }
0x92: {  	v48 =	vmul.f32 v44, v11;
	v13 =	vadd.f32 v47, v13;
	_ =	sdelay $0x1  }
0x93: {  	v49 =	vmul.f32 v46, v12;
	v13 =	vadd.f32 v48, v13;
	_ =	sdelay $0x1  }
0x94: {  	v13 =	vadd.f32 v49, v13;
	_ =	sdelay $0x1  }
0x95: {  	v14 =	vsub.f32 $0.0e+00, v13;
	_ =	sdelay $0x1  }
0x96: {  	v14 =	vmul.f32 $1.442695020e+00, v14;
	_ =	sdelay $0x1  }
0x97: {  	(erf) = vpow2.f32 v14;
	_ =	sdelay $0x8  }
0x98: {  	v14 =	vpop (erf)  }
0x99: {  	v14 =	vadd.f32 $1.000000000e+00, v14;
	_ =	sdelay $0x1  }
0x9a: {  	(erf) = vrcp.f32 v14;
	_ =	sdelay $0x8  }
0x9b: {  	v14 =	vpop (erf)  }
0x9c: {  	v13 =	vmul.f32 v14, v13  }
0x9d: {  	v50 =	vld [tilespmem:s15+$0x220]  }
0x9e: {  	v51 =	vld [tilespmem:s15+$0x2A20];
	[tilespmem:s15+$0x5C10] =	vst v13  }
0x9f: {  	v52 =	vld [tilespmem:$0x12620];
	_ =	sdelay $0x1  }
0xa0: {  	v53 =	vld [tilespmem:$0x126A0];
	_ =	sdelay $0x1  }
0xa1: {  	v54 =	vld [tilespmem:$0x12720]  }
0xa2: {  	v13 =	vadd.f32 v51, v50;
	v55 =	vmul.f32 v52, v9  }
0xa3: {  	v56 =	vld [tilespmem:$0x127A0]  }
0xa4: {  	v57 =	vmul.f32 v53, v8;
	v13 =	vadd.f32 v55, v13  }
0xa5: {  	v58 =	vld [tilespmem:$0x12820]  }
0xa6: {  	v59 =	vmul.f32 v54, v10;
	v13 =	vadd.f32 v57, v13;
	_ =	sdelay $0x1  }
0xa7: {  	v60 =	vmul.f32 v56, v11;
	v13 =	vadd.f32 v59, v13;
	_ =	sdelay $0x1  }
0xa8: {  	v61 =	vmul.f32 v58, v12;
	v13 =	vadd.f32 v60, v13;
	_ =	sdelay $0x1  }
0xa9: {  	v13 =	vadd.f32 v61, v13;
	_ =	sdelay $0x1  }
0xaa: {  	v14 =	vsub.f32 $0.0e+00, v13;
	_ =	sdelay $0x1  }
0xab: {  	v14 =	vmul.f32 $1.442695020e+00, v14;
	_ =	sdelay $0x1  }
0xac: {  	(erf) = vpow2.f32 v14;
	_ =	sdelay $0x8  }
0xad: {  	v14 =	vpop (erf)  }
0xae: {  	v14 =	vadd.f32 $1.000000000e+00, v14;
	_ =	sdelay $0x1  }
0xaf: {  	(erf) = vrcp.f32 v14;
	_ =	sdelay $0x8  }
0xb0: {  	v14 =	vpop (erf)  }
0xb1: {  	v13 =	vmul.f32 v14, v13  }
0xb2: {  	v62 =	vld [tilespmem:s15+$0x230]  }
0xb3: {  	v63 =	vld [tilespmem:s15+$0x2A30];
	[tilespmem:s15+$0x5C20] =	vst v13  }
0xb4: {  	v20 =	vld [tilespmem:$0x12630];
	_ =	sdelay $0x1  }
0xb5: {  	v21 =	vld [tilespmem:$0x126B0];
	_ =	sdelay $0x1  }
0xb6: {  	v22 =	vld [tilespmem:$0x12730]  }
0xb7: {  	v13 =	vadd.f32 v63, v62;
	v23 =	vmul.f32 v20, v9  }
0xb8: {  	v24 =	vld [tilespmem:$0x127B0]  }
0xb9: {  	v25 =	vmul.f32 v21, v8;
	v13 =	vadd.f32 v23, v13  }
0xba: {  	v26 =	vld [tilespmem:$0x12830]  }
0xbb: {  	v27 =	vmul.f32 v22, v10;
	v13 =	vadd.f32 v25, v13;
	_ =	sdelay $0x1  }
0xbc: {  	v28 =	vmul.f32 v24, v11;
	v13 =	vadd.f32 v27, v13;
	_ =	sdelay $0x1  }
0xbd: {  	v29 =	vmul.f32 v26, v12;
	v13 =	vadd.f32 v28, v13;
	_ =	sdelay $0x1  }
0xbe: {  	v13 =	vadd.f32 v29, v13;
	_ =	sdelay $0x1  }
0xbf: {  	v14 =	vsub.f32 $0.0e+00, v13;
	_ =	sdelay $0x1  }
0xc0: {  	v14 =	vmul.f32 $1.442695020e+00, v14;
	_ =	sdelay $0x1  }
0xc1: {  	(erf) = vpow2.f32 v14;
	_ =	sdelay $0x8  }
0xc2: {  	v14 =	vpop (erf)  }
0xc3: {  	v14 =	vadd.f32 $1.000000000e+00, v14;
	_ =	sdelay $0x1  }
0xc4: {  	(erf) = vrcp.f32 v14;
	_ =	sdelay $0x8  }
0xc5: {  	v14 =	vpop (erf)  }
0xc6: {  	v13 =	vmul.f32 v14, v13  }
0xc7: {  	v30 =	vld [tilespmem:s15+$0x240]  }
0xc8: {  	v31 =	vld [tilespmem:s15+$0x2A40];
	[tilespmem:s15+$0x5C30] =	vst v13  }
0xc9: {  	v32 =	vld [tilespmem:$0x12640];
	_ =	sdelay $0x1  }
0xca: {  	v33 =	vld [tilespmem:$0x126C0];
	_ =	sdelay $0x1  }
0xcb: {  	v34 =	vld [tilespmem:$0x12740]  }
0xcc: {  	v13 =	vadd.f32 v31, v30;
	v35 =	vmul.f32 v32, v9  }
0xcd: {  	v36 =	vld [tilespmem:$0x127C0]  }
0xce: {  	v37 =	vmul.f32 v33, v8;
	v13 =	vadd.f32 v35, v13  }
0xcf: {  	v38 =	vld [tilespmem:$0x12840]  }
0xd0: {  	v39 =	vmul.f32 v34, v10;
	v13 =	vadd.f32 v37, v13;
	_ =	sdelay $0x1  }
0xd1: {  	v40 =	vmul.f32 v36, v11;
	v13 =	vadd.f32 v39, v13;
	_ =	sdelay $0x1  }
0xd2: {  	v41 =	vmul.f32 v38, v12;
	v13 =	vadd.f32 v40, v13;
	_ =	sdelay $0x1  }
0xd3: {  	v13 =	vadd.f32 v41, v13;
	_ =	sdelay $0x1  }
0xd4: {  	v14 =	vsub.f32 $0.0e+00, v13;
	_ =	sdelay $0x1  }
0xd5: {  	v14 =	vmul.f32 $1.442695020e+00, v14;
	_ =	sdelay $0x1  }
0xd6: {  	(erf) = vpow2.f32 v14;
	_ =	sdelay $0x8  }
0xd7: {  	v14 =	vpop (erf)  }
0xd8: {  	v14 =	vadd.f32 $1.000000000e+00, v14;
	_ =	sdelay $0x1  }
0xd9: {  	(erf) = vrcp.f32 v14;
	_ =	sdelay $0x8  }
0xda: {  	v14 =	vpop (erf)  }
0xdb: {  	v13 =	vmul.f32 v14, v13  }
0xdc: {  	v42 =	vld [tilespmem:s15+$0x250]  }
0xdd: {  	v43 =	vld [tilespmem:s15+$0x2A50];
	[tilespmem:s15+$0x5C40] =	vst v13  }
0xde: {  	v44 =	vld [tilespmem:$0x12650];
	_ =	sdelay $0x1  }
0xdf: {  	v45 =	vld [tilespmem:$0x126D0];
	_ =	sdelay $0x1  }
0xe0: {  	v46 =	vld [tilespmem:$0x12750]  }
0xe1: {  	v13 =	vadd.f32 v43, v42;
	v47 =	vmul.f32 v44, v9  }
0xe2: {  	v48 =	vld [tilespmem:$0x127D0]  }
0xe3: {  	v49 =	vmul.f32 v45, v8;
	v13 =	vadd.f32 v47, v13  }
0xe4: {  	v50 =	vld [tilespmem:$0x12850]  }
0xe5: {  	v51 =	vmul.f32 v46, v10;
	v13 =	vadd.f32 v49, v13;
	_ =	sdelay $0x1  }
0xe6: {  	v52 =	vmul.f32 v48, v11;
	v13 =	vadd.f32 v51, v13;
	_ =	sdelay $0x1  }
0xe7: {  	v53 =	vmul.f32 v50, v12;
	v13 =	vadd.f32 v52, v13;
	_ =	sdelay $0x1  }
0xe8: {  	v13 =	vadd.f32 v53, v13;
	_ =	sdelay $0x1  }
0xe9: {  	v14 =	vsub.f32 $0.0e+00, v13;
	_ =	sdelay $0x1  }
0xea: {  	v14 =	vmul.f32 $1.442695020e+00, v14;
	_ =	sdelay $0x1  }
0xeb: {  	(erf) = vpow2.f32 v14;
	_ =	sdelay $0x8  }
0xec: {  	v14 =	vpop (erf)  }
0xed: {  	v14 =	vadd.f32 $1.000000000e+00, v14;
	_ =	sdelay $0x1  }
0xee: {  	(erf) = vrcp.f32 v14;
	_ =	sdelay $0x8  }
0xef: {  	v14 =	vpop (erf)  }
0xf0: {  	v13 =	vmul.f32 v14, v13  }
0xf1: {  	v54 =	vld [tilespmem:s15+$0x260]  }
0xf2: {  	v55 =	vld [tilespmem:s15+$0x2A60];
	[tilespmem:s15+$0x5C50] =	vst v13  }
0xf3: {  	v56 =	vld [tilespmem:$0x12660];
	_ =	sdelay $0x1  }
0xf4: {  	v57 =	vld [tilespmem:$0x126E0];
	_ =	sdelay $0x1  }
0xf5: {  	v58 =	vld [tilespmem:$0x12760]  }
0xf6: {  	v13 =	vadd.f32 v55, v54;
	v9 =	vmul.f32 v56, v9  }
0xf7: {  	v59 =	vld [tilespmem:$0x127E0]  }
0xf8: {  	v8 =	vmul.f32 v57, v8;
	v9 =	vadd.f32 v9, v13  }
0xf9: {  	v60 =	vld [tilespmem:$0x12860]  }
0xfa: {  	v61 =	vmul.f32 v58, v10;
	v8 =	vadd.f32 v8, v9;
	_ =	sdelay $0x1  }
0xfb: {  	v62 =	vmul.f32 v59, v11;
	v8 =	vadd.f32 v61, v8;
	_ =	sdelay $0x1  }
0xfc: {  	v63 =	vmul.f32 v60, v12;
	v8 =	vadd.f32 v62, v8;
	_ =	sdelay $0x1  }
0xfd: {  	v8 =	vadd.f32 v63, v8;
	_ =	sdelay $0x1  }
0xfe: {  	v9 =	vsub.f32 $0.0e+00, v8;
	_ =	sdelay $0x1  }
0xff: {  	v9 =	vmul.f32 $1.442695020e+00, v9;
	_ =	sdelay $0x1  }
0x100: {  	(erf) = vpow2.f32 v9;
	_ =	sdelay $0x8  }
0x101: {  	v9 =	vpop (erf)  }
0x102: {  	v9 =	vadd.f32 $1.000000000e+00, v9;
	_ =	sdelay $0x1  }
0x103: {  	(erf) = vrcp.f32 v9;
	_ =	sdelay $0x6  }
0x104: {  	p0 =	sne.s32 s26, $0x9E00  }
.Ltmp1:
0x105: {  	_ = 	snop;
	(pc) =	sbr.rel @p0 .LBB2_5-.Ltmp1, $4  }
0x106: {  	v9 =	vpop (erf)  }
0x107: {  	v8 =	vmul.f32 v9, v8  }
0x108: {  	s1 =	sadd.s32 $0x10, s1;
	s3 =	sadd.s32 $0x10, s3;
	s17 =	sadd.s32 $0x10, s17  }
0x109: {  	s19 =	sadd.s32 $0x1, s19;
	s26 =	sadd.s32 $0x200, s26;
	s0 =	sadd.s32 $0x4, s0;
	[tilespmem:s15+$0x5C60] =	vst v8  }
0x10a: {  	s0 =	sshll.u32 s31, $0x4  }
0x10b: {  	s0 =	sadd.s32 s12, s0  }
0x10c: {  	[hbm4b:s0+s2] =	stream.linear.scatter [tilespmem:s24], [sflag:$0x2], $0x2800, $0x38;
	[tilespmem:$0x12870] =	vst v63  }
0x10d: {  	s30 =	sadd.s32 $0x1, s30;
	_ =	swait.ge [sflag:s18], $0x2800  }
0x10e: {  	s31 =	sshll.u32 s31, $0x1;
	p0 =	sne.s32 s30, $0x7D;
	[sflag:s18] =	ssyncset.done $0x0  }
.Ltmp2:
0x10f: {  	s0 =	sadd.s32 s13, s31;
	[sflag:s18] =	ssyncadd.s32 $0xFFFFD800;
	(pc) =	sbr.rel @p0 .LBB2_4-.Ltmp2, $4  }
0x110: {  	[hbm4b:s0+s2] =	stream.linear.scatter [tilespmem:s25], [sflag:$0x2], $0x500, $0x38;
	[tilespmem:$0x12870] =	vst v63  }
0x111: {  	_ =	swait.ge [sflag:s18], $0x500  }
0x112: {  	[sflag:s18] =	ssyncset.done $0x0  }
0x113: {  	[sflag:s18] =	ssyncadd.s32 $0xFFFFFB00  }
0x114: {  	s28 =	sadd.s32 $0x1, s28  }
0x115: {  	p0 =	sne.s32 s28, s16  }
.Ltmp3:
0x116: {  	s0 =	rddreg [dreg:$0x4];
	s1 =	simm.s32 $0x88F0;
	(pc) =	sbr.rel @p0 .LBB2_1-.Ltmp3, $4  }
0x117: {  	[hbm4b:s0+s2] =	stream.linear.scatter [tilespmem:s1], [sflag:$0x2], $0x9D00, $0x38;
	[tilespmem:$0x12870] =	vst v63  }
0x118: {  	_ =	swait.ge [sflag:s18], $0x9D00  }
0x119: {  	[sflag:s18] =	ssyncset.done $0x0  }
0x11a: {  	[sflag:s18] =	ssyncadd.s32 $0xFFFF6300  }
0x11b: {  	_ =	sfence.sel $0x180000  }
0x11c: {  	[bflag:$0x0] =	sbarrier.arrive $0xFFFF  }
0x11d: {  	_ =	strace $0x90000047  }
0x11e: {  	s0 =	stileid.u32;
	[bflag:$0x2] =	sbarrier.arrive $0xFFFF  }
0x11f: {  	p0 =	sne.s32 s0, $0x0;
	s0 =	rddreg [dreg:$0x2]  }
0x120: {  	s0 =	sadd.s32 @!p0 $0x100000, s0  }
0x121: {  	[sflag:s0] =	ssyncadd.tile.s32 @!p0 $0x1;
	_ =	shalt  }
.Lfunc_end2:
_tile_overlayer_lowered:
.L_overlay_start_2:
0x122: {  	(tag) =	ssettag $0x2  }
0x123: {  	s0 =	rddreg [dreg:$0x0];
	s2 =	stileid.u32  }
0x124: {  	s1 =	rddreg [dreg:$0x1];
	p0 =	sne.s32 s2, $0x0  }
0x125: {  	s3 =	rddreg [dreg:$0x2];
	[bflag:$0x3] =	sbarrier.arrive $0xFFFF;
	s2 =	simm.s32 @!p0 $0x1C02  }
0x126: {  	[timem:s3], [sflag:s2] =	dma.local @!p0 [hbm:s0], s1  }
0x127: {  	s0 =	simm.s32 @!p0 $0x2  }
0x128: {  	_ =	swait.ge @!p0 [sflag:s0], s1  }
0x129: {  	s1 =	ssub.s32 @!p0 $0x0, s1;
	[sflag:s0] =	ssyncset.done @!p0 $0x0  }
0x12a: {  	[sflag:s0] =	ssyncadd.s32 @!p0 s1  }
0x12b: {  	[bflag:$0x3] =	sbarrier.arrive $0xFFFF  }
0x12c: {  	_ =	shalt  }

// kernel: kernel.14.cloned.1.call-start
scs
__scs_entry_jumppad:
0x0: {  	(pc) =	sbr.rel $0x88, $3  }
0x1: {  	(tag) =	ssettag $0x0;
	lr =	simm.s32 $0x1  }
0x2: {  	[smem:$0x3F91] =	sst lr;
	_ =	strace $0xD0000000  }
0x3: {  	_ = 	snop  }
0x4: {  	_ = 	snop  }
0x5: {  	_ = 	snop  }
0x6: {  	_ = 	snop  }
0x7: {  	_ = 	snop  }
__scs_overlays_trampoline_lowered:
0x8: {  	[smem:$0x3FA0] =	sst s0  }
0x9: {  	[smem:$0x3FA1] =	sst s1  }
0xa: {  	[smem:$0x3FA2] =	sst s2  }
0xb: {  	[smem:$0x3FA3] =	sst s3  }
0xc: {  	[smem:$0x3FA4] =	sst s4  }
0xd: {  	[smem:$0x3FA5] =	sst s5  }
0xe: {  	[smem:$0x3FA6] =	sst s6  }
0xf: {  	[smem:$0x3FA7] =	sst s7  }
0x10: {  	[smem:$0x3FA8] =	sst s8  }
0x11: {  	[smem:$0x3FA9] =	sst s9;
	s0 =	simm.s32 @!p0 $0x0  }
0x12: {  	s1 =	sld [smem:$0x3F8F];
	s0 =	simm.s32 @p0 $0x1  }
0x13: {  	[smem:$0x3FAA] =	sst s0;
	s0 =	simm.s32 @!p1 $0x0  }
0x14: {  	s2 =	sld [smem:$0x3F8E];
	s0 =	simm.s32 @p1 $0x1  }
0x15: {  	[smem:$0x3FAB] =	sst s0;
	s0 =	simm.s32 @!p2 $0x0  }
0x16: {  	s3 =	sld [smem:$0x3FDB];
	s0 =	simm.s32 @p2 $0x1  }
0x17: {  	s4 =	simm.s32 $0x1BF5;
	[smem:$0x3FAD] =	sst s0  }
0x18: {  	s0 =	sld [smem:$0x3F90];
	_ =	swait.ge [sflag:s4], $0x0  }
0x19: {  	s7 =	sld [smem:$0x3F91]  }
0x1a: {  	s8 =	sadd.s32 $0xFFFFE003, lr  }
0x1b: {  	s9 =	sadd.s32 $0xFFFFFEF7, lr;
	s5 =	simm.s32 $0xFFFFFFFF;
	p2 =	slt.u32 s8, $0xFFFFF086  }
0x1c: {  	p1 =	slt.u32 s9, $0xF7A;
	s5 =	simm.s32 @!p2 $0x0  }
0x1d: {  	s5 =	simm.s32 @p1 $0x1;
	p0 =	seq.s32 s7, s2  }
0x1e: {  	s7 =	smul.u32 @!p0 $0xF7A, s2;
	p2 =	seq.s32 @!p0 s5, $0x0  }
0x1f: {  	s9 =	smul.u32 $0xF7A, s1;
	s8 =	simm.s32 @!p0 $0x1BF5;
	p2 =	por !p2, p0  }
0x20: {  	[sflag:s8] =	ssyncset.s32 @!p0 $0xFFFFF086;
	s6 =	sadd.s32 @!p0 s3, s7;
	s7 =	simm.s32 @!p0 $0x108  }
0x21: {  	s3 =	sadd.s32 s3, s9;
	s6 =	sadd.s32 @!p0 $0x88, s6;
	s7 =	simm.s32 @p2 $0x1082  }
0x22: {  	[simem:s7], [sflag:s8] =	dma.local @!p0 [hbm:s6], $0xF7A  }
0x23: {  	s9 =	sor.u32 $0xD0000000, s2;
	s6 =	simm.s32 $0x108;
	_ =	swait.ge @!p0 [sflag:s8], $0x0  }
0x24: {  	s3 =	sadd.s32 $0x88, s3;
	s6 =	simm.s32 @!p1 $0x1082;
	[sflag:s4] =	ssyncset.s32 $0xFFFFF086  }
0x25: {  	[simem:s6], [sflag:s4] =	dma.local [hbm:s3], $0xF7A  }
0x26: {  	[smem:$0x3F91] =	sst s1;
	(tag) =	ssettag s2;
	_ =	strace s9  }
0x27: {  	s1 =	sld [smem:$0x3FA1]  }
0x28: {  	s2 =	sld [smem:$0x3FA2]  }
0x29: {  	s4 =	sld [smem:$0x3FA4]  }
0x2a: {  	p0 =	seq.s32 s5, $0x0;
	s5 =	sld [smem:$0x3FA5]  }
0x2b: {  	s6 =	sld [smem:$0x3FA6]  }
0x2c: {  	s7 =	sld [smem:$0x3FA7]  }
0x2d: {  	s3 =	simm.s32 $0x108;
	s8 =	sld [smem:$0x3FA8]  }
0x2e: {  	s3 =	simm.s32 @!p0 $0x1082;
	s9 =	sld [smem:$0x3FA9]  }
0x2f: {  	lr =	sadd.s32 s0, s3;
	s0 =	sld [smem:$0x3FA0]  }
0x30: {  	s3 =	sld [smem:$0x3FA3]  }
0x31: {  	[smem:$0x3FAC] =	sst s10  }
0x32: {  	s10 =	sld [smem:$0x3FAA];
	_ =	sdelay $0x3  }
0x33: {  	p0 =	seq.s32 s10, $0x1;
	s10 =	sld [smem:$0x3FAC];
	_ =	sdelay $0x3  }
0x34: {  	[smem:$0x3FAC] =	sst s10  }
0x35: {  	s10 =	sld [smem:$0x3FAB];
	_ =	sdelay $0x3  }
0x36: {  	p1 =	seq.s32 s10, $0x1;
	s10 =	sld [smem:$0x3FAC];
	_ =	sdelay $0x3  }
0x37: {  	[smem:$0x3FAC] =	sst s10  }
0x38: {  	s10 =	sld [smem:$0x3FAD]  }
0x39: {  	_ = 	snop;
	(pc) =	sbr.ind lr, $3  }
0x3a: {  	_ = 	snop  }
0x3b: {  	_ = 	snop  }
0x3c: {  	p2 =	seq.s32 s10, $0x1;
	s10 =	sld [smem:$0x3FAC]  }
0x3d: {  	_ =	shalt  }
0x3e: {  	_ =	shalt  }
0x3f: {  	_ =	shalt  }
0x40: {  	_ =	shalt  }
0x41: {  	_ =	shalt  }
0x42: {  	_ =	shalt  }
0x43: {  	_ =	shalt  }
0x44: {  	_ =	shalt  }
0x45: {  	_ =	shalt  }
0x46: {  	_ =	shalt  }
0x47: {  	_ =	shalt  }
0x48: {  	_ =	shalt  }
0x49: {  	_ =	shalt  }
0x4a: {  	_ =	shalt  }
0x4b: {  	_ =	shalt  }
0x4c: {  	_ =	shalt  }
0x4d: {  	_ =	shalt  }
0x4e: {  	_ =	shalt  }
0x4f: {  	_ =	shalt  }
0x50: {  	_ =	shalt  }
0x51: {  	_ =	shalt  }
0x52: {  	_ =	shalt  }
0x53: {  	_ =	shalt  }
0x54: {  	_ =	shalt  }
0x55: {  	_ =	shalt  }
0x56: {  	_ =	shalt  }
0x57: {  	_ =	shalt  }
0x58: {  	_ =	shalt  }
0x59: {  	_ =	shalt  }
0x5a: {  	_ =	shalt  }
0x5b: {  	_ =	shalt  }
0x5c: {  	_ =	shalt  }
0x5d: {  	_ =	shalt  }
0x5e: {  	_ =	shalt  }
0x5f: {  	_ =	shalt  }
0x60: {  	_ =	shalt  }
0x61: {  	_ =	shalt  }
0x62: {  	_ =	shalt  }
0x63: {  	_ =	shalt  }
0x64: {  	_ =	shalt  }
0x65: {  	_ =	shalt  }
0x66: {  	_ =	shalt  }
0x67: {  	_ =	shalt  }
0x68: {  	_ =	shalt  }
0x69: {  	_ =	shalt  }
0x6a: {  	_ =	shalt  }
0x6b: {  	_ =	shalt  }
0x6c: {  	_ =	shalt  }
0x6d: {  	_ =	shalt  }
0x6e: {  	_ =	shalt  }
0x6f: {  	_ =	shalt  }
0x70: {  	_ =	shalt  }
0x71: {  	_ =	shalt  }
0x72: {  	_ =	shalt  }
0x73: {  	_ =	shalt  }
0x74: {  	_ =	shalt  }
0x75: {  	_ =	shalt  }
0x76: {  	_ =	shalt  }
0x77: {  	_ =	shalt  }
0x78: {  	_ =	shalt  }
0x79: {  	_ =	shalt  }
0x7a: {  	_ =	shalt  }
0x7b: {  	_ =	shalt  }
0x7c: {  	_ =	shalt  }
0x7d: {  	_ =	shalt  }
0x7e: {  	_ =	shalt  }
0x7f: {  	_ =	shalt  }
0x80: {  	_ =	shalt  }
0x81: {  	_ =	shalt  }
0x82: {  	_ =	shalt  }
0x83: {  	_ =	shalt  }
0x84: {  	_ =	shalt  }
0x85: {  	_ =	shalt  }
0x86: {  	_ =	shalt  }
0x87: {  	_ =	shalt  }
.Lfunc_end0:
.L_simem_size_0:
called_computation.1_lowered:
.L_overlay_start_0:
0x88: {  	s2 =	sld [smem:$0x3FD9]  }
0x89: {  	s3 =	sld [smem:$0x3FFE];
	_ =	sdelay $0x1  }
0x8a: {  	s1 =	srdreg.scid  }
0x8b: {  	s0 =	sand.u32 $0x1, s1  }
0x8c: {  	s17 =	sshll.u32 s0, $0xA;
	s2 =	sadd.s32 s3, s2  }
0x8d: {  	s2 =	sadd.s32 s2, s17  }
0x8e: {  	[smem:$0x3FB8] =	sst s2  }
0x8f: {  	_ = 	snop  }
0x90: {  	(tm) =	ssettm $0x1  }
0x91: {  	s18 =	sld [smem:$0x3FFB];
	_ =	sdelay $0x3  }
0x92: {  	_ =	strace s18  }
0x93: {  	s2 =	sld [smem:$0x3FFC];
	_ =	sdelay $0x3  }
0x94: {  	_ =	strace s2  }
0x95: {  	s2 =	sld [smem:$0x3FFD];
	_ =	sdelay $0x3  }
0x96: {  	_ =	strace s2  }
0x97: {  	_ =	strace $0x8FFFFFFF  }
0x98: {  	s19 =	sld [smem:$0x3FDB];
	_ =	sdelay $0x1  }
0x99: {  	s20 =	simm.s32 $_scs_section_size  }
0x9a: {  	s4 =	simm.s32 $_size__tile_overlayer_lowered;
	s5 =	simm.s32 $_tile_overlayer_lowered  }
0x9b: {  	s6 =	simm.s32 $0x1BFF;
	s21 =	sshll.u32 s5, $0x1;
	s3 =	sadd.s32 s20, s19  }
0x9c: {  	s22 =	simm.s32 $0x0;
	s4 =	sshll.u32 s4, $0x1;
	s5 =	sadd.s32 s21, s3  }
0x9d: {  	[timem:s22], [sflag:s6] =	dma.local [hbm:s5], s4  }
0x9e: {  	_ =	swait.ge [sflag:s6], s4  }
0x9f: {  	s4 =	ssub.s32 $0x0, s4;
	[sflag:s6] =	ssyncset.done $0x0  }
0xa0: {  	[sflag:s6] =	ssyncadd.s32 s4;
	_ =	sdelay $0x1  }
0xa1: {  	s23 =	simm.s32 $0x1B8B  }
0xa2: {  	_ =	swait.ge [sflag:s23], $0x1  }
0xa3: {  	[sflag:s23] =	ssyncset.done $0x0  }
0xa4: {  	[sflag:s23] =	ssyncadd.s32 $0xFFFFFFFF  }
0xa5: {  	s4 =	sld [smem:$0x0]  }
0xa6: {  	s5 =	sand.u32 $0xFFFFFFFE, s1  }
0xa7: {  	p0 =	sne.s32 s1, s5  }
0xa8: {  	s5 =	sshll.u32 @p0 s5, $0xE  }
0xa9: {  	s5 =	sadd.s32 @p0 $0x11B8D, s5;
	s6 =	sshll.u32 @p0 s4, $0x11  }
0xaa: {  	s5 =	sor.u32 @p0 s6, s5  }
0xab: {  	[sflag:s5] =	ssyncadd.remote.s32 @p0 $0x1;
	_ =	sdelay $0x1  }
0xac: {  	s5 =	simm.s32 @p0 $0x1B8D  }
0xad: {  	_ =	swait.eq @p0 [sflag:s5], $0x1  }
0xae: {  	[sflag:s5] =	ssyncadd.s32 @p0 $0xFFFFFFFF  }
0xaf: {  	s6 =	sshll.u32 @!p0 s1, $0xE  }
0xb0: {  	s6 =	sor.u32 @!p0 $0x4000, s6;
	s5 =	simm.s32 @!p0 $0x1B8D  }
0xb1: {  	s4 =	sshll.u32 @!p0 s4, $0x11;
	s6 =	sadd.s32 @!p0 $0x11B8D, s6;
	_ =	swait.eq @!p0 [sflag:s5], $0x1  }
0xb2: {  	s4 =	sor.u32 @!p0 s4, s6;
	[sflag:s5] =	ssyncadd.s32 @!p0 $0xFFFFFFFF  }
0xb3: {  	s25 =	simm.s32 $0x1B8E;
	s24 =	sld [smem:$0x3FFE];
	[sflag:s4] =	ssyncadd.remote.s32 @!p0 $0x1  }
0xb4: {  	s26 =	simm.s32 $execute0_lowered;
	[smem:$0x3FD2] =	sst s25  }
0xb5: {  	s5 =	sshll.u32 s26, $0x1;
	_ =	strace $0x8000004C;
	[dreg:$0x1] =	wrdreg $0xFFFFFFFF  }
0xb6: {  	s28 =	simm.s32 $_size_execute0_lowered;
	s3 =	sadd.s32 s3, s5;
	[dreg:$0x0] =	wrdreg $0x0  }
0xb7: {  	s5 =	sshll.u32 s28, $0x1;
	[dreg:$0x2] =	wrdreg s3  }
0xb8: {  	[dreg:$0x3] =	wrdreg s5  }
0xb9: {  	[dreg:$0x4] =	wrdreg $0xC0  }
0xba: {  	_ =	task [dreg:s22], $0x5FFFF  }
0xbb: {  	[dreg:$0x1] =	wrdreg $0xFFFFFFFF  }
0xbc: {  	[dreg:$0x0] =	wrdreg $0x60  }
0xbd: {  	[dreg:$0x2] =	wrdreg s24  }
0xbe: {  	[dreg:$0x3] =	wrdreg $0x9  }
0xbf: {  	_ =	task.clear_ibuf [dreg:s22], $0x4FFFF;
	_ =	strace $0x9000004C  }
0xc0: {  	s29 =	simm.s32 $0x9;
	_ =	strace $0x8000004E  }
0xc1: {  	_ =	swait.ge [sflag:s29], $0x1  }
0xc2: {  	[sflag:s29] =	ssyncadd.s32 $0xFFFFFFFF  }
0xc3: {  	_ =	strace $0x9000004E  }
0xc4: {  	_ =	sfence  }
0xc5: {  	s30 =	sld [smem:$0x0];
	_ =	sdelay $0x2  }
0xc6: {  	s31 =	sshll.u32 s1, $0xD;
	s1 =	sshrl.u32 s1, $0x2  }
0xc7: {  	s4 =	sand.u32 $0x4000, s31;
	s1 =	sadd.s32 s1, s30  }
0xc8: {  	s0 =	sor.u32 s4, s0;
	s1 =	sshll.u32 s1, $0x11  }
0xc9: {  	s0 =	sor.u32 s1, s0  }
0xca: {  	s0 =	sadd.s32 $0x8F2B, s0  }
0xcb: {  	[sflag:s0] =	ssyncadd.remote.s32 $0x1  }
0xcc: {  	_ =	sfence.sel $0xFFFF  }
0xcd: {  	[dreg:$0x0] =	wrdreg $0xFFFFFFFF;
	(pc) =	sbr.abs _section_cstart, $3  }
0xce: {  	[dreg:$0x1] =	wrdreg $0xFFFFFFFF  }
0xcf: {  	_ =	task.clear_ibuf [dreg:s22], $0x2FFFF;
	_ =	strace $0x9FFFFFFF  }
0xd0: {  	(tm) =	ssettm $0x7FFFFFFF  }
0xd1: {  	_ =	shalt  }
tec
execute0_lowered:
.L_overlay_start_1:
0x0: {  	(tag) =	ssettag $0x1  }
0x1: {  	s10 =	rddreg [dreg:$0x0]  }
0x2: {  	s0 =	rddreg [dreg:$0x1]  }
0x3: {  	s1 =	simm.s32 $0x0;
	s6 =	srdreg.scid;
	s2 =	stileid.u32  }
0x4: {  	s13 =	simm.s32 $0x2;
	s14 =	simm.s32 $0x28F0;
	s15 =	simm.s32 $0xF0  }
0x5: {  	s16 =	simm.s32 $0x50;
	s17 =	simm.s32 $0x2DF0;
	s18 =	simm.s32 $0x1  }
0x6: {  	s19 =	simm.s32 $0xA0;
	s20 =	simm.s32 $0x32F0;
	s21 =	simm.s32 $0x0  }
0x7: {  	[smem:$0x7FF] =	sst s1;
	s3 =	sadd.s32 $0xE000, s10;
	s4 =	sadd.s32 $0x4200, s10  }
0x8: {  	s5 =	sadd.s32 $0x5A0A00, s10;
	s8 =	sand.u32 $0x1, s6;
	s6 =	sadd.s32 $0xB1EE00, s10  }
0x9: {  	s11 =	sshll.u32 s2, $0x1;
	s7 =	sadd.s32 $0x664200, s10;
	s9 =	ssub.s32 $0x2, s8  }
0xa: {  	v0 =	vlaneseq.u32;
	_ =	strace $0x8000004D;
	s11 =	sor.u32 s8, s11;
	s12 =	sshrl.u32 s9, $0x1  }
0xb: {  	v1 =	vimm.s32 $0x3;
	v2 =	vimm.s32 $0x4;
	v3 =	vimm.s32 $0x5;
	s8 =	sadd.s32 $0x1000E00, s10;
	s12 =	ssub.s32 s9, s12;
	s9 =	smul.u32 $0x2710, s11  }
0xc: {  	v4 =	vimm.s32 $0x6;
	v5 =	vimm.f32 $0.0e+00;
	v0 =	vadd.s32 $0xFFFFFFFD, v0;
	s10 =	sadd.s32 $0x21E00, s10;
	s11 =	smul.u32 $0x2970, s11;
	s12 =	smax.u32 s12, $0x1  }
.LBB2_1:
0xd: {  	s23 =	simm.s32 $0x0  }
.LBB2_2:
0xe: {  	s22 =	smul.u32 $0x50, s23;
	_ =	sdelay $0x1  }
0xf: {  	s22 =	sadd.s32 s9, s22  }
0x10: {  	s24 =	sshrl.u32 s22, $0x3  }
0x11: {  	s25 =	simm.s32 $0x0;
	s24 =	sadd.s32 s3, s24  }
0x12: {  	[tilespmem:s25], [sflag:$0x2] =	stream.linear.gather [hbm4b:s24+s25], $0x50, $0x38;
	[tilespmem:$0x16AF0] =	vst v63  }
0x13: {  	_ =	swait.ge [sflag:s13], $0x50  }
0x14: {  	s26 =	sshll.u32 s22, $0x1;
	[sflag:s13] =	ssyncset.done $0x0  }
0x15: {  	s24 =	sadd.s32 s5, s26;
	[sflag:s13] =	ssyncadd.s32 $0xFFFFFFB0  }
0x16: {  	[tilespmem:s14], [sflag:$0x2] =	stream.linear.gather [hbm4b:s24+s25], $0x500, $0x38;
	[tilespmem:$0x16AF0] =	vst v63  }
0x17: {  	_ =	swait.ge [sflag:s13], $0x500  }
0x18: {  	s22 =	sshll.u32 s22, $0x4;
	[sflag:s13] =	ssyncset.done $0x0  }
0x19: {  	s29 =	sadd.s32 s6, s22;
	[sflag:s13] =	ssyncadd.s32 $0xFFFFFB00  }
0x1a: {  	[tilespmem:s15], [sflag:$0x2] =	stream.linear.gather [hbm4b:s29+s25], $0x2800, $0x38;
	[tilespmem:$0x16AF0] =	vst v63  }
0x1b: {  	_ =	swait.ge [sflag:s13], $0x2800  }
0x1c: {  	[sflag:s13] =	ssyncset.done $0x0  }
0x1d: {  	[sflag:s13] =	ssyncadd.s32 $0xFFFFD800  }
0x1e: {  	v6 =	vld [tilespmem:$0x0]  }
0x1f: {  	v7 =	vld [tilespmem:$0x10]  }
0x20: {  	v8 =	vld [tilespmem:$0x20]  }
0x21: {  	v9 =	vld [tilespmem:$0x30]  }
0x22: {  	v10 =	vld [tilespmem:$0x40]  }
0x23: {  	v6 =	vshrl.u32 v6, $0x2  }
0x24: {  	[tilespmem:$0x50] =	vst v6;
	v6 =	vshrl.u32 v7, $0x2  }
0x25: {  	[tilespmem:$0x60] =	vst v6;
	v6 =	vshrl.u32 v8, $0x2  }
0x26: {  	[tilespmem:$0x70] =	vst v6;
	v6 =	vshrl.u32 v9, $0x2  }
0x27: {  	[tilespmem:$0x80] =	vst v6;
	v6 =	vshrl.u32 v10, $0x2  }
0x28: {  	[tilespmem:$0x90] =	vst v6  }
0x29: {  	[tilespmem:s17], [sflag:$0x1] =	stream.indirect.gather [hbm4b:s7+s16], $0x10, s16, s16, $0xb8;
	[tilespmem:$0x16AF0] =	vst v63  }
0x2a: {  	_ =	swait.ge [sflag:s18], $0x500  }
0x2b: {  	[sflag:s18] =	ssyncset.done $0x0  }
0x2c: {  	[sflag:s18] =	ssyncadd.s32 $0xFFFFFB00  }
0x2d: {  	v6 =	vld [tilespmem:s25+$0x0];
	_ =	sdelay $0x4  }
0x2e: {  	(v2sf) =	vpush v6, $0x0;
	_ =	sdelay $0xe  }
0x2f: {  	s30 =	spop (v2sf)  }
0x30: {  	s31 =	simm.s32 $0x0;
	s24 =	sshll.u32 s30, $0x2  }
0x31: {  	v6 =	vld [tilespmem:s31+$0x2DF0];
	s24 =	sand.u32 $0xC, s24  }
0x32: {  	v7 =	vadd.s32 s24, v0  }
0x33: {  	vm0 =	vgt.s32 v7, $0x0  }
0x34: {  	v7 =	vnsel vm0, $0x0, v7  }
0x35: {  	v7 =	vmin.u32 v7, $0xF  }
0x36: {  	v6 =	vperm.xlane v6, v7;
	_ =	sdelay $0x1  }
0x37: {  	v6 =	vadd.f32 $1.000000020e-16, v6;
	_ =	sdelay $0x1  }
0x38: {  	(erf) = vrcp.f32 v6;
	_ =	sdelay $0x4  }
0x39: {  	v6 =	vld [tilespmem:s31+$0x28F0];
	_ =	sdelay $0x2  }
0x3a: {  	s24 =	simm.s32 $0x130  }
0x3b: {  	v7 =	vld [tilespmem:s24+$0xFFFFFFC0];
	v8 =	vpop (erf)  }
0x3c: {  	v60 =	vld [tilespmem:s24+$0xFFFFFFD0];
	v6 =	vmul.f32 v8, v6  }
0x3d: {  	v12 =	vld [tilespmem:s24+$0x0]  }
0x3e: {  	v8 =	vld [tilespmem:s24+$0xFFFFFFE0];
	v11 =	vperm.xlane v6, v1  }
0x3f: {  	v61 =	vld [tilespmem:s24+$0xFFFFFFF0]  }
0x40: {  	v13 =	vld [tilespmem:s24+$0x10];
	v16 =	vperm.xlane v6, v3;
	v7 =	vmul.f32 v7, v11  }
0x41: {  	v15 =	vld [tilespmem:s24+$0x20];
	v14 =	vperm.xlane v6, v2;
	v9 =	vmul.f32 v60, v11  }
0x42: {  	v62 =	vld [tilespmem:s24+$0x30];
	v63 =	vmul.f32 v12, v16;
	[tilespmem:s24+$0xFFFFFFC0] =	vst v7  }
0x43: {  	v8 =	vmul.f32 v8, v14;
	[tilespmem:s24+$0xFFFFFFD0] =	vst v9  }
0x44: {  	v6 =	vperm.xlane v6, v4;
	v7 =	vmul.f32 v61, v14;
	[tilespmem:s24+$0x0] =	vst v63  }
0x45: {  	[tilespmem:s24+$0xFFFFFFE0] =	vst v8;
	v8 =	vmul.f32 v13, v16  }
0x46: {  	[tilespmem:s24+$0xFFFFFFF0] =	vst v7;
	v7 =	vmul.f32 v15, v6  }
0x47: {  	v6 =	vmul.f32 v62, v6;
	[tilespmem:s24+$0x10] =	vst v8  }
0x48: {  	[tilespmem:s24+$0x20] =	vst v7  }
0x49: {  	s25 =	simm.s32 $0x1;
	[tilespmem:s24+$0x30] =	vst v6  }
0x4a: {  	s28 =	simm.s32 $0x10;
	s26 =	simm.s32 $0x80;
	v6 =	vld [tilespmem:s25+$0x0]  }
.LBB2_3:
0x4b: {  	p0 =	sne.s32 s26, $0x13C0;
	v7 =	vld [tilespmem:s28+$0x2DF0]  }
0x4c: {  	v8 =	vld [tilespmem:s28+$0x28F0];
	_ =	sdelay $0x2  }
0x4d: {  	(v2sf) =	vpush v6, $0x0;
	_ =	sdelay $0xe  }
0x4e: {  	s28 =	spop (v2sf)  }
0x4f: {  	s28 =	sshll.u32 s28, $0x2  }
0x50: {  	s28 =	sand.u32 $0xC, s28  }
0x51: {  	v6 =	vadd.s32 s28, v0  }
0x52: {  	vm0 =	vgt.s32 v6, $0x0  }
0x53: {  	v6 =	vnsel vm0, $0x0, v6  }
0x54: {  	v6 =	vmin.u32 v6, $0xF  }
0x55: {  	v6 =	vperm.xlane v7, v6;
	_ =	sdelay $0x1  }
0x56: {  	v6 =	vadd.f32 $1.000000020e-16, v6;
	_ =	sdelay $0x1  }
0x57: {  	(erf) = vrcp.f32 v6;
	_ =	sdelay $0x3  }
0x58: {  	s24 =	sadd.s32 $0x80, s24  }
0x59: {  	v6 =	vld [tilespmem:s24+$0xFFFFFFF0]  }
0x5a: {  	v7 =	vld [tilespmem:s24+$0x30]  }
0x5b: {  	v9 =	vld [tilespmem:s24+$0x10]  }
0x5c: {  	v10 =	vld [tilespmem:s24+$0xFFFFFFD0]  }
0x5d: {  	v11 =	vld [tilespmem:s24+$0xFFFFFFC0];
	v12 =	vpop (erf)  }
0x5e: {  	v8 =	vmul.f32 v12, v8;
	v12 =	vld [tilespmem:s24+$0xFFFFFFE0]  }
0x5f: {  	v13 =	vld [tilespmem:s24+$0x0]  }
0x60: {  	v14 =	vperm.xlane v8, v1;
	v15 =	vperm.xlane v8, v2;
	v16 =	vld [tilespmem:s24+$0x20]  }
0x61: {  	v17 =	vperm.xlane v8, v3;
	v8 =	vperm.xlane v8, v4  }
0x62: {  	v11 =	vmul.f32 v11, v14;
	v10 =	vmul.f32 v10, v14  }
0x63: {  	v6 =	vmul.f32 v6, v15;
	v12 =	vmul.f32 v12, v15  }
0x64: {  	v9 =	vmul.f32 v9, v17;
	[tilespmem:s24+$0xFFFFFFC0] =	vst v11;
	v11 =	vmul.f32 v13, v17  }
0x65: {  	v7 =	vmul.f32 v7, v8;
	[tilespmem:s24+$0xFFFFFFD0] =	vst v10;
	v10 =	vmul.f32 v16, v8  }
0x66: {  	[tilespmem:s24+$0xFFFFFFE0] =	vst v12  }
0x67: {  	[tilespmem:s24+$0xFFFFFFF0] =	vst v6  }
.Ltmp0:
0x68: {  	[tilespmem:s24+$0x0] =	vst v11;
	(pc) =	sbr.rel @p0 .LBB2_3-.Ltmp0, $4  }
0x69: {  	[tilespmem:s24+$0x10] =	vst v9  }
0x6a: {  	[tilespmem:s24+$0x20] =	vst v10  }
0x6b: {  	s25 =	sadd.s32 $0x1, s25;
	[tilespmem:s24+$0x30] =	vst v7  }
0x6c: {  	s28 =	sshra.s32 s26, $0x2;
	s26 =	sadd.s32 $0x40, s26;
	v6 =	vld [tilespmem:s25+$0x0]  }
0x6d: {  	_ =	sdelay $0x3  }
0x6e: {  	(v2sf) =	vpush v6, $0x0;
	_ =	sdelay $0xe  }
0x6f: {  	s25 =	spop (v2sf)  }
0x70: {  	s25 =	sshll.u32 s25, $0x2  }
0x71: {  	v6 =	vld [tilespmem:s28+$0x2DF0];
	s25 =	sand.u32 $0xC, s25  }
0x72: {  	v7 =	vadd.s32 s25, v0  }
0x73: {  	vm0 =	vgt.s32 v7, $0x0  }
0x74: {  	v7 =	vnsel vm0, $0x0, v7  }
0x75: {  	v7 =	vmin.u32 v7, $0xF  }
0x76: {  	v6 =	vperm.xlane v6, v7;
	_ =	sdelay $0x1  }
0x77: {  	v6 =	vadd.f32 $1.000000020e-16, v6;
	_ =	sdelay $0x1  }
0x78: {  	(erf) = vrcp.f32 v6;
	_ =	sdelay $0x4  }
0x79: {  	v6 =	vld [tilespmem:s28+$0x28F0];
	_ =	sdelay $0x2  }
0x7a: {  	s24 =	sadd.s32 $0x80, s24  }
0x7b: {  	v7 =	vld [tilespmem:s24+$0xFFFFFFC0];
	v8 =	vpop (erf)  }
0x7c: {  	v9 =	vld [tilespmem:s24+$0xFFFFFFD0];
	v6 =	vmul.f32 v8, v6  }
0x7d: {  	v60 =	vld [tilespmem:s24+$0xFFFFFFE0]  }
0x7e: {  	v12 =	vld [tilespmem:s24+$0x0];
	v11 =	vperm.xlane v6, v1  }
0x7f: {  	v10 =	vld [tilespmem:s24+$0xFFFFFFF0]  }
0x80: {  	v13 =	vld [tilespmem:s24+$0x10];
	v14 =	vperm.xlane v6, v2;
	v7 =	vmul.f32 v7, v11  }
0x81: {  	v15 =	vld [tilespmem:s24+$0x20];
	v16 =	vperm.xlane v6, v3;
	v9 =	vmul.f32 v9, v11  }
0x82: {  	v61 =	vld [tilespmem:s24+$0x30];
	v8 =	vmul.f32 v60, v14;
	[tilespmem:s24+$0xFFFFFFC0] =	vst v7  }
0x83: {  	v62 =	vmul.f32 v12, v16;
	[tilespmem:s24+$0xFFFFFFD0] =	vst v9  }
0x84: {  	v6 =	vperm.xlane v6, v4;
	v7 =	vmul.f32 v10, v14;
	[tilespmem:s24+$0xFFFFFFE0] =	vst v8  }
0x85: {  	v63 =	vmul.f32 v13, v16;
	[tilespmem:s24+$0x0] =	vst v62  }
0x86: {  	[tilespmem:s24+$0xFFFFFFF0] =	vst v7;
	v7 =	vmul.f32 v15, v6  }
0x87: {  	s23 =	sadd.s32 $0x1, s23;
	[tilespmem:s24+$0x10] =	vst v63;
	v6 =	vmul.f32 v61, v6  }
0x88: {  	p0 =	sne.s32 s23, $0x7D;
	[tilespmem:s24+$0x20] =	vst v7  }
.Ltmp1:
0x89: {  	s31 =	sadd.s32 s10, s22;
	s22 =	simm.s32 $0x0;
	[tilespmem:s24+$0x30] =	vst v6;
	(pc) =	sbr.rel @p0 .LBB2_2-.Ltmp1, $4  }
0x8a: {  	[hbm4b:s31+s22] =	stream.linear.scatter [tilespmem:s15], [sflag:$0x2], $0x2800, $0x38;
	[tilespmem:$0x16AF0] =	vst v63  }
0x8b: {  	_ =	swait.ge [sflag:s13], $0x2800  }
0x8c: {  	[sflag:s13] =	ssyncset.done $0x0  }
0x8d: {  	[sflag:s13] =	ssyncadd.s32 $0xFFFFD800  }
.LBB2_5:
0x8e: {  	s23 =	simm.s32 $0x0;
	s24 =	simm.s32 $0x200  }
.LBB2_6:
0x8f: {  	p0 =	seq.s32 s24, $0x4DE00;
	[tilespmem:s23+$0x3360] =	vst v5  }
0x90: {  	[tilespmem:s23+$0x32F0] =	vst v5  }
0x91: {  	[tilespmem:s23+$0x3300] =	vst v5  }
.Ltmp2:
0x92: {  	[tilespmem:s23+$0x3310] =	vst v5;
	(pc) =	sbr.rel @!p0 .LBB2_6-.Ltmp2, $4  }
0x93: {  	[tilespmem:s23+$0x3320] =	vst v5  }
0x94: {  	[tilespmem:s23+$0x3330] =	vst v5  }
0x95: {  	[tilespmem:s23+$0x3340] =	vst v5  }
0x96: {  	[tilespmem:s23+$0x3350] =	vst v5;
	s23 =	sshra.s32 s24, $0x2;
	s24 =	sadd.s32 $0x200, s24  }
0x97: {  	[tilespmem:s23+$0x3360] =	vst v5  }
0x98: {  	[tilespmem:s23+$0x32F0] =	vst v5  }
0x99: {  	[tilespmem:s23+$0x3300] =	vst v5  }
0x9a: {  	[tilespmem:s23+$0x3310] =	vst v5  }
0x9b: {  	[tilespmem:s23+$0x3320] =	vst v5  }
0x9c: {  	[tilespmem:s23+$0x3330] =	vst v5  }
0x9d: {  	[tilespmem:s23+$0x3340] =	vst v5  }
0x9e: {  	[tilespmem:s23+$0x3350] =	vst v5;
	s23 =	smul.u32 $0x270, s22;
	_ =	sdelay $0x1  }
0x9f: {  	s25 =	simm.s32 $0x0;
	s26 =	simm.s32 $0x0;
	s24 =	sadd.s32 $0x270, s23  }
.LBB2_8:
0xa0: {  	s28 =	smul.u32 $0x50, s26;
	_ =	sdelay $0x1  }
0xa1: {  	s28 =	sadd.s32 s9, s28  }
0xa2: {  	s29 =	sshrl.u32 s28, $0x3  }
0xa3: {  	s29 =	sadd.s32 s4, s29  }
0xa4: {  	[tilespmem:s19], [sflag:$0x2] =	stream.linear.gather [hbm4b:s29+s25], $0x50, $0x38;
	[tilespmem:$0x16AF0] =	vst v63  }
0xa5: {  	_ =	swait.ge [sflag:s13], $0x50  }
0xa6: {  	s28 =	sshll.u32 s28, $0x4;
	[sflag:s13] =	ssyncset.done $0x0  }
0xa7: {  	s28 =	sadd.s32 s10, s28;
	[sflag:s13] =	ssyncadd.s32 $0xFFFFFFB0  }
0xa8: {  	[tilespmem:s15], [sflag:$0x2] =	stream.linear.gather [hbm4b:s28+s25], $0x2800, $0x38;
	[tilespmem:$0x16AF0] =	vst v63  }
0xa9: {  	_ =	swait.ge [sflag:s13], $0x2800  }
0xaa: {  	[sflag:s13] =	ssyncset.done $0x0  }
0xab: {  	s28 =	simm.s32 $0x0;
	[sflag:s13] =	ssyncadd.s32 $0xFFFFD800  }
0xac: {  	v6 =	vld [tilespmem:s28+$0xA0];
	_ =	sdelay $0x4  }
0xad: {  	(v2sf) =	vpush v6, $0x0;
	_ =	sdelay $0xe  }
0xae: {  	s28 =	spop (v2sf)  }
0xaf: {  	p0 =	slt.s32 s28, s23  }
0xb0: {  	p1 =	sge.s32 @!p0 s28, s24  }
0xb1: {  	p0 =	por p1, p0  }
0xb2: {  	s29 =	ssub.s32 @!p0 s28, s23  }
0xb3: {  	s28 =	simm.s32 $0x130;
	s29 =	sshll.u32 @!p0 s29, $0x9  }
0xb4: {  	v6 =	vld @!p0 [tilespmem:s28+$0xFFFFFFC0];
	s30 =	sshra.s32 @!p0 s29, $0x2  }
0xb5: {  	v7 =	vld @!p0 [tilespmem:s30+$0x32F0];
	_ =	sdelay $0x4  }
0xb6: {  	v6 =	vadd.f32 @!p0 v6, v7;
	_ =	sdelay $0x1  }
0xb7: {  	[tilespmem:s30+$0x32F0] =	vst @!p0 v6;
	v6 =	vld @!p0 [tilespmem:s30+$0x3300]  }
0xb8: {  	v8 =	vld @!p0 [tilespmem:s28+$0xFFFFFFD0];
	_ =	sdelay $0x4  }
0xb9: {  	v6 =	vadd.f32 @!p0 v8, v6;
	_ =	sdelay $0x1  }
0xba: {  	[tilespmem:s30+$0x3300] =	vst @!p0 v6;
	v6 =	vld @!p0 [tilespmem:s30+$0x3310]  }
0xbb: {  	v8 =	vld @!p0 [tilespmem:s28+$0xFFFFFFE0];
	_ =	sdelay $0x4  }
0xbc: {  	v6 =	vadd.f32 @!p0 v8, v6;
	_ =	sdelay $0x1  }
0xbd: {  	[tilespmem:s30+$0x3310] =	vst @!p0 v6;
	v6 =	vld @!p0 [tilespmem:s30+$0x3320]  }
0xbe: {  	v8 =	vld @!p0 [tilespmem:s28+$0xFFFFFFF0];
	_ =	sdelay $0x4  }
0xbf: {  	v6 =	vadd.f32 @!p0 v8, v6;
	_ =	sdelay $0x1  }
0xc0: {  	[tilespmem:s30+$0x3320] =	vst @!p0 v6;
	v6 =	vld @!p0 [tilespmem:s30+$0x3330]  }
0xc1: {  	v8 =	vld @!p0 [tilespmem:s28+$0x0];
	_ =	sdelay $0x4  }
0xc2: {  	v6 =	vadd.f32 @!p0 v8, v6;
	_ =	sdelay $0x1  }
0xc3: {  	[tilespmem:s30+$0x3330] =	vst @!p0 v6;
	v6 =	vld @!p0 [tilespmem:s30+$0x3340]  }
0xc4: {  	v8 =	vld @!p0 [tilespmem:s28+$0x10];
	_ =	sdelay $0x4  }
0xc5: {  	v6 =	vadd.f32 @!p0 v8, v6;
	_ =	sdelay $0x1  }
0xc6: {  	[tilespmem:s30+$0x3340] =	vst @!p0 v6;
	v6 =	vld @!p0 [tilespmem:s30+$0x3350]  }
0xc7: {  	v8 =	vld @!p0 [tilespmem:s28+$0x20];
	_ =	sdelay $0x4  }
0xc8: {  	v6 =	vadd.f32 @!p0 v8, v6;
	_ =	sdelay $0x1  }
0xc9: {  	v7 =	vld @!p0 [tilespmem:s30+$0x3360];
	[tilespmem:s30+$0x3350] =	vst @!p0 v6  }
0xca: {  	v6 =	vld @!p0 [tilespmem:s28+$0x30];
	_ =	sdelay $0x4  }
0xcb: {  	s29 =	simm.s32 $0x4;
	v6 =	vadd.f32 @!p0 v6, v7  }
.LBB2_9:
0xcc: {  	_ = 	snop  }
0xcd: {  	s31 =	sshra.s32 s29, $0x2;
	s29 =	sadd.s32 $0x4, s29;
	[tilespmem:s30+$0x3360] =	vst @!p0 v6  }
0xce: {  	p1 =	sne.s32 s29, $0x140;
	v6 =	vld [tilespmem:s31+$0xA0];
	_ =	sdelay $0x4  }
0xcf: {  	(v2sf) =	vpush v6, $0x0;
	_ =	sdelay $0xe  }
0xd0: {  	s30 =	spop (v2sf)  }
0xd1: {  	p0 =	slt.s32 s30, s23  }
0xd2: {  	p2 =	sge.s32 @!p0 s30, s24  }
0xd3: {  	p0 =	por p2, p0  }
0xd4: {  	s30 =	ssub.s32 @!p0 s30, s23  }
0xd5: {  	s28 =	sadd.s32 $0x80, s28;
	s30 =	sshll.u32 @!p0 s30, $0x9  }
0xd6: {  	s30 =	sshra.s32 @!p0 s30, $0x2;
	v6 =	vld @!p0 [tilespmem:s28+$0xFFFFFFC0]  }
0xd7: {  	v7 =	vld @!p0 [tilespmem:s30+$0x32F0]  }
0xd8: {  	v8 =	vld @!p0 [tilespmem:s30+$0x3360];
	_ =	sdelay $0x3  }
0xd9: {  	v6 =	vadd.f32 @!p0 v6, v7;
	_ =	sdelay $0x1  }
0xda: {  	[tilespmem:s30+$0x32F0] =	vst @!p0 v6;
	v6 =	vld @!p0 [tilespmem:s30+$0x3300]  }
0xdb: {  	v7 =	vld @!p0 [tilespmem:s28+$0xFFFFFFD0];
	_ =	sdelay $0x4  }
0xdc: {  	v6 =	vadd.f32 @!p0 v7, v6;
	_ =	sdelay $0x1  }
0xdd: {  	[tilespmem:s30+$0x3300] =	vst @!p0 v6;
	v6 =	vld @!p0 [tilespmem:s30+$0x3310]  }
0xde: {  	v7 =	vld @!p0 [tilespmem:s28+$0xFFFFFFE0];
	_ =	sdelay $0x4  }
0xdf: {  	v6 =	vadd.f32 @!p0 v7, v6;
	_ =	sdelay $0x1  }
0xe0: {  	[tilespmem:s30+$0x3310] =	vst @!p0 v6;
	v6 =	vld @!p0 [tilespmem:s30+$0x3320]  }
0xe1: {  	v7 =	vld @!p0 [tilespmem:s28+$0xFFFFFFF0];
	_ =	sdelay $0x4  }
0xe2: {  	v6 =	vadd.f32 @!p0 v7, v6;
	_ =	sdelay $0x1  }
0xe3: {  	[tilespmem:s30+$0x3320] =	vst @!p0 v6;
	v6 =	vld @!p0 [tilespmem:s30+$0x3330]  }
0xe4: {  	v7 =	vld @!p0 [tilespmem:s28+$0x0];
	_ =	sdelay $0x4  }
0xe5: {  	v6 =	vadd.f32 @!p0 v7, v6;
	_ =	sdelay $0x1  }
0xe6: {  	[tilespmem:s30+$0x3330] =	vst @!p0 v6;
	v6 =	vld @!p0 [tilespmem:s30+$0x3340]  }
0xe7: {  	v7 =	vld @!p0 [tilespmem:s28+$0x10];
	_ =	sdelay $0x4  }
0xe8: {  	v6 =	vadd.f32 @!p0 v7, v6;
	_ =	sdelay $0x1  }
0xe9: {  	[tilespmem:s30+$0x3340] =	vst @!p0 v6;
	v6 =	vld @!p0 [tilespmem:s30+$0x3350]  }
0xea: {  	v7 =	vld @!p0 [tilespmem:s28+$0x20];
	_ =	sdelay $0x4  }
0xeb: {  	v6 =	vadd.f32 @!p0 v7, v6;
	_ =	sdelay $0x1  }
0xec: {  	[tilespmem:s30+$0x3350] =	vst @!p0 v6  }
0xed: {  	v6 =	vld @!p0 [tilespmem:s28+$0x30]  }
.Ltmp3:
0xee: {  	(pc) =	sbr.rel @p1 .LBB2_9-.Ltmp3, $2  }
0xef: {  	_ =	sdelay $0x2  }
0xf0: {  	v6 =	vadd.f32 @!p0 v6, v8  }
0xf1: {  	s26 =	sadd.s32 $0x1, s26  }
0xf2: {  	p1 =	sne.s32 s26, $0x7D  }
.Ltmp4:
0xf3: {  	_ = 	snop;
	(pc) =	sbr.rel @p1 .LBB2_8-.Ltmp4, $2  }
0xf4: {  	_ =	sdelay $0x2  }
0xf5: {  	[tilespmem:s30+$0x3360] =	vst @!p0 v6  }
0xf6: {  	s23 =	sadd.s32 s11, s23;
	s22 =	sadd.s32 $0x1, s22  }
0xf7: {  	s23 =	sshll.u32 s23, $0x4;
	p0 =	sne.s32 s22, $0x11  }
.Ltmp5:
0xf8: {  	s23 =	sadd.s32 s8, s23;
	(pc) =	sbr.rel @p0 .LBB2_5-.Ltmp5, $4  }
0xf9: {  	[hbm4b:s23+s1] =	stream.linear.scatter [tilespmem:s20], [sflag:$0x2], $0x13800, $0x38;
	[tilespmem:$0x16AF0] =	vst v63  }
0xfa: {  	_ =	swait.ge [sflag:s13], $0x13800  }
0xfb: {  	[sflag:s13] =	ssyncset.done $0x0  }
0xfc: {  	[sflag:s13] =	ssyncadd.s32 $0xFFFEC800  }
0xfd: {  	s21 =	sadd.s32 $0x1, s21  }
0xfe: {  	p0 =	sne.s32 s21, s12  }
.Ltmp6:
0xff: {  	_ = 	snop;
	(pc) =	sbr.rel @p0 .LBB2_1-.Ltmp6, $1  }
0x100: {  	_ =	sdelay $0x3  }
0x101: {  	_ =	sfence.sel $0x180000  }
0x102: {  	[bflag:$0x0] =	sbarrier.arrive $0xFFFF  }
0x103: {  	p0 =	sne.s32 s2, $0x0;
	_ =	strace $0x9000004D  }
0x104: {  	s0 =	sadd.s32 @!p0 $0x100000, s0;
	[bflag:$0x2] =	sbarrier.arrive $0xFFFF  }
0x105: {  	[sflag:s0] =	ssyncadd.tile.s32 @!p0 $0x1;
	_ =	shalt  }
.Lfunc_end2:
_tile_overlayer_lowered:
.L_overlay_start_2:
0x106: {  	(tag) =	ssettag $0x2  }
0x107: {  	s0 =	rddreg [dreg:$0x0];
	s2 =	stileid.u32  }
0x108: {  	s1 =	rddreg [dreg:$0x1];
	p0 =	sne.s32 s2, $0x0  }
0x109: {  	s3 =	rddreg [dreg:$0x2];
	[bflag:$0x3] =	sbarrier.arrive $0xFFFF;
	s2 =	simm.s32 @!p0 $0x1C02  }
0x10a: {  	[timem:s3], [sflag:s2] =	dma.local @!p0 [hbm:s0], s1  }
0x10b: {  	s0 =	simm.s32 @!p0 $0x2  }
0x10c: {  	_ =	swait.ge @!p0 [sflag:s0], s1  }
0x10d: {  	s1 =	ssub.s32 @!p0 $0x0, s1;
	[sflag:s0] =	ssyncset.done @!p0 $0x0  }
0x10e: {  	[sflag:s0] =	ssyncadd.s32 @!p0 s1  }
0x10f: {  	[bflag:$0x3] =	sbarrier.arrive $0xFFFF  }
0x110: {  	_ =	shalt  }

// kernel: kernel.17.cloned.1.call-start
scs
__scs_entry_jumppad:
0x0: {  	(pc) =	sbr.rel $0x88, $3  }
0x1: {  	(tag) =	ssettag $0x0;
	lr =	simm.s32 $0x1  }
0x2: {  	[smem:$0x3F91] =	sst lr;
	_ =	strace $0xD0000000  }
0x3: {  	_ = 	snop  }
0x4: {  	_ = 	snop  }
0x5: {  	_ = 	snop  }
0x6: {  	_ = 	snop  }
0x7: {  	_ = 	snop  }
__scs_overlays_trampoline_lowered:
0x8: {  	[smem:$0x3FA0] =	sst s0  }
0x9: {  	[smem:$0x3FA1] =	sst s1  }
0xa: {  	[smem:$0x3FA2] =	sst s2  }
0xb: {  	[smem:$0x3FA3] =	sst s3  }
0xc: {  	[smem:$0x3FA4] =	sst s4  }
0xd: {  	[smem:$0x3FA5] =	sst s5  }
0xe: {  	[smem:$0x3FA6] =	sst s6  }
0xf: {  	[smem:$0x3FA7] =	sst s7  }
0x10: {  	[smem:$0x3FA8] =	sst s8  }
0x11: {  	[smem:$0x3FA9] =	sst s9;
	s0 =	simm.s32 @!p0 $0x0  }
0x12: {  	s1 =	sld [smem:$0x3F8F];
	s0 =	simm.s32 @p0 $0x1  }
0x13: {  	[smem:$0x3FAA] =	sst s0;
	s0 =	simm.s32 @!p1 $0x0  }
0x14: {  	s2 =	sld [smem:$0x3F8E];
	s0 =	simm.s32 @p1 $0x1  }
0x15: {  	[smem:$0x3FAB] =	sst s0;
	s0 =	simm.s32 @!p2 $0x0  }
0x16: {  	s3 =	sld [smem:$0x3FDB];
	s0 =	simm.s32 @p2 $0x1  }
0x17: {  	s4 =	simm.s32 $0x1BF5;
	[smem:$0x3FAD] =	sst s0  }
0x18: {  	s0 =	sld [smem:$0x3F90];
	_ =	swait.ge [sflag:s4], $0x0  }
0x19: {  	s7 =	sld [smem:$0x3F91]  }
0x1a: {  	s8 =	sadd.s32 $0xFFFFE003, lr  }
0x1b: {  	s9 =	sadd.s32 $0xFFFFFEF7, lr;
	s5 =	simm.s32 $0xFFFFFFFF;
	p2 =	slt.u32 s8, $0xFFFFF086  }
0x1c: {  	p1 =	slt.u32 s9, $0xF7A;
	s5 =	simm.s32 @!p2 $0x0  }
0x1d: {  	s5 =	simm.s32 @p1 $0x1;
	p0 =	seq.s32 s7, s2  }
0x1e: {  	s7 =	smul.u32 @!p0 $0xF7A, s2;
	p2 =	seq.s32 @!p0 s5, $0x0  }
0x1f: {  	s9 =	smul.u32 $0xF7A, s1;
	s8 =	simm.s32 @!p0 $0x1BF5;
	p2 =	por !p2, p0  }
0x20: {  	[sflag:s8] =	ssyncset.s32 @!p0 $0xFFFFF086;
	s6 =	sadd.s32 @!p0 s3, s7;
	s7 =	simm.s32 @!p0 $0x108  }
0x21: {  	s3 =	sadd.s32 s3, s9;
	s6 =	sadd.s32 @!p0 $0x88, s6;
	s7 =	simm.s32 @p2 $0x1082  }
0x22: {  	[simem:s7], [sflag:s8] =	dma.local @!p0 [hbm:s6], $0xF7A  }
0x23: {  	s9 =	sor.u32 $0xD0000000, s2;
	s6 =	simm.s32 $0x108;
	_ =	swait.ge @!p0 [sflag:s8], $0x0  }
0x24: {  	s3 =	sadd.s32 $0x88, s3;
	s6 =	simm.s32 @!p1 $0x1082;
	[sflag:s4] =	ssyncset.s32 $0xFFFFF086  }
0x25: {  	[simem:s6], [sflag:s4] =	dma.local [hbm:s3], $0xF7A  }
0x26: {  	[smem:$0x3F91] =	sst s1;
	(tag) =	ssettag s2;
	_ =	strace s9  }
0x27: {  	s1 =	sld [smem:$0x3FA1]  }
0x28: {  	s2 =	sld [smem:$0x3FA2]  }
0x29: {  	s4 =	sld [smem:$0x3FA4]  }
0x2a: {  	p0 =	seq.s32 s5, $0x0;
	s5 =	sld [smem:$0x3FA5]  }
0x2b: {  	s6 =	sld [smem:$0x3FA6]  }
0x2c: {  	s7 =	sld [smem:$0x3FA7]  }
0x2d: {  	s3 =	simm.s32 $0x108;
	s8 =	sld [smem:$0x3FA8]  }
0x2e: {  	s3 =	simm.s32 @!p0 $0x1082;
	s9 =	sld [smem:$0x3FA9]  }
0x2f: {  	lr =	sadd.s32 s0, s3;
	s0 =	sld [smem:$0x3FA0]  }
0x30: {  	s3 =	sld [smem:$0x3FA3]  }
0x31: {  	[smem:$0x3FAC] =	sst s10  }
0x32: {  	s10 =	sld [smem:$0x3FAA];
	_ =	sdelay $0x3  }
0x33: {  	p0 =	seq.s32 s10, $0x1;
	s10 =	sld [smem:$0x3FAC];
	_ =	sdelay $0x3  }
0x34: {  	[smem:$0x3FAC] =	sst s10  }
0x35: {  	s10 =	sld [smem:$0x3FAB];
	_ =	sdelay $0x3  }
0x36: {  	p1 =	seq.s32 s10, $0x1;
	s10 =	sld [smem:$0x3FAC];
	_ =	sdelay $0x3  }
0x37: {  	[smem:$0x3FAC] =	sst s10  }
0x38: {  	s10 =	sld [smem:$0x3FAD]  }
0x39: {  	_ = 	snop;
	(pc) =	sbr.ind lr, $3  }
0x3a: {  	_ = 	snop  }
0x3b: {  	_ = 	snop  }
0x3c: {  	p2 =	seq.s32 s10, $0x1;
	s10 =	sld [smem:$0x3FAC]  }
0x3d: {  	_ =	shalt  }
0x3e: {  	_ =	shalt  }
0x3f: {  	_ =	shalt  }
0x40: {  	_ =	shalt  }
0x41: {  	_ =	shalt  }
0x42: {  	_ =	shalt  }
0x43: {  	_ =	shalt  }
0x44: {  	_ =	shalt  }
0x45: {  	_ =	shalt  }
0x46: {  	_ =	shalt  }
0x47: {  	_ =	shalt  }
0x48: {  	_ =	shalt  }
0x49: {  	_ =	shalt  }
0x4a: {  	_ =	shalt  }
0x4b: {  	_ =	shalt  }
0x4c: {  	_ =	shalt  }
0x4d: {  	_ =	shalt  }
0x4e: {  	_ =	shalt  }
0x4f: {  	_ =	shalt  }
0x50: {  	_ =	shalt  }
0x51: {  	_ =	shalt  }
0x52: {  	_ =	shalt  }
0x53: {  	_ =	shalt  }
0x54: {  	_ =	shalt  }
0x55: {  	_ =	shalt  }
0x56: {  	_ =	shalt  }
0x57: {  	_ =	shalt  }
0x58: {  	_ =	shalt  }
0x59: {  	_ =	shalt  }
0x5a: {  	_ =	shalt  }
0x5b: {  	_ =	shalt  }
0x5c: {  	_ =	shalt  }
0x5d: {  	_ =	shalt  }
0x5e: {  	_ =	shalt  }
0x5f: {  	_ =	shalt  }
0x60: {  	_ =	shalt  }
0x61: {  	_ =	shalt  }
0x62: {  	_ =	shalt  }
0x63: {  	_ =	shalt  }
0x64: {  	_ =	shalt  }
0x65: {  	_ =	shalt  }
0x66: {  	_ =	shalt  }
0x67: {  	_ =	shalt  }
0x68: {  	_ =	shalt  }
0x69: {  	_ =	shalt  }
0x6a: {  	_ =	shalt  }
0x6b: {  	_ =	shalt  }
0x6c: {  	_ =	shalt  }
0x6d: {  	_ =	shalt  }
0x6e: {  	_ =	shalt  }
0x6f: {  	_ =	shalt  }
0x70: {  	_ =	shalt  }
0x71: {  	_ =	shalt  }
0x72: {  	_ =	shalt  }
0x73: {  	_ =	shalt  }
0x74: {  	_ =	shalt  }
0x75: {  	_ =	shalt  }
0x76: {  	_ =	shalt  }
0x77: {  	_ =	shalt  }
0x78: {  	_ =	shalt  }
0x79: {  	_ =	shalt  }
0x7a: {  	_ =	shalt  }
0x7b: {  	_ =	shalt  }
0x7c: {  	_ =	shalt  }
0x7d: {  	_ =	shalt  }
0x7e: {  	_ =	shalt  }
0x7f: {  	_ =	shalt  }
0x80: {  	_ =	shalt  }
0x81: {  	_ =	shalt  }
0x82: {  	_ =	shalt  }
0x83: {  	_ =	shalt  }
0x84: {  	_ =	shalt  }
0x85: {  	_ =	shalt  }
0x86: {  	_ =	shalt  }
0x87: {  	_ =	shalt  }
.Lfunc_end0:
.L_simem_size_0:
called_computation.2_lowered:
.L_overlay_start_0:
0x88: {  	s2 =	sld [smem:$0x3FD9]  }
0x89: {  	s3 =	sld [smem:$0x3FFE];
	_ =	sdelay $0x1  }
0x8a: {  	s1 =	srdreg.scid  }
0x8b: {  	s0 =	sand.u32 $0x1, s1  }
0x8c: {  	s16 =	sshll.u32 s0, $0xA;
	s2 =	sadd.s32 s3, s2  }
0x8d: {  	s2 =	sadd.s32 s2, s16  }
0x8e: {  	[smem:$0x3FB8] =	sst s2  }
0x8f: {  	_ = 	snop  }
0x90: {  	(tm) =	ssettm $0x1  }
0x91: {  	s17 =	sld [smem:$0x3FFB];
	_ =	sdelay $0x3  }
0x92: {  	_ =	strace s17  }
0x93: {  	s2 =	sld [smem:$0x3FFC];
	_ =	sdelay $0x3  }
0x94: {  	_ =	strace s2  }
0x95: {  	s2 =	sld [smem:$0x3FFD];
	_ =	sdelay $0x3  }
0x96: {  	_ =	strace s2  }
0x97: {  	_ =	strace $0x8FFFFFFF  }
0x98: {  	s18 =	sld [smem:$0x3FDB];
	_ =	sdelay $0x1  }
0x99: {  	s19 =	simm.s32 $_scs_section_size  }
0x9a: {  	s4 =	simm.s32 $_size__tile_overlayer_lowered;
	s5 =	simm.s32 $_tile_overlayer_lowered  }
0x9b: {  	s22 =	simm.s32 $0x1BFF;
	s21 =	sshll.u32 s5, $0x1;
	s2 =	sadd.s32 s19, s18  }
0x9c: {  	s6 =	simm.s32 $0x0;
	s20 =	sshll.u32 s4, $0x1;
	s4 =	sadd.s32 s21, s2  }
0x9d: {  	[timem:s6], [sflag:s22] =	dma.local [hbm:s4], s20  }
0x9e: {  	_ =	swait.ge [sflag:s22], s20  }
0x9f: {  	s3 =	ssub.s32 $0x0, s20;
	[sflag:s22] =	ssyncset.done $0x0  }
0xa0: {  	[sflag:s22] =	ssyncadd.s32 s3;
	_ =	sdelay $0x1  }
0xa1: {  	s23 =	simm.s32 $0x1B8B  }
0xa2: {  	_ =	swait.ge [sflag:s23], $0x1  }
0xa3: {  	[sflag:s23] =	ssyncset.done $0x0  }
0xa4: {  	s25 =	simm.s32 $0x1B8E;
	s24 =	sld [smem:$0x3FFE];
	[sflag:s23] =	ssyncadd.s32 $0xFFFFFFFF  }
0xa5: {  	s26 =	simm.s32 $execute0_lowered;
	[smem:$0x3FD2] =	sst s25  }
0xa6: {  	s4 =	sshll.u32 s26, $0x1;
	_ =	strace $0x80000049;
	[dreg:$0x1] =	wrdreg $0xFFFFFFFF  }
0xa7: {  	s28 =	simm.s32 $_size_execute0_lowered;
	s2 =	sadd.s32 s2, s4;
	[dreg:$0x0] =	wrdreg $0x0  }
0xa8: {  	s4 =	sshll.u32 s28, $0x1;
	[dreg:$0x2] =	wrdreg s2  }
0xa9: {  	[dreg:$0x3] =	wrdreg s4  }
0xaa: {  	[dreg:$0x4] =	wrdreg $0xC0  }
0xab: {  	_ =	task [dreg:s6], $0x5FFFF  }
0xac: {  	[dreg:$0x1] =	wrdreg $0xFFFFFFFF  }
0xad: {  	[dreg:$0x0] =	wrdreg $0x60  }
0xae: {  	[dreg:$0x2] =	wrdreg s24  }
0xaf: {  	[dreg:$0x3] =	wrdreg $0xA  }
0xb0: {  	_ =	task.clear_ibuf [dreg:s6], $0x4FFFF;
	_ =	strace $0x90000049  }
0xb1: {  	s29 =	simm.s32 $0xA;
	_ =	strace $0x8000004B  }
0xb2: {  	_ =	swait.ge [sflag:s29], $0x1  }
0xb3: {  	[sflag:s29] =	ssyncadd.s32 $0xFFFFFFFF  }
0xb4: {  	_ =	strace $0x9000004B  }
0xb5: {  	_ =	sfence  }
0xb6: {  	s30 =	sld [smem:$0x0];
	_ =	sdelay $0x2  }
0xb7: {  	s31 =	sshll.u32 s1, $0xD;
	s1 =	sshrl.u32 s1, $0x2  }
0xb8: {  	s3 =	sand.u32 $0x4000, s31;
	s1 =	sadd.s32 s1, s30  }
0xb9: {  	s0 =	sor.u32 s3, s0;
	s1 =	sshll.u32 s1, $0x11  }
0xba: {  	s0 =	sor.u32 s1, s0  }
0xbb: {  	s0 =	sadd.s32 $0x8F2B, s0  }
0xbc: {  	[sflag:s0] =	ssyncadd.remote.s32 $0x1  }
0xbd: {  	_ =	sfence.sel $0xFFFF  }
0xbe: {  	[dreg:$0x0] =	wrdreg $0xFFFFFFFF;
	(pc) =	sbr.abs _section_cstart, $3  }
0xbf: {  	[dreg:$0x1] =	wrdreg $0xFFFFFFFF  }
0xc0: {  	_ =	task.clear_ibuf [dreg:s6], $0x2FFFF;
	_ =	strace $0x9FFFFFFF  }
0xc1: {  	(tm) =	ssettm $0x7FFFFFFF  }
tec
execute0_lowered:
.L_overlay_start_1:
0x0: {  	(tag) =	ssettag $0x1  }
0x1: {  	s6 =	rddreg [dreg:$0x0]  }
0x2: {  	s0 =	rddreg [dreg:$0x1];
	s2 =	simm.s32 $0x0;
	s3 =	srdreg.scid  }
0x3: {  	s1 =	stileid.u32;
	s11 =	simm.s32 $0x5B0;
	s12 =	simm.s32 $0x0  }
0x4: {  	[smem:$0x7FF] =	sst s2;
	s4 =	sand.u32 $0x1, s3;
	s31 =	sshll.u32 s1, $0x1  }
0x5: {  	s3 =	sadd.s32 $0x4200, s6;
	s7 =	sor.u32 s4, s31;
	s9 =	ssub.s32 $0x2, s4  }
0x6: {  	s5 =	sadd.s32 $0x18000, s6;
	s8 =	smul.u32 $0x13A0, s7;
	s10 =	sshrl.u32 s9, $0x1  }
0x7: {  	v0 =	vimm.f32 $0.0e+00;
	_ =	strace $0x8000004A;
	s4 =	sadd.s32 $0x5A0A00, s6;
	s9 =	ssub.s32 s9, s10  }
0x8: {  	v1 =	vimm.s32 $0x0;
	vm0 =	vcmask $0xF0C;
	v2 =	vlaneseq.u32;
	s10 =	simm.s32 $0x550;
	s8 =	sadd.s32 s8, s6;
	s6 =	smul.u32 $0x2710, s7  }
0x9: {  	v3 =	vsel vm0, $0x3F800000, v0;
	vm0 =	vmmov $0x7;
	v4 =	vadd.s32 $0x1, v2;
	s7 =	sadd.s32 $0x63CE00, s8;
	s8 =	smax.u32 s9, $0x1;
	s9 =	simm.s32 $0x1  }
.LBB2_1:
0xa: {  	s13 =	simm.s32 $0x40;
	s14 =	simm.s32 $0x0  }
.LBB2_2:
0xb: {  	p0 =	sne.s32 s13, $0x273C0;
	[tilespmem:s14+$0x5B0] =	vst v0;
	s14 =	smov.u32 s13;
	s13 =	sadd.s32 $0x40, s13  }
.Ltmp0:
0xc: {  	(pc) =	sbr.rel @p0 .LBB2_2-.Ltmp0, $2  }
0xd: {  	_ =	sdelay $0x2  }
0xe: {  	s14 =	sshra.s32 s14, $0x2  }
0xf: {  	[tilespmem:s14+$0x5B0] =	vst v0;
	s13 =	simm.s32 $0x0;
	s14 =	simm.s32 $0x0  }
.LBB2_4:
0x10: {  	s15 =	smul.u32 $0x50, s14;
	_ =	sdelay $0x1  }
0x11: {  	s15 =	sadd.s32 s6, s15  }
0x12: {  	s16 =	sshrl.u32 s15, $0x3  }
0x13: {  	s17 =	sadd.s32 s3, s16  }
0x14: {  	[tilespmem:s13], [sflag:$0x1] =	stream.linear.gather [hbm4b:s17+s13], $0x50, $0x38;
	[tilespmem:$0xA2B0] =	vst v63  }
0x15: {  	_ =	swait.ge [sflag:s9], $0x50  }
0x16: {  	s15 =	sshll.u32 s15, $0x1;
	[sflag:s9] =	ssyncset.done $0x0  }
0x17: {  	s26 =	sadd.s32 s4, s15;
	s15 =	simm.s32 $0x50;
	[sflag:s9] =	ssyncadd.s32 $0xFFFFFFB0  }
0x18: {  	[tilespmem:s15], [sflag:$0x1] =	stream.linear.gather [hbm4b:s26+s13], $0x500, $0x38;
	[tilespmem:$0xA2B0] =	vst v63  }
0x19: {  	_ =	swait.ge [sflag:s9], $0x500  }
0x1a: {  	[sflag:s9] =	ssyncset.done $0x0  }
0x1b: {  	s16 =	sadd.s32 s5, s16;
	[sflag:s9] =	ssyncadd.s32 $0xFFFFFB00  }
0x1c: {  	[tilespmem:s10], [sflag:$0x1] =	stream.linear.gather [hbm4b:s16+s13], $0x50, $0x38;
	[tilespmem:$0xA2B0] =	vst v63  }
0x1d: {  	_ =	swait.ge [sflag:s9], $0x50  }
0x1e: {  	[sflag:s9] =	ssyncset.done $0x0  }
0x1f: {  	s28 =	simm.s32 $0x0;
	[sflag:s9] =	ssyncadd.s32 $0xFFFFFFB0  }
0x20: {  	v5 =	vld [tilespmem:s28+$0x0];
	_ =	sdelay $0x4  }
0x21: {  	(v2sf) =	vpush v5, $0x0;
	_ =	sdelay $0xc  }
0x22: {  	v5 =	vld [tilespmem:s28+$0x550];
	_ =	sdelay $0x1  }
0x23: {  	v6 =	vld [tilespmem:s15+$0x0];
	s29 =	spop (v2sf)  }
0x24: {  	s16 =	sshll.u32 s29, $0x2  }
0x25: {  	s30 =	sand.u32 $0xC, s16  }
0x26: {  	v5 =	vperm.xlane v5, v1;
	v7 =	vmov s30  }
0x27: {  	v8 =	vsub.s32 v2, v7  }
0x28: {  	v5 =	vmul.f32 v5, v6;
	s18 =	sand.u32 $0xFFFFFFF0, s16;
	vm1 =	vgt.s32 v8, $0x0  }
0x29: {  	s31 =	sadd.s32 $0x4, s30;
	v63 =	vld [tilespmem:s18+$0x5B0];
	v6 =	vnsel vm1, $0x0, v8  }
0x2a: {  	v5 =	vsel vm0, v5, v3;
	v9 =	vmov s31;
	v6 =	vmin.u32 v6, $0xF  }
0x2b: {  	vm2 =	vgt.u32 v9, v2;
	vm1 =	vlt.u32 v7, v4;
	v5 =	vperm.xlane v5, v6  }
0x2c: {  	vm1 =	vmand vm1, vm2  }
0x2d: {  	v5 =	vnsel vm1, $0x0, v5  }
0x2e: {  	v5 =	vadd.f32 v5, v63;
	_ =	sdelay $0x1  }
0x2f: {  	s17 =	simm.s32 $0x1;
	s16 =	simm.s32 $0x8;
	[tilespmem:s18+$0x5B0] =	vst v5  }
.LBB2_5:
0x30: {  	p0 =	sne.s32 s16, $0x13C;
	v5 =	vld [tilespmem:s17+$0x0];
	_ =	sdelay $0x4  }
0x31: {  	(v2sf) =	vpush v5, $0x0;
	_ =	sdelay $0xc  }
0x32: {  	v5 =	vld [tilespmem:s17+$0x550]  }
0x33: {  	s15 =	sadd.s32 $0x10, s15  }
0x34: {  	v6 =	vld [tilespmem:s15+$0x0];
	s17 =	spop (v2sf)  }
0x35: {  	s17 =	sshll.u32 s17, $0x2  }
0x36: {  	s18 =	sand.u32 $0xC, s17  }
0x37: {  	v5 =	vperm.xlane v5, v1;
	v7 =	vmov s18  }
0x38: {  	v8 =	vsub.s32 v2, v7  }
0x39: {  	s19 =	sand.u32 $0xFFFFFFF0, s17;
	v5 =	vmul.f32 v5, v6;
	vm1 =	vgt.s32 v8, $0x0  }
0x3a: {  	s17 =	sadd.s32 $0x4, s18;
	v6 =	vnsel vm1, $0x0, v8;
	v8 =	vld [tilespmem:s19+$0x5B0]  }
0x3b: {  	v9 =	vmov s17;
	v5 =	vsel vm0, v5, v3;
	v6 =	vmin.u32 v6, $0xF  }
0x3c: {  	vm2 =	vgt.u32 v9, v2;
	vm1 =	vlt.u32 v7, v4;
	v5 =	vperm.xlane v5, v6  }
.Ltmp1:
0x3d: {  	vm1 =	vmand vm1, vm2;
	(pc) =	sbr.rel @p0 .LBB2_5-.Ltmp1, $3  }
0x3e: {  	v5 =	vnsel vm1, $0x0, v5  }
0x3f: {  	v5 =	vadd.f32 v5, v8;
	_ =	sdelay $0x1  }
0x40: {  	s17 =	sshra.s32 s16, $0x2;
	s16 =	sadd.s32 $0x4, s16;
	[tilespmem:s19+$0x5B0] =	vst v5  }
0x41: {  	v5 =	vld [tilespmem:s17+$0x0];
	_ =	sdelay $0x4  }
0x42: {  	(v2sf) =	vpush v5, $0x0;
	_ =	sdelay $0xc  }
0x43: {  	v5 =	vld [tilespmem:s17+$0x550]  }
0x44: {  	s15 =	sadd.s32 $0x10, s15  }
0x45: {  	v6 =	vld [tilespmem:s15+$0x0];
	s31 =	spop (v2sf)  }
0x46: {  	s15 =	sshll.u32 s31, $0x2  }
0x47: {  	s16 =	sand.u32 $0xC, s15  }
0x48: {  	v5 =	vperm.xlane v5, v1;
	v7 =	vmov s16  }
0x49: {  	v8 =	vsub.s32 v2, v7  }
0x4a: {  	v5 =	vmul.f32 v5, v6;
	s15 =	sand.u32 $0xFFFFFFF0, s15;
	vm1 =	vgt.s32 v8, $0x0  }
0x4b: {  	s16 =	sadd.s32 $0x4, s16;
	v63 =	vld [tilespmem:s15+$0x5B0];
	v6 =	vnsel vm1, $0x0, v8  }
0x4c: {  	s14 =	sadd.s32 $0x1, s14;
	v5 =	vsel vm0, v5, v3;
	v9 =	vmov s16;
	v6 =	vmin.u32 v6, $0xF  }
0x4d: {  	p0 =	sne.s32 s14, $0x7D;
	vm2 =	vgt.u32 v9, v2;
	vm1 =	vlt.u32 v7, v4;
	v5 =	vperm.xlane v5, v6  }
.Ltmp2:
0x4e: {  	vm1 =	vmand vm1, vm2;
	(pc) =	sbr.rel @p0 .LBB2_4-.Ltmp2, $3  }
0x4f: {  	v5 =	vnsel vm1, $0x0, v5  }
0x50: {  	v5 =	vadd.f32 v5, v63;
	_ =	sdelay $0x1  }
0x51: {  	[tilespmem:s15+$0x5B0] =	vst v5  }
0x52: {  	s12 =	sadd.s32 $0x1, s12  }
0x53: {  	p0 =	sne.s32 s12, s8  }
.Ltmp3:
0x54: {  	_ = 	snop;
	(pc) =	sbr.rel @p0 .LBB2_1-.Ltmp3, $4  }
0x55: {  	[hbm4b:s7+s2] =	stream.linear.scatter [tilespmem:s11], [sflag:$0x1], $0x9D00, $0x38;
	[tilespmem:$0xA2B0] =	vst v63  }
0x56: {  	_ =	swait.ge [sflag:s9], $0x9D00  }
0x57: {  	[sflag:s9] =	ssyncset.done $0x0  }
0x58: {  	[sflag:s9] =	ssyncadd.s32 $0xFFFF6300  }
0x59: {  	_ =	sfence.sel $0x180000  }
0x5a: {  	[bflag:$0x0] =	sbarrier.arrive $0xFFFF  }
0x5b: {  	p0 =	sne.s32 s1, $0x0;
	_ =	strace $0x9000004A  }
0x5c: {  	s0 =	sadd.s32 @!p0 $0x100000, s0;
	[bflag:$0x2] =	sbarrier.arrive $0xFFFF  }
0x5d: {  	[sflag:s0] =	ssyncadd.tile.s32 @!p0 $0x1;
	_ =	shalt  }
.Lfunc_end2:
_tile_overlayer_lowered:
.L_overlay_start_2:
0x5e: {  	(tag) =	ssettag $0x2  }
0x5f: {  	s0 =	rddreg [dreg:$0x0];
	s2 =	stileid.u32  }
0x60: {  	s1 =	rddreg [dreg:$0x1];
	p0 =	sne.s32 s2, $0x0  }
0x61: {  	s3 =	rddreg [dreg:$0x2];
	[bflag:$0x3] =	sbarrier.arrive $0xFFFF;
	s2 =	simm.s32 @!p0 $0x1C01  }
0x62: {  	[timem:s3], [sflag:s2] =	dma.local @!p0 [hbm:s0], s1  }
0x63: {  	s0 =	simm.s32 @!p0 $0x1  }
0x64: {  	_ =	swait.ge @!p0 [sflag:s0], s1  }
0x65: {  	s1 =	ssub.s32 @!p0 $0x0, s1;
	[sflag:s0] =	ssyncset.done @!p0 $0x0  }
0x66: {  	[sflag:s0] =	ssyncadd.s32 @!p0 s1  }
0x67: {  	[bflag:$0x3] =	sbarrier.arrive $0xFFFF  }
0x68: {  	_ =	shalt  }

</sc_bundles>
